<compile_context>
chip_gen: v7x
topology: tpu7x:2x2x1
jax: 0.10.2.dev20260603
libtpu: 0.0.44.dev20260713+nightly
codegen_flags: <defaults>
</compile_context>

<pallas_src>
import functools

import jax
import jax.numpy as jnp
from jax import lax
from jax.experimental import pallas as pl
from jax.experimental.pallas import tpu as pltpu
from jax.experimental.pallas import tpu_sc as plsc

B, S, D = 32, 4096, 768
K = S // 4
BS = 2048
NBLK = B * S // BS
RPB = S // BS

_I32_MIN = -2147483648
_I32_TOPMASK = 2147483647


def _stage1_body(x_ref, wt_ref, b_ref, q_ref):
    y = jax.lax.dot_general(wt_ref[...], x_ref[0],
                            (((1,), (1,)), ((), ())),
                            preferred_element_type=jnp.float32)
    l0 = y[0:1, :] + b_ref[0, 0]
    l1 = y[1:2, :] + b_ref[0, 1]
    score = l1 - l0
    m = jnp.maximum(l0, l1)
    lse = m + jnp.log(jnp.exp(l0 - m) + jnp.exp(l1 - m))
    lp0 = l0 - lse
    lp1 = l1 - lse
    ent = -(jnp.exp(lp0) * lp0 + jnp.exp(lp1) * lp1)
    q_ref[0] = jnp.concatenate(
        [score, lp0, lp1, ent, jnp.zeros((4, BS), jnp.float32)], axis=0)


_UNROLL = 16


def _sc_topk_body(q_hbm, act_hbm, lp_hbm, sc_v, p0_v, p1_v, key_v, act_v,
                  lpo_v, sem, sem_p):
    w = lax.axis_index("s") * 2 + lax.axis_index("c")

    copies = [
        pltpu.async_copy(q_hbm.at[2 * w, 0], sc_v.at[pl.ds(0, BS)], sem),
        pltpu.async_copy(q_hbm.at[2 * w + 1, 0], sc_v.at[pl.ds(BS, BS)], sem),
        pltpu.async_copy(q_hbm.at[2 * w, 1], p0_v.at[pl.ds(0, BS)], sem_p),
        pltpu.async_copy(q_hbm.at[2 * w + 1, 1], p0_v.at[pl.ds(BS, BS)],
                         sem_p),
        pltpu.async_copy(q_hbm.at[2 * w, 2], p1_v.at[pl.ds(0, BS)], sem_p),
        pltpu.async_copy(q_hbm.at[2 * w + 1, 2], p1_v.at[pl.ds(BS, BS)],
                         sem_p),
    ]
    copies[0].wait()
    copies[1].wait()

    def keys_body(j, carry):
        base = j * 16 * _UNROLL
        for u in range(_UNROLL):
            off = base + u * 16
            bits = lax.bitcast_convert_type(sc_v[pl.ds(off, 16)], jnp.int32)
            key_v[pl.ds(off, 16)] = jnp.where(
                bits < 0, bits ^ jnp.int32(_I32_TOPMASK), bits)
        return carry

    lax.fori_loop(0, S // (16 * _UNROLL), keys_body, jnp.int32(0))

    def count_matching(pred):
        def body(j, acc):
            base = j * 16 * _UNROLL
            for u in range(_UNROLL):
                k16 = key_v[pl.ds(base + u * 16, 16)]
                acc = acc + jnp.where(pred(k16, base + u * 16), 1, 0)
            return acc

        acc = lax.fori_loop(0, S // (16 * _UNROLL), body,
                            jnp.zeros((16,), jnp.int32))
        return jnp.sum(acc)

    def bit_body(i, carry):
        t_u, c_ge = carry
        cand = t_u | jnp.left_shift(jnp.int32(1), 31 - i)
        scand = cand ^ jnp.int32(_I32_MIN)
        cnt = count_matching(lambda k16, off: k16 >= scand)
        ok = cnt >= K
        return jnp.where(ok, cand, t_u), jnp.where(ok, cnt, c_ge)

    t_u, c_ge = lax.fori_loop(0, 32, bit_body,
                              (jnp.int32(0), jnp.int32(S)))
    thr = t_u ^ jnp.int32(_I32_MIN)

    c_gt = count_matching(lambda k16, off: k16 > thr)
    need = K - c_gt

    iota16 = lax.iota(jnp.int32, 16)

    def idx_descend():
        def idx_body(i, t_j):
            cand = t_j | jnp.left_shift(jnp.int32(1), 11 - i)
            cnt = count_matching(
                lambda k16, off: (k16 == thr) & (iota16 + off <= cand))
            return jnp.where(cnt <= need, cand, t_j)

        return lax.fori_loop(0, 12, idx_body, jnp.int32(0))

    t_j = lax.cond(c_ge - c_gt == need, lambda: jnp.int32(S), idx_descend)

    copies[2].wait()
    copies[3].wait()
    copies[4].wait()
    copies[5].wait()

    def fin_body(j, carry):
        base = j * 16 * _UNROLL
        for u in range(_UNROLL):
            off = base + u * 16
            k16 = key_v[pl.ds(off, 16)]
            m = (k16 > thr) | ((k16 == thr) & (iota16 + off <= t_j))
            act_v[pl.ds(off, 16)] = jnp.where(m, 1, 0)
            lpo_v[pl.ds(off, 16)] = jnp.where(
                m, p1_v[pl.ds(off, 16)], p0_v[pl.ds(off, 16)])
        return carry

    lax.fori_loop(0, S // (16 * _UNROLL), fin_body, jnp.int32(0))

    out_copies = [
        pltpu.async_copy(act_v, act_hbm.at[w], sem),
        pltpu.async_copy(lpo_v, lp_hbm.at[w], sem),
    ]
    out_copies[0].wait()
    out_copies[1].wait()


@jax.jit
def kernel(x, W, b):
    x3 = x.reshape(NBLK, BS, D)
    q = pl.pallas_call(
        _stage1_body,
        grid=(NBLK,),
        in_specs=[
            pl.BlockSpec((1, BS, D), lambda i: (i, 0, 0)),
            pl.BlockSpec((2, D), lambda i: (0, 0)),
            pl.BlockSpec((1, 2), lambda i: (0, 0)),
        ],
        out_specs=pl.BlockSpec((1, 8, BS), lambda i: (i, 0, 0)),
        out_shape=jax.ShapeDtypeStruct((NBLK, 8, BS), jnp.float32),
        compiler_params=pltpu.CompilerParams(
            dimension_semantics=("arbitrary",)),
    )(x3, W.T, b.reshape(1, 2))

    fdef = jax.ShapeDtypeStruct((B, S), jnp.float32)
    sc_topk = functools.partial(
        pl.kernel,
        mesh=plsc.VectorSubcoreMesh(core_axis_name="c", subcore_axis_name="s"),
        out_type=[jax.ShapeDtypeStruct((B, S), jnp.int32), fdef],
        compiler_params=pltpu.CompilerParams(needs_layout_passes=False),
        scratch_types=[
            pltpu.VMEM((S,), jnp.float32),
            pltpu.VMEM((S,), jnp.float32),
            pltpu.VMEM((S,), jnp.float32),
            pltpu.VMEM((S,), jnp.int32),
            pltpu.VMEM((S,), jnp.int32),
            pltpu.VMEM((S,), jnp.float32),
            pltpu.SemaphoreType.DMA,
            pltpu.SemaphoreType.DMA,
        ],
    )(_sc_topk_body)
    actions, log_probs = sc_topk(q)
    ent = q[:, 3, :].reshape(B, S)

    topk_log_probs = jnp.zeros((B, S), jnp.float32)
    return (actions, topk_log_probs, log_probs, ent)

# --- scband reference (transcript-rebuilt; emitter-appended) ---
"""Pipeline reference for scband-policy-32057635897690 (READ-ONLY COPY).

The authoritative reference and input builder live on the scoring server;
editing this copy changes nothing except your own understanding.
"""

import jax, jax.numpy as jnp
import numpy as np

B, S, D = 32, 4096, 768
TARGET_RATIO = 0.25


def setup_inputs(seed: int = 0) -> dict:
    key = jax.random.key(seed)
    kx, kw, kb = jax.random.split(key, 3)
    x = jax.random.normal(kx, (B, S, D), dtype=jnp.float32)
    # head: nn.Linear(d_model, 2) -> W stored as (D, 2) for x @ W + b
    W = jax.random.normal(kw, (D, 2), dtype=jnp.float32) * (1.0 / np.sqrt(D))
    b = jax.random.normal(kb, (2,), dtype=jnp.float32) * 0.01
    return {"x": x, "W": W, "b": b}


def reference(x, W, b):
    # forward: per-token [drop, keep] logits via the classification head
    logits = jnp.einsum("bsd,dc->bsc", x, W) + b  # (B, S, 2)

    # act_topk: deterministic top-K selection by keep-score ranking
    keep_scores = logits[:, :, 1] - logits[:, :, 0]  # (B, S)
    seq_len = keep_scores.shape[1]
    k = max(1, int(TARGET_RATIO * seq_len))
    _, topk_idx = jax.lax.top_k(keep_scores, k)  # (B, k)
    rows = jnp.arange(B)[:, None]
    actions = jnp.zeros((B, S), dtype=jnp.int32).at[rows, topk_idx].set(1)
    # act_topk returns zero log_probs
    topk_log_probs = jnp.zeros((B, S), dtype=jnp.float32)

    # evaluate_actions: Categorical log_prob + entropy of the taken actions
    logp = logits - jax.nn.logsumexp(logits, axis=-1, keepdims=True)  # (B, S, 2)
    log_probs = jnp.take_along_axis(logp, actions[..., None].astype(jnp.int64), axis=-1)[..., 0]
    p = jnp.exp(logp)
    entropy = -jnp.sum(p * logp, axis=-1)  # (B, S)

    return (actions, topk_log_probs, log_probs, entropy)

if __name__ == "__main__":
    import jax
    _d = setup_inputs()
    print(jax.jit(kernel)(*tuple(_d.values())))

</pallas_src>

<mosaic_0001>
#map = affine_map<(d0, d1) -> (0, 0, 0)>
#map1 = affine_map<(d0, d1) -> (0, 0)>
module attributes {stable_mosaic.version = 14 : i64} {
  func.func @_sc_topk_body(%arg0: i32, %arg1: i32, %arg2: memref<64x8x2048xf32, #tpu.memory_space<hbm>>, %arg3: memref<32x4096xi32, #tpu.memory_space<hbm>>, %arg4: memref<32x4096xf32, #tpu.memory_space<hbm>>, %arg5: memref<4096xf32, #tpu.memory_space<vmem>>, %arg6: memref<4096xf32, #tpu.memory_space<vmem>>, %arg7: memref<4096xf32, #tpu.memory_space<vmem>>, %arg8: memref<4096xi32, #tpu.memory_space<vmem>>, %arg9: memref<4096xi32, #tpu.memory_space<vmem>>, %arg10: memref<4096xf32, #tpu.memory_space<vmem>>, %arg11: memref<!tpu.dma_semaphore, #tpu.memory_space<semaphore_mem>>, %arg12: memref<!tpu.dma_semaphore, #tpu.memory_space<semaphore_mem>>) attributes {dimension_semantics = [#tpu.dimension_semantics<core_parallel>, #tpu.dimension_semantics<subcore_parallel>], iteration_bounds = array<i64: 2, 16>, scalar_prefetch = 0 : i64, scratch_operands = 8 : i64, tpu.core_type = #tpu.core_type<sc_vector_subcore>, window_params = [{transform_indices = #map}, {transform_indices = #map1}, {transform_indices = #map1}]} {
    %mul3A = arith.constant 2 : i32
    %mul3A_0 = arith.muli %arg1, %mul3A : i32
    %add3A = arith.addi %mul3A_0, %arg0 : i32
    %mul3A_1 = arith.constant 2 : i32
    %mul3A_2 = arith.muli %mul3A_1, %add3A : i32
    %dma_start3A = arith.constant 0 : i32
    %dma_start3A_3 = arith.constant 0 : i32
    %dma_start3A_4 = tpu.memref_slice %arg5[%dma_start3A_3] : memref<4096xf32, #tpu.memory_space<vmem>> -> memref<2048xf32, #tpu.memory_space<vmem>>
    %dma_start3A_5 = arith.constant 0 : i32
    %dma_start3A_6 = tpu.memref_slice %arg2[%mul3A_2, %dma_start3A, %dma_start3A_5] : memref<64x8x2048xf32, #tpu.memory_space<hbm>> -> memref<1x1x2048xf32, #tpu.memory_space<hbm>>
    %dma_start3A_7 = tpu.memref_squeeze %dma_start3A_6 : memref<1x1x2048xf32, #tpu.memory_space<hbm>> -> memref<2048xf32, #tpu.memory_space<hbm>>
    %dma_start3A_8 = arith.constant 0 : i32
    %dma_start3A_9 = tpu.memref_slice %arg5[%dma_start3A_8] : memref<4096xf32, #tpu.memory_space<vmem>> -> memref<2048xf32, #tpu.memory_space<vmem>>
    %dma_start3A_10 = arith.constant 0 : i32
    %dma_start3A_11 = tpu.memref_slice %arg2[%mul3A_2, %dma_start3A, %dma_start3A_10] : memref<64x8x2048xf32, #tpu.memory_space<hbm>> -> memref<1x1x2048xf32, #tpu.memory_space<hbm>>
    %dma_start3A_12 = tpu.memref_squeeze %dma_start3A_11 : memref<1x1x2048xf32, #tpu.memory_space<hbm>> -> memref<2048xf32, #tpu.memory_space<hbm>>
    tpu.enqueue_dma source(%dma_start3A_12 : memref<2048xf32, #tpu.memory_space<hbm>>) target(%dma_start3A_9 : memref<2048xf32, #tpu.memory_space<vmem>>) target_semaphore(%arg11 : memref<!tpu.dma_semaphore, #tpu.memory_space<semaphore_mem>>)
    %mul3A_13 = arith.constant 2 : i32
    %mul3A_14 = arith.muli %mul3A_13, %add3A : i32
    %add3A_15 = arith.constant 1 : i32
    %add3A_16 = arith.addi %mul3A_14, %add3A_15 : i32
    %dma_start3A_17 = arith.constant 0 : i32
    %dma_start3A_18 = arith.constant 2048 : i32
    %dma_start3A_19 = tpu.memref_slice %arg5[%dma_start3A_18] : memref<4096xf32, #tpu.memory_space<vmem>> -> memref<2048xf32, #tpu.memory_space<vmem>>
    %dma_start3A_20 = arith.constant 0 : i32
    %dma_start3A_21 = tpu.memref_slice %arg2[%add3A_16, %dma_start3A_17, %dma_start3A_20] : memref<64x8x2048xf32, #tpu.memory_space<hbm>> -> memref<1x1x2048xf32, #tpu.memory_space<hbm>>
    %dma_start3A_22 = tpu.memref_squeeze %dma_start3A_21 : memref<1x1x2048xf32, #tpu.memory_space<hbm>> -> memref<2048xf32, #tpu.memory_space<hbm>>
    %dma_start3A_23 = arith.constant 2048 : i32
    %dma_start3A_24 = tpu.memref_slice %arg5[%dma_start3A_23] : memref<4096xf32, #tpu.memory_space<vmem>> -> memref<2048xf32, #tpu.memory_space<vmem>>
    %dma_start3A_25 = arith.constant 0 : i32
    %dma_start3A_26 = tpu.memref_slice %arg2[%add3A_16, %dma_start3A_17, %dma_start3A_25] : memref<64x8x2048xf32, #tpu.memory_space<hbm>> -> memref<1x1x2048xf32, #tpu.memory_space<hbm>>
    %dma_start3A_27 = tpu.memref_squeeze %dma_start3A_26 : memref<1x1x2048xf32, #tpu.memory_space<hbm>> -> memref<2048xf32, #tpu.memory_space<hbm>>
    tpu.enqueue_dma source(%dma_start3A_27 : memref<2048xf32, #tpu.memory_space<hbm>>) target(%dma_start3A_24 : memref<2048xf32, #tpu.memory_space<vmem>>) target_semaphore(%arg11 : memref<!tpu.dma_semaphore, #tpu.memory_space<semaphore_mem>>)
    %mul3A_28 = arith.constant 2 : i32
    %mul3A_29 = arith.muli %mul3A_28, %add3A : i32
    %dma_start3A_30 = arith.constant 1 : i32
    %dma_start3A_31 = arith.constant 0 : i32
    %dma_start3A_32 = tpu.memref_slice %arg6[%dma_start3A_31] : memref<4096xf32, #tpu.memory_space<vmem>> -> memref<2048xf32, #tpu.memory_space<vmem>>
    %dma_start3A_33 = arith.constant 0 : i32
    %dma_start3A_34 = tpu.memref_slice %arg2[%mul3A_29, %dma_start3A_30, %dma_start3A_33] : memref<64x8x2048xf32, #tpu.memory_space<hbm>> -> memref<1x1x2048xf32, #tpu.memory_space<hbm>>
    %dma_start3A_35 = tpu.memref_squeeze %dma_start3A_34 : memref<1x1x2048xf32, #tpu.memory_space<hbm>> -> memref<2048xf32, #tpu.memory_space<hbm>>
    %dma_start3A_36 = arith.constant 0 : i32
    %dma_start3A_37 = tpu.memref_slice %arg6[%dma_start3A_36] : memref<4096xf32, #tpu.memory_space<vmem>> -> memref<2048xf32, #tpu.memory_space<vmem>>
    %dma_start3A_38 = arith.constant 0 : i32
    %dma_start3A_39 = tpu.memref_slice %arg2[%mul3A_29, %dma_start3A_30, %dma_start3A_38] : memref<64x8x2048xf32, #tpu.memory_space<hbm>> -> memref<1x1x2048xf32, #tpu.memory_space<hbm>>
    %dma_start3A_40 = tpu.memref_squeeze %dma_start3A_39 : memref<1x1x2048xf32, #tpu.memory_space<hbm>> -> memref<2048xf32, #tpu.memory_space<hbm>>
    tpu.enqueue_dma source(%dma_start3A_40 : memref<2048xf32, #tpu.memory_space<hbm>>) target(%dma_start3A_37 : memref<2048xf32, #tpu.memory_space<vmem>>) target_semaphore(%arg12 : memref<!tpu.dma_semaphore, #tpu.memory_space<semaphore_mem>>)
    %mul3A_41 = arith.constant 2 : i32
    %mul3A_42 = arith.muli %mul3A_41, %add3A : i32
    %add3A_43 = arith.constant 1 : i32
    %add3A_44 = arith.addi %mul3A_42, %add3A_43 : i32
    %dma_start3A_45 = arith.constant 1 : i32
    %dma_start3A_46 = arith.constant 2048 : i32
    %dma_start3A_47 = tpu.memref_slice %arg6[%dma_start3A_46] : memref<4096xf32, #tpu.memory_space<vmem>> -> memref<2048xf32, #tpu.memory_space<vmem>>
    %dma_start3A_48 = arith.constant 0 : i32
    %dma_start3A_49 = tpu.memref_slice %arg2[%add3A_44, %dma_start3A_45, %dma_start3A_48] : memref<64x8x2048xf32, #tpu.memory_space<hbm>> -> memref<1x1x2048xf32, #tpu.memory_space<hbm>>
    %dma_start3A_50 = tpu.memref_squeeze %dma_start3A_49 : memref<1x1x2048xf32, #tpu.memory_space<hbm>> -> memref<2048xf32, #tpu.memory_space<hbm>>
    %dma_start3A_51 = arith.constant 2048 : i32
    %dma_start3A_52 = tpu.memref_slice %arg6[%dma_start3A_51] : memref<4096xf32, #tpu.memory_space<vmem>> -> memref<2048xf32, #tpu.memory_space<vmem>>
    %dma_start3A_53 = arith.constant 0 : i32
    %dma_start3A_54 = tpu.memref_slice %arg2[%add3A_44, %dma_start3A_45, %dma_start3A_53] : memref<64x8x2048xf32, #tpu.memory_space<hbm>> -> memref<1x1x2048xf32, #tpu.memory_space<hbm>>
    %dma_start3A_55 = tpu.memref_squeeze %dma_start3A_54 : memref<1x1x2048xf32, #tpu.memory_space<hbm>> -> memref<2048xf32, #tpu.memory_space<hbm>>
    tpu.enqueue_dma source(%dma_start3A_55 : memref<2048xf32, #tpu.memory_space<hbm>>) target(%dma_start3A_52 : memref<2048xf32, #tpu.memory_space<vmem>>) target_semaphore(%arg12 : memref<!tpu.dma_semaphore, #tpu.memory_space<semaphore_mem>>)
    %mul3A_56 = arith.constant 2 : i32
    %mul3A_57 = arith.muli %mul3A_56, %add3A : i32
    %dma_start3A_58 = arith.constant 2 : i32
    %dma_start3A_59 = arith.constant 0 : i32
    %dma_start3A_60 = tpu.memref_slice %arg7[%dma_start3A_59] : memref<4096xf32, #tpu.memory_space<vmem>> -> memref<2048xf32, #tpu.memory_space<vmem>>
    %dma_start3A_61 = arith.constant 0 : i32
    %dma_start3A_62 = tpu.memref_slice %arg2[%mul3A_57, %dma_start3A_58, %dma_start3A_61] : memref<64x8x2048xf32, #tpu.memory_space<hbm>> -> memref<1x1x2048xf32, #tpu.memory_space<hbm>>
    %dma_start3A_63 = tpu.memref_squeeze %dma_start3A_62 : memref<1x1x2048xf32, #tpu.memory_space<hbm>> -> memref<2048xf32, #tpu.memory_space<hbm>>
    %dma_start3A_64 = arith.constant 0 : i32
    %dma_start3A_65 = tpu.memref_slice %arg7[%dma_start3A_64] : memref<4096xf32, #tpu.memory_space<vmem>> -> memref<2048xf32, #tpu.memory_space<vmem>>
    %dma_start3A_66 = arith.constant 0 : i32
    %dma_start3A_67 = tpu.memref_slice %arg2[%mul3A_57, %dma_start3A_58, %dma_start3A_66] : memref<64x8x2048xf32, #tpu.memory_space<hbm>> -> memref<1x1x2048xf32, #tpu.memory_space<hbm>>
    %dma_start3A_68 = tpu.memref_squeeze %dma_start3A_67 : memref<1x1x2048xf32, #tpu.memory_space<hbm>> -> memref<2048xf32, #tpu.memory_space<hbm>>
    tpu.enqueue_dma source(%dma_start3A_68 : memref<2048xf32, #tpu.memory_space<hbm>>) target(%dma_start3A_65 : memref<2048xf32, #tpu.memory_space<vmem>>) target_semaphore(%arg12 : memref<!tpu.dma_semaphore, #tpu.memory_space<semaphore_mem>>)
    %mul3A_69 = arith.constant 2 : i32
    %mul3A_70 = arith.muli %mul3A_69, %add3A : i32
    %add3A_71 = arith.constant 1 : i32
    %add3A_72 = arith.addi %mul3A_70, %add3A_71 : i32
    %dma_start3A_73 = arith.constant 2 : i32
    %dma_start3A_74 = arith.constant 2048 : i32
    %dma_start3A_75 = tpu.memref_slice %arg7[%dma_start3A_74] : memref<4096xf32, #tpu.memory_space<vmem>> -> memref<2048xf32, #tpu.memory_space<vmem>>
    %dma_start3A_76 = arith.constant 0 : i32
    %dma_start3A_77 = tpu.memref_slice %arg2[%add3A_72, %dma_start3A_73, %dma_start3A_76] : memref<64x8x2048xf32, #tpu.memory_space<hbm>> -> memref<1x1x2048xf32, #tpu.memory_space<hbm>>
    %dma_start3A_78 = tpu.memref_squeeze %dma_start3A_77 : memref<1x1x2048xf32, #tpu.memory_space<hbm>> -> memref<2048xf32, #tpu.memory_space<hbm>>
    %dma_start3A_79 = arith.constant 2048 : i32
    %dma_start3A_80 = tpu.memref_slice %arg7[%dma_start3A_79] : memref<4096xf32, #tpu.memory_space<vmem>> -> memref<2048xf32, #tpu.memory_space<vmem>>
    %dma_start3A_81 = arith.constant 0 : i32
    %dma_start3A_82 = tpu.memref_slice %arg2[%add3A_72, %dma_start3A_73, %dma_start3A_81] : memref<64x8x2048xf32, #tpu.memory_space<hbm>> -> memref<1x1x2048xf32, #tpu.memory_space<hbm>>
    %dma_start3A_83 = tpu.memref_squeeze %dma_start3A_82 : memref<1x1x2048xf32, #tpu.memory_space<hbm>> -> memref<2048xf32, #tpu.memory_space<hbm>>
    tpu.enqueue_dma source(%dma_start3A_83 : memref<2048xf32, #tpu.memory_space<hbm>>) target(%dma_start3A_80 : memref<2048xf32, #tpu.memory_space<vmem>>) target_semaphore(%arg12 : memref<!tpu.dma_semaphore, #tpu.memory_space<semaphore_mem>>)
    %dma_wait3A = arith.constant 0 : i32
    %dma_wait3A_84 = arith.constant 0 : i32
    %dma_wait3A_85 = tpu.memref_slice %arg5[%dma_wait3A_84] : memref<4096xf32, #tpu.memory_space<vmem>> -> memref<2048xf32, #tpu.memory_space<vmem>>
    %dma_wait3A_86 = arith.constant 0 : i32
    %dma_wait3A_87 = tpu.memref_slice %arg2[%mul3A_2, %dma_wait3A, %dma_wait3A_86] : memref<64x8x2048xf32, #tpu.memory_space<hbm>> -> memref<1x1x2048xf32, #tpu.memory_space<hbm>>
    %dma_wait3A_88 = tpu.memref_squeeze %dma_wait3A_87 : memref<1x1x2048xf32, #tpu.memory_space<hbm>> -> memref<2048xf32, #tpu.memory_space<hbm>>
    %dma_wait3A_89 = arith.constant 0 : i32
    %dma_wait3A_90 = tpu.memref_slice %arg5[%dma_wait3A_89] : memref<4096xf32, #tpu.memory_space<vmem>> -> memref<2048xf32, #tpu.memory_space<vmem>>
    %dma_wait3A_91 = arith.constant 0 : i32
    %dma_wait3A_92 = tpu.memref_slice %arg2[%mul3A_2, %dma_wait3A, %dma_wait3A_91] : memref<64x8x2048xf32, #tpu.memory_space<hbm>> -> memref<1x1x2048xf32, #tpu.memory_space<hbm>>
    %dma_wait3A_93 = tpu.memref_squeeze %dma_wait3A_92 : memref<1x1x2048xf32, #tpu.memory_space<hbm>> -> memref<2048xf32, #tpu.memory_space<hbm>>
    tpu.wait_dma2 semaphore(%arg11 : memref<!tpu.dma_semaphore, #tpu.memory_space<semaphore_mem>>) src(%dma_wait3A_93 : memref<2048xf32, #tpu.memory_space<hbm>>) dst(%dma_wait3A_90 : memref<2048xf32, #tpu.memory_space<vmem>>)
    %dma_wait3A_94 = arith.constant 0 : i32
    %dma_wait3A_95 = arith.constant 2048 : i32
    %dma_wait3A_96 = tpu.memref_slice %arg5[%dma_wait3A_95] : memref<4096xf32, #tpu.memory_space<vmem>> -> memref<2048xf32, #tpu.memory_space<vmem>>
    %dma_wait3A_97 = arith.constant 0 : i32
    %dma_wait3A_98 = tpu.memref_slice %arg2[%add3A_16, %dma_wait3A_94, %dma_wait3A_97] : memref<64x8x2048xf32, #tpu.memory_space<hbm>> -> memref<1x1x2048xf32, #tpu.memory_space<hbm>>
    %dma_wait3A_99 = tpu.memref_squeeze %dma_wait3A_98 : memref<1x1x2048xf32, #tpu.memory_space<hbm>> -> memref<2048xf32, #tpu.memory_space<hbm>>
    %dma_wait3A_100 = arith.constant 2048 : i32
    %dma_wait3A_101 = tpu.memref_slice %arg5[%dma_wait3A_100] : memref<4096xf32, #tpu.memory_space<vmem>> -> memref<2048xf32, #tpu.memory_space<vmem>>
    %dma_wait3A_102 = arith.constant 0 : i32
    %dma_wait3A_103 = tpu.memref_slice %arg2[%add3A_16, %dma_wait3A_94, %dma_wait3A_102] : memref<64x8x2048xf32, #tpu.memory_space<hbm>> -> memref<1x1x2048xf32, #tpu.memory_space<hbm>>
    %dma_wait3A_104 = tpu.memref_squeeze %dma_wait3A_103 : memref<1x1x2048xf32, #tpu.memory_space<hbm>> -> memref<2048xf32, #tpu.memory_space<hbm>>
    tpu.wait_dma2 semaphore(%arg11 : memref<!tpu.dma_semaphore, #tpu.memory_space<semaphore_mem>>) src(%dma_wait3A_104 : memref<2048xf32, #tpu.memory_space<hbm>>) dst(%dma_wait3A_101 : memref<2048xf32, #tpu.memory_space<vmem>>)
    %scan3A = arith.constant 0 : i32
    %scan3A_105 = arith.constant 0 : i32
    %scan3A_106 = arith.constant 16 : i32
    %scan3A_107 = arith.addi %scan3A_105, %scan3A_106 : i32
    %scan3A_108 = arith.constant 1 : i32
    scf.for %scan3A_207 = %scan3A_105 to %scan3A_107 step %scan3A_108  : i32 {
      %mul3A_208 = arith.constant 16 : i32
      %mul3A_209 = arith.muli %scan3A_207, %mul3A_208 : i32
      %mul3A_210 = arith.constant 16 : i32
      %mul3A_211 = arith.muli %mul3A_209, %mul3A_210 : i32
      %add3A_212 = arith.constant 0 : i32
      %add3A_213 = arith.addi %mul3A_211, %add3A_212 : i32
      %get3A = arith.index_cast %add3A_213 : i32 to index
      %get3A_214 = tpu.vector_load %arg5[%get3A] {strides = array<i32>} : memref<4096xf32, #tpu.memory_space<vmem>>, vector<16xf32>,
      %bitcast_convert_type3A = tpu.bitcast %get3A_214 : vector<16xf32> -> vector<16xi32>
      %lt3A = arith.constant 0 : i32
      %lt3A_215 = vector.broadcast %lt3A : i32 to vector<16xi32>
      %lt3A_216 = arith.cmpi slt, %bitcast_convert_type3A, %lt3A_215 : vector<16xi32>
      %xor3A_217 = arith.constant 2147483647 : i32
      %xor3A_218 = vector.broadcast %xor3A_217 : i32 to vector<16xi32>
      %xor3A_219 = arith.xori %bitcast_convert_type3A, %xor3A_218 : vector<16xi32>
      %select_n3A = arith.select %lt3A_216, %xor3A_219, %bitcast_convert_type3A : vector<16xi1>, vector<16xi32>
      %swap3A = arith.index_cast %add3A_213 : i32 to index
      %swap3A_220 = tpu.vector_load %arg8[%swap3A] {strides = array<i32>} : memref<4096xi32, #tpu.memory_space<vmem>>, vector<16xi32>,
      tpu.vector_store %arg8[%swap3A], %select_n3A {strides = array<i32>} : memref<4096xi32, #tpu.memory_space<vmem>>, vector<16xi32>,
      %add3A_221 = arith.constant 16 : i32
      %add3A_222 = arith.addi %mul3A_211, %add3A_221 : i32
      %get3A_223 = arith.index_cast %add3A_222 : i32 to index
      %get3A_224 = tpu.vector_load %arg5[%get3A_223] {strides = array<i32>} : memref<4096xf32, #tpu.memory_space<vmem>>, vector<16xf32>,
      %bitcast_convert_type3A_225 = tpu.bitcast %get3A_224 : vector<16xf32> -> vector<16xi32>
      %lt3A_226 = arith.constant 0 : i32
      %lt3A_227 = vector.broadcast %lt3A_226 : i32 to vector<16xi32>
      %lt3A_228 = arith.cmpi slt, %bitcast_convert_type3A_225, %lt3A_227 : vector<16xi32>
      %xor3A_229 = arith.constant 2147483647 : i32
      %xor3A_230 = vector.broadcast %xor3A_229 : i32 to vector<16xi32>
      %xor3A_231 = arith.xori %bitcast_convert_type3A_225, %xor3A_230 : vector<16xi32>
      %select_n3A_232 = arith.select %lt3A_228, %xor3A_231, %bitcast_convert_type3A_225 : vector<16xi1>, vector<16xi32>
      %swap3A_233 = arith.index_cast %add3A_222 : i32 to index
      %swap3A_234 = tpu.vector_load %arg8[%swap3A_233] {strides = array<i32>} : memref<4096xi32, #tpu.memory_space<vmem>>, vector<16xi32>,
      tpu.vector_store %arg8[%swap3A_233], %select_n3A_232 {strides = array<i32>} : memref<4096xi32, #tpu.memory_space<vmem>>, vector<16xi32>,
      %add3A_235 = arith.constant 32 : i32
      %add3A_236 = arith.addi %mul3A_211, %add3A_235 : i32
      %get3A_237 = arith.index_cast %add3A_236 : i32 to index
      %get3A_238 = tpu.vector_load %arg5[%get3A_237] {strides = array<i32>} : memref<4096xf32, #tpu.memory_space<vmem>>, vector<16xf32>,
      %bitcast_convert_type3A_239 = tpu.bitcast %get3A_238 : vector<16xf32> -> vector<16xi32>
      %lt3A_240 = arith.constant 0 : i32
      %lt3A_241 = vector.broadcast %lt3A_240 : i32 to vector<16xi32>
      %lt3A_242 = arith.cmpi slt, %bitcast_convert_type3A_239, %lt3A_241 : vector<16xi32>
      %xor3A_243 = arith.constant 2147483647 : i32
      %xor3A_244 = vector.broadcast %xor3A_243 : i32 to vector<16xi32>
      %xor3A_245 = arith.xori %bitcast_convert_type3A_239, %xor3A_244 : vector<16xi32>
      %select_n3A_246 = arith.select %lt3A_242, %xor3A_245, %bitcast_convert_type3A_239 : vector<16xi1>, vector<16xi32>
      %swap3A_247 = arith.index_cast %add3A_236 : i32 to index
      %swap3A_248 = tpu.vector_load %arg8[%swap3A_247] {strides = array<i32>} : memref<4096xi32, #tpu.memory_space<vmem>>, vector<16xi32>,
      tpu.vector_store %arg8[%swap3A_247], %select_n3A_246 {strides = array<i32>} : memref<4096xi32, #tpu.memory_space<vmem>>, vector<16xi32>,
      %add3A_249 = arith.constant 48 : i32
      %add3A_250 = arith.addi %mul3A_211, %add3A_249 : i32
      %get3A_251 = arith.index_cast %add3A_250 : i32 to index
      %get3A_252 = tpu.vector_load %arg5[%get3A_251] {strides = array<i32>} : memref<4096xf32, #tpu.memory_space<vmem>>, vector<16xf32>,
      %bitcast_convert_type3A_253 = tpu.bitcast %get3A_252 : vector<16xf32> -> vector<16xi32>
      %lt3A_254 = arith.constant 0 : i32
      %lt3A_255 = vector.broadcast %lt3A_254 : i32 to vector<16xi32>
      %lt3A_256 = arith.cmpi slt, %bitcast_convert_type3A_253, %lt3A_255 : vector<16xi32>
      %xor3A_257 = arith.constant 2147483647 : i32
      %xor3A_258 = vector.broadcast %xor3A_257 : i32 to vector<16xi32>
      %xor3A_259 = arith.xori %bitcast_convert_type3A_253, %xor3A_258 : vector<16xi32>
      %select_n3A_260 = arith.select %lt3A_256, %xor3A_259, %bitcast_convert_type3A_253 : vector<16xi1>, vector<16xi32>
      %swap3A_261 = arith.index_cast %add3A_250 : i32 to index
      %swap3A_262 = tpu.vector_load %arg8[%swap3A_261] {strides = array<i32>} : memref<4096xi32, #tpu.memory_space<vmem>>, vector<16xi32>,
      tpu.vector_store %arg8[%swap3A_261], %select_n3A_260 {strides = array<i32>} : memref<4096xi32, #tpu.memory_space<vmem>>, vector<16xi32>,
      %add3A_263 = arith.constant 64 : i32
      %add3A_264 = arith.addi %mul3A_211, %add3A_263 : i32
      %get3A_265 = arith.index_cast %add3A_264 : i32 to index
      %get3A_266 = tpu.vector_load %arg5[%get3A_265] {strides = array<i32>} : memref<4096xf32, #tpu.memory_space<vmem>>, vector<16xf32>,
      %bitcast_convert_type3A_267 = tpu.bitcast %get3A_266 : vector<16xf32> -> vector<16xi32>
      %lt3A_268 = arith.constant 0 : i32
      %lt3A_269 = vector.broadcast %lt3A_268 : i32 to vector<16xi32>
      %lt3A_270 = arith.cmpi slt, %bitcast_convert_type3A_267, %lt3A_269 : vector<16xi32>
      %xor3A_271 = arith.constant 2147483647 : i32
      %xor3A_272 = vector.broadcast %xor3A_271 : i32 to vector<16xi32>
      %xor3A_273 = arith.xori %bitcast_convert_type3A_267, %xor3A_272 : vector<16xi32>
      %select_n3A_274 = arith.select %lt3A_270, %xor3A_273, %bitcast_convert_type3A_267 : vector<16xi1>, vector<16xi32>
      %swap3A_275 = arith.index_cast %add3A_264 : i32 to index
      %swap3A_276 = tpu.vector_load %arg8[%swap3A_275] {strides = array<i32>} : memref<4096xi32, #tpu.memory_space<vmem>>, vector<16xi32>,
      tpu.vector_store %arg8[%swap3A_275], %select_n3A_274 {strides = array<i32>} : memref<4096xi32, #tpu.memory_space<vmem>>, vector<16xi32>,
      %add3A_277 = arith.constant 80 : i32
      %add3A_278 = arith.addi %mul3A_211, %add3A_277 : i32
      %get3A_279 = arith.index_cast %add3A_278 : i32 to index
      %get3A_280 = tpu.vector_load %arg5[%get3A_279] {strides = array<i32>} : memref<4096xf32, #tpu.memory_space<vmem>>, vector<16xf32>,
      %bitcast_convert_type3A_281 = tpu.bitcast %get3A_280 : vector<16xf32> -> vector<16xi32>
      %lt3A_282 = arith.constant 0 : i32
      %lt3A_283 = vector.broadcast %lt3A_282 : i32 to vector<16xi32>
      %lt3A_284 = arith.cmpi slt, %bitcast_convert_type3A_281, %lt3A_283 : vector<16xi32>
      %xor3A_285 = arith.constant 2147483647 : i32
      %xor3A_286 = vector.broadcast %xor3A_285 : i32 to vector<16xi32>
      %xor3A_287 = arith.xori %bitcast_convert_type3A_281, %xor3A_286 : vector<16xi32>
      %select_n3A_288 = arith.select %lt3A_284, %xor3A_287, %bitcast_convert_type3A_281 : vector<16xi1>, vector<16xi32>
      %swap3A_289 = arith.index_cast %add3A_278 : i32 to index
      %swap3A_290 = tpu.vector_load %arg8[%swap3A_289] {strides = array<i32>} : memref<4096xi32, #tpu.memory_space<vmem>>, vector<16xi32>,
      tpu.vector_store %arg8[%swap3A_289], %select_n3A_288 {strides = array<i32>} : memref<4096xi32, #tpu.memory_space<vmem>>, vector<16xi32>,
      %add3A_291 = arith.constant 96 : i32
      %add3A_292 = arith.addi %mul3A_211, %add3A_291 : i32
      %get3A_293 = arith.index_cast %add3A_292 : i32 to index
      %get3A_294 = tpu.vector_load %arg5[%get3A_293] {strides = array<i32>} : memref<4096xf32, #tpu.memory_space<vmem>>, vector<16xf32>,
      %bitcast_convert_type3A_295 = tpu.bitcast %get3A_294 : vector<16xf32> -> vector<16xi32>
      %lt3A_296 = arith.constant 0 : i32
      %lt3A_297 = vector.broadcast %lt3A_296 : i32 to vector<16xi32>
      %lt3A_298 = arith.cmpi slt, %bitcast_convert_type3A_295, %lt3A_297 : vector<16xi32>
      %xor3A_299 = arith.constant 2147483647 : i32
      %xor3A_300 = vector.broadcast %xor3A_299 : i32 to vector<16xi32>
      %xor3A_301 = arith.xori %bitcast_convert_type3A_295, %xor3A_300 : vector<16xi32>
      %select_n3A_302 = arith.select %lt3A_298, %xor3A_301, %bitcast_convert_type3A_295 : vector<16xi1>, vector<16xi32>
      %swap3A_303 = arith.index_cast %add3A_292 : i32 to index
      %swap3A_304 = tpu.vector_load %arg8[%swap3A_303] {strides = array<i32>} : memref<4096xi32, #tpu.memory_space<vmem>>, vector<16xi32>,
      tpu.vector_store %arg8[%swap3A_303], %select_n3A_302 {strides = array<i32>} : memref<4096xi32, #tpu.memory_space<vmem>>, vector<16xi32>,
      %add3A_305 = arith.constant 112 : i32
      %add3A_306 = arith.addi %mul3A_211, %add3A_305 : i32
      %get3A_307 = arith.index_cast %add3A_306 : i32 to index
      %get3A_308 = tpu.vector_load %arg5[%get3A_307] {strides = array<i32>} : memref<4096xf32, #tpu.memory_space<vmem>>, vector<16xf32>,
      %bitcast_convert_type3A_309 = tpu.bitcast %get3A_308 : vector<16xf32> -> vector<16xi32>
      %lt3A_310 = arith.constant 0 : i32
      %lt3A_311 = vector.broadcast %lt3A_310 : i32 to vector<16xi32>
      %lt3A_312 = arith.cmpi slt, %bitcast_convert_type3A_309, %lt3A_311 : vector<16xi32>
      %xor3A_313 = arith.constant 2147483647 : i32
      %xor3A_314 = vector.broadcast %xor3A_313 : i32 to vector<16xi32>
      %xor3A_315 = arith.xori %bitcast_convert_type3A_309, %xor3A_314 : vector<16xi32>
      %select_n3A_316 = arith.select %lt3A_312, %xor3A_315, %bitcast_convert_type3A_309 : vector<16xi1>, vector<16xi32>
      %swap3A_317 = arith.index_cast %add3A_306 : i32 to index
      %swap3A_318 = tpu.vector_load %arg8[%swap3A_317] {strides = array<i32>} : memref<4096xi32, #tpu.memory_space<vmem>>, vector<16xi32>,
      tpu.vector_store %arg8[%swap3A_317], %select_n3A_316 {strides = array<i32>} : memref<4096xi32, #tpu.memory_space<vmem>>, vector<16xi32>,
      %add3A_319 = arith.constant 128 : i32
      %add3A_320 = arith.addi %mul3A_211, %add3A_319 : i32
      %get3A_321 = arith.index_cast %add3A_320 : i32 to index
      %get3A_322 = tpu.vector_load %arg5[%get3A_321] {strides = array<i32>} : memref<4096xf32, #tpu.memory_space<vmem>>, vector<16xf32>,
      %bitcast_convert_type3A_323 = tpu.bitcast %get3A_322 : vector<16xf32> -> vector<16xi32>
      %lt3A_324 = arith.constant 0 : i32
      %lt3A_325 = vector.broadcast %lt3A_324 : i32 to vector<16xi32>
      %lt3A_326 = arith.cmpi slt, %bitcast_convert_type3A_323, %lt3A_325 : vector<16xi32>
      %xor3A_327 = arith.constant 2147483647 : i32
      %xor3A_328 = vector.broadcast %xor3A_327 : i32 to vector<16xi32>
      %xor3A_329 = arith.xori %bitcast_convert_type3A_323, %xor3A_328 : vector<16xi32>
      %select_n3A_330 = arith.select %lt3A_326, %xor3A_329, %bitcast_convert_type3A_323 : vector<16xi1>, vector<16xi32>
      %swap3A_331 = arith.index_cast %add3A_320 : i32 to index
      %swap3A_332 = tpu.vector_load %arg8[%swap3A_331] {strides = array<i32>} : memref<4096xi32, #tpu.memory_space<vmem>>, vector<16xi32>,
      tpu.vector_store %arg8[%swap3A_331], %select_n3A_330 {strides = array<i32>} : memref<4096xi32, #tpu.memory_space<vmem>>, vector<16xi32>,
      %add3A_333 = arith.constant 144 : i32
      %add3A_334 = arith.addi %mul3A_211, %add3A_333 : i32
      %get3A_335 = arith.index_cast %add3A_334 : i32 to index
      %get3A_336 = tpu.vector_load %arg5[%get3A_335] {strides = array<i32>} : memref<4096xf32, #tpu.memory_space<vmem>>, vector<16xf32>,
      %bitcast_convert_type3A_337 = tpu.bitcast %get3A_336 : vector<16xf32> -> vector<16xi32>
      %lt3A_338 = arith.constant 0 : i32
      %lt3A_339 = vector.broadcast %lt3A_338 : i32 to vector<16xi32>
      %lt3A_340 = arith.cmpi slt, %bitcast_convert_type3A_337, %lt3A_339 : vector<16xi32>
      %xor3A_341 = arith.constant 2147483647 : i32
      %xor3A_342 = vector.broadcast %xor3A_341 : i32 to vector<16xi32>
      %xor3A_343 = arith.xori %bitcast_convert_type3A_337, %xor3A_342 : vector<16xi32>
      %select_n3A_344 = arith.select %lt3A_340, %xor3A_343, %bitcast_convert_type3A_337 : vector<16xi1>, vector<16xi32>
      %swap3A_345 = arith.index_cast %add3A_334 : i32 to index
      %swap3A_346 = tpu.vector_load %arg8[%swap3A_345] {strides = array<i32>} : memref<4096xi32, #tpu.memory_space<vmem>>, vector<16xi32>,
      tpu.vector_store %arg8[%swap3A_345], %select_n3A_344 {strides = array<i32>} : memref<4096xi32, #tpu.memory_space<vmem>>, vector<16xi32>,
      %add3A_347 = arith.constant 160 : i32
      %add3A_348 = arith.addi %mul3A_211, %add3A_347 : i32
      %get3A_349 = arith.index_cast %add3A_348 : i32 to index
      %get3A_350 = tpu.vector_load %arg5[%get3A_349] {strides = array<i32>} : memref<4096xf32, #tpu.memory_space<vmem>>, vector<16xf32>,
      %bitcast_convert_type3A_351 = tpu.bitcast %get3A_350 : vector<16xf32> -> vector<16xi32>
      %lt3A_352 = arith.constant 0 : i32
      %lt3A_353 = vector.broadcast %lt3A_352 : i32 to vector<16xi32>
      %lt3A_354 = arith.cmpi slt, %bitcast_convert_type3A_351, %lt3A_353 : vector<16xi32>
      %xor3A_355 = arith.constant 2147483647 : i32
      %xor3A_356 = vector.broadcast %xor3A_355 : i32 to vector<16xi32>
      %xor3A_357 = arith.xori %bitcast_convert_type3A_351, %xor3A_356 : vector<16xi32>
      %select_n3A_358 = arith.select %lt3A_354, %xor3A_357, %bitcast_convert_type3A_351 : vector<16xi1>, vector<16xi32>
      %swap3A_359 = arith.index_cast %add3A_348 : i32 to index
      %swap3A_360 = tpu.vector_load %arg8[%swap3A_359] {strides = array<i32>} : memref<4096xi32, #tpu.memory_space<vmem>>, vector<16xi32>,
      tpu.vector_store %arg8[%swap3A_359], %select_n3A_358 {strides = array<i32>} : memref<4096xi32, #tpu.memory_space<vmem>>, vector<16xi32>,
      %add3A_361 = arith.constant 176 : i32
      %add3A_362 = arith.addi %mul3A_211, %add3A_361 : i32
      %get3A_363 = arith.index_cast %add3A_362 : i32 to index
      %get3A_364 = tpu.vector_load %arg5[%get3A_363] {strides = array<i32>} : memref<4096xf32, #tpu.memory_space<vmem>>, vector<16xf32>,
      %bitcast_convert_type3A_365 = tpu.bitcast %get3A_364 : vector<16xf32> -> vector<16xi32>
      %lt3A_366 = arith.constant 0 : i32
      %lt3A_367 = vector.broadcast %lt3A_366 : i32 to vector<16xi32>
      %lt3A_368 = arith.cmpi slt, %bitcast_convert_type3A_365, %lt3A_367 : vector<16xi32>
      %xor3A_369 = arith.constant 2147483647 : i32
      %xor3A_370 = vector.broadcast %xor3A_369 : i32 to vector<16xi32>
      %xor3A_371 = arith.xori %bitcast_convert_type3A_365, %xor3A_370 : vector<16xi32>
      %select_n3A_372 = arith.select %lt3A_368, %xor3A_371, %bitcast_convert_type3A_365 : vector<16xi1>, vector<16xi32>
      %swap3A_373 = arith.index_cast %add3A_362 : i32 to index
      %swap3A_374 = tpu.vector_load %arg8[%swap3A_373] {strides = array<i32>} : memref<4096xi32, #tpu.memory_space<vmem>>, vector<16xi32>,
      tpu.vector_store %arg8[%swap3A_373], %select_n3A_372 {strides = array<i32>} : memref<4096xi32, #tpu.memory_space<vmem>>, vector<16xi32>,
      %add3A_375 = arith.constant 192 : i32
      %add3A_376 = arith.addi %mul3A_211, %add3A_375 : i32
      %get3A_377 = arith.index_cast %add3A_376 : i32 to index
      %get3A_378 = tpu.vector_load %arg5[%get3A_377] {strides = array<i32>} : memref<4096xf32, #tpu.memory_space<vmem>>, vector<16xf32>,
      %bitcast_convert_type3A_379 = tpu.bitcast %get3A_378 : vector<16xf32> -> vector<16xi32>
      %lt3A_380 = arith.constant 0 : i32
      %lt3A_381 = vector.broadcast %lt3A_380 : i32 to vector<16xi32>
      %lt3A_382 = arith.cmpi slt, %bitcast_convert_type3A_379, %lt3A_381 : vector<16xi32>
      %xor3A_383 = arith.constant 2147483647 : i32
      %xor3A_384 = vector.broadcast %xor3A_383 : i32 to vector<16xi32>
      %xor3A_385 = arith.xori %bitcast_convert_type3A_379, %xor3A_384 : vector<16xi32>
      %select_n3A_386 = arith.select %lt3A_382, %xor3A_385, %bitcast_convert_type3A_379 : vector<16xi1>, vector<16xi32>
      %swap3A_387 = arith.index_cast %add3A_376 : i32 to index
      %swap3A_388 = tpu.vector_load %arg8[%swap3A_387] {strides = array<i32>} : memref<4096xi32, #tpu.memory_space<vmem>>, vector<16xi32>,
      tpu.vector_store %arg8[%swap3A_387], %select_n3A_386 {strides = array<i32>} : memref<4096xi32, #tpu.memory_space<vmem>>, vector<16xi32>,
      %add3A_389 = arith.constant 208 : i32
      %add3A_390 = arith.addi %mul3A_211, %add3A_389 : i32
      %get3A_391 = arith.index_cast %add3A_390 : i32 to index
      %get3A_392 = tpu.vector_load %arg5[%get3A_391] {strides = array<i32>} : memref<4096xf32, #tpu.memory_space<vmem>>, vector<16xf32>,
      %bitcast_convert_type3A_393 = tpu.bitcast %get3A_392 : vector<16xf32> -> vector<16xi32>
      %lt3A_394 = arith.constant 0 : i32
      %lt3A_395 = vector.broadcast %lt3A_394 : i32 to vector<16xi32>
      %lt3A_396 = arith.cmpi slt, %bitcast_convert_type3A_393, %lt3A_395 : vector<16xi32>
      %xor3A_397 = arith.constant 2147483647 : i32
      %xor3A_398 = vector.broadcast %xor3A_397 : i32 to vector<16xi32>
      %xor3A_399 = arith.xori %bitcast_convert_type3A_393, %xor3A_398 : vector<16xi32>
      %select_n3A_400 = arith.select %lt3A_396, %xor3A_399, %bitcast_convert_type3A_393 : vector<16xi1>, vector<16xi32>
      %swap3A_401 = arith.index_cast %add3A_390 : i32 to index
      %swap3A_402 = tpu.vector_load %arg8[%swap3A_401] {strides = array<i32>} : memref<4096xi32, #tpu.memory_space<vmem>>, vector<16xi32>,
      tpu.vector_store %arg8[%swap3A_401], %select_n3A_400 {strides = array<i32>} : memref<4096xi32, #tpu.memory_space<vmem>>, vector<16xi32>,
      %add3A_403 = arith.constant 224 : i32
      %add3A_404 = arith.addi %mul3A_211, %add3A_403 : i32
      %get3A_405 = arith.index_cast %add3A_404 : i32 to index
      %get3A_406 = tpu.vector_load %arg5[%get3A_405] {strides = array<i32>} : memref<4096xf32, #tpu.memory_space<vmem>>, vector<16xf32>,
      %bitcast_convert_type3A_407 = tpu.bitcast %get3A_406 : vector<16xf32> -> vector<16xi32>
      %lt3A_408 = arith.constant 0 : i32
      %lt3A_409 = vector.broadcast %lt3A_408 : i32 to vector<16xi32>
      %lt3A_410 = arith.cmpi slt, %bitcast_convert_type3A_407, %lt3A_409 : vector<16xi32>
      %xor3A_411 = arith.constant 2147483647 : i32
      %xor3A_412 = vector.broadcast %xor3A_411 : i32 to vector<16xi32>
      %xor3A_413 = arith.xori %bitcast_convert_type3A_407, %xor3A_412 : vector<16xi32>
      %select_n3A_414 = arith.select %lt3A_410, %xor3A_413, %bitcast_convert_type3A_407 : vector<16xi1>, vector<16xi32>
      %swap3A_415 = arith.index_cast %add3A_404 : i32 to index
      %swap3A_416 = tpu.vector_load %arg8[%swap3A_415] {strides = array<i32>} : memref<4096xi32, #tpu.memory_space<vmem>>, vector<16xi32>,
      tpu.vector_store %arg8[%swap3A_415], %select_n3A_414 {strides = array<i32>} : memref<4096xi32, #tpu.memory_space<vmem>>, vector<16xi32>,
      %add3A_417 = arith.constant 240 : i32
      %add3A_418 = arith.addi %mul3A_211, %add3A_417 : i32
      %get3A_419 = arith.index_cast %add3A_418 : i32 to index
      %get3A_420 = tpu.vector_load %arg5[%get3A_419] {strides = array<i32>} : memref<4096xf32, #tpu.memory_space<vmem>>, vector<16xf32>,
      %bitcast_convert_type3A_421 = tpu.bitcast %get3A_420 : vector<16xf32> -> vector<16xi32>
      %lt3A_422 = arith.constant 0 : i32
      %lt3A_423 = vector.broadcast %lt3A_422 : i32 to vector<16xi32>
      %lt3A_424 = arith.cmpi slt, %bitcast_convert_type3A_421, %lt3A_423 : vector<16xi32>
      %xor3A_425 = arith.constant 2147483647 : i32
      %xor3A_426 = vector.broadcast %xor3A_425 : i32 to vector<16xi32>
      %xor3A_427 = arith.xori %bitcast_convert_type3A_421, %xor3A_426 : vector<16xi32>
      %select_n3A_428 = arith.select %lt3A_424, %xor3A_427, %bitcast_convert_type3A_421 : vector<16xi1>, vector<16xi32>
      %swap3A_429 = arith.index_cast %add3A_418 : i32 to index
      %swap3A_430 = tpu.vector_load %arg8[%swap3A_429] {strides = array<i32>} : memref<4096xi32, #tpu.memory_space<vmem>>, vector<16xi32>,
      tpu.vector_store %arg8[%swap3A_429], %select_n3A_428 {strides = array<i32>} : memref<4096xi32, #tpu.memory_space<vmem>>, vector<16xi32>,
    }
    %scan3A_109 = arith.constant 16 : i32
    %scan3A_110 = arith.constant 0 : i32
    %scan3A_111 = arith.constant 4096 : i32
    %scan3A_112 = arith.constant 0 : i32
    %scan3A_113 = arith.constant 32 : i32
    %scan3A_114 = arith.addi %scan3A_112, %scan3A_113 : i32
    %scan3A_115 = arith.constant 1 : i32
    %scan3A_116:2 = scf.for %scan3A_207 = %scan3A_112 to %scan3A_114 step %scan3A_115 iter_args(%scan3A_208 = %scan3A_110, %scan3A_209 = %scan3A_111) -> (i32, i32)  : i32 {
      %sub3A_210 = arith.constant 31 : i32
      %sub3A_211 = arith.subi %sub3A_210, %scan3A_207 : i32
      %shift_left3A = arith.constant 1 : i32
      %shift_left3A_212 = arith.shli %shift_left3A, %sub3A_211 : i32
      %or3A = arith.ori %scan3A_208, %shift_left3A_212 : i32
      %xor3A_213 = arith.constant -2147483648 : i32
      %xor3A_214 = arith.xori %or3A, %xor3A_213 : i32
      %broadcast_in_dim3A_215 = arith.constant 0 : i32
      %broadcast_in_dim3A_216 = vector.broadcast %broadcast_in_dim3A_215 : i32 to vector<16xi32>
      %scan3A_217 = arith.constant 0 : i32
      %scan3A_218 = arith.constant 16 : i32
      %scan3A_219 = arith.addi %scan3A_217, %scan3A_218 : i32
      %scan3A_220 = arith.constant 1 : i32
      %scan3A_221 = scf.for %scan3A_229 = %scan3A_217 to %scan3A_219 step %scan3A_220 iter_args(%scan3A_230 = %broadcast_in_dim3A_216) -> (vector<16xi32>)  : i32 {
        %mul3A_231 = arith.constant 16 : i32
        %mul3A_232 = arith.muli %scan3A_229, %mul3A_231 : i32
        %mul3A_233 = arith.constant 16 : i32
        %mul3A_234 = arith.muli %mul3A_232, %mul3A_233 : i32
        %add3A_235 = arith.constant 0 : i32
        %add3A_236 = arith.addi %mul3A_234, %add3A_235 : i32
        %get3A = arith.index_cast %add3A_236 : i32 to index
        %get3A_237 = tpu.vector_load %arg8[%get3A] {strides = array<i32>} : memref<4096xi32, #tpu.memory_space<vmem>>, vector<16xi32>,
        %add3A_238 = arith.constant 0 : i32
        %add3A_239 = arith.addi %mul3A_234, %add3A_238 : i32
        %ge3A_240 = vector.broadcast %xor3A_214 : i32 to vector<16xi32>
        %ge3A_241 = arith.cmpi sge, %get3A_237, %ge3A_240 : vector<16xi32>
        %jit3A = arith.constant 1 : i32
        %jit3A_242 = arith.constant 0 : i32
        %broadcast_in_dim3A_243 = vector.broadcast %jit3A : i32 to vector<16xi32>
        %broadcast_in_dim3A_244 = vector.broadcast %jit3A_242 : i32 to vector<16xi32>
        %select_n3A_245 = arith.select %ge3A_241, %broadcast_in_dim3A_243, %broadcast_in_dim3A_244 : vector<16xi1>, vector<16xi32>
        %add3A_246 = arith.addi %scan3A_230, %select_n3A_245 : vector<16xi32>
        %add3A_247 = arith.constant 16 : i32
        %add3A_248 = arith.addi %mul3A_234, %add3A_247 : i32
        %get3A_249 = arith.index_cast %add3A_248 : i32 to index
        %get3A_250 = tpu.vector_load %arg8[%get3A_249] {strides = array<i32>} : memref<4096xi32, #tpu.memory_space<vmem>>, vector<16xi32>,
        %add3A_251 = arith.constant 16 : i32
        %add3A_252 = arith.addi %mul3A_234, %add3A_251 : i32
        %ge3A_253 = vector.broadcast %xor3A_214 : i32 to vector<16xi32>
        %ge3A_254 = arith.cmpi sge, %get3A_250, %ge3A_253 : vector<16xi32>
        %jit3A_255 = arith.constant 1 : i32
        %jit3A_256 = arith.constant 0 : i32
        %broadcast_in_dim3A_257 = vector.broadcast %jit3A_255 : i32 to vector<16xi32>
        %broadcast_in_dim3A_258 = vector.broadcast %jit3A_256 : i32 to vector<16xi32>
        %select_n3A_259 = arith.select %ge3A_254, %broadcast_in_dim3A_257, %broadcast_in_dim3A_258 : vector<16xi1>, vector<16xi32>
        %add3A_260 = arith.addi %add3A_246, %select_n3A_259 : vector<16xi32>
        %add3A_261 = arith.constant 32 : i32
        %add3A_262 = arith.addi %mul3A_234, %add3A_261 : i32
        %get3A_263 = arith.index_cast %add3A_262 : i32 to index
        %get3A_264 = tpu.vector_load %arg8[%get3A_263] {strides = array<i32>} : memref<4096xi32, #tpu.memory_space<vmem>>, vector<16xi32>,
        %add3A_265 = arith.constant 32 : i32
        %add3A_266 = arith.addi %mul3A_234, %add3A_265 : i32
        %ge3A_267 = vector.broadcast %xor3A_214 : i32 to vector<16xi32>
        %ge3A_268 = arith.cmpi sge, %get3A_264, %ge3A_267 : vector<16xi32>
        %jit3A_269 = arith.constant 1 : i32
        %jit3A_270 = arith.constant 0 : i32
        %broadcast_in_dim3A_271 = vector.broadcast %jit3A_269 : i32 to vector<16xi32>
        %broadcast_in_dim3A_272 = vector.broadcast %jit3A_270 : i32 to vector<16xi32>
        %select_n3A_273 = arith.select %ge3A_268, %broadcast_in_dim3A_271, %broadcast_in_dim3A_272 : vector<16xi1>, vector<16xi32>
        %add3A_274 = arith.addi %add3A_260, %select_n3A_273 : vector<16xi32>
        %add3A_275 = arith.constant 48 : i32
        %add3A_276 = arith.addi %mul3A_234, %add3A_275 : i32
        %get3A_277 = arith.index_cast %add3A_276 : i32 to index
        %get3A_278 = tpu.vector_load %arg8[%get3A_277] {strides = array<i32>} : memref<4096xi32, #tpu.memory_space<vmem>>, vector<16xi32>,
        %add3A_279 = arith.constant 48 : i32
        %add3A_280 = arith.addi %mul3A_234, %add3A_279 : i32
        %ge3A_281 = vector.broadcast %xor3A_214 : i32 to vector<16xi32>
        %ge3A_282 = arith.cmpi sge, %get3A_278, %ge3A_281 : vector<16xi32>
        %jit3A_283 = arith.constant 1 : i32
        %jit3A_284 = arith.constant 0 : i32
        %broadcast_in_dim3A_285 = vector.broadcast %jit3A_283 : i32 to vector<16xi32>
        %broadcast_in_dim3A_286 = vector.broadcast %jit3A_284 : i32 to vector<16xi32>
        %select_n3A_287 = arith.select %ge3A_282, %broadcast_in_dim3A_285, %broadcast_in_dim3A_286 : vector<16xi1>, vector<16xi32>
        %add3A_288 = arith.addi %add3A_274, %select_n3A_287 : vector<16xi32>
        %add3A_289 = arith.constant 64 : i32
        %add3A_290 = arith.addi %mul3A_234, %add3A_289 : i32
        %get3A_291 = arith.index_cast %add3A_290 : i32 to index
        %get3A_292 = tpu.vector_load %arg8[%get3A_291] {strides = array<i32>} : memref<4096xi32, #tpu.memory_space<vmem>>, vector<16xi32>,
        %add3A_293 = arith.constant 64 : i32
        %add3A_294 = arith.addi %mul3A_234, %add3A_293 : i32
        %ge3A_295 = vector.broadcast %xor3A_214 : i32 to vector<16xi32>
        %ge3A_296 = arith.cmpi sge, %get3A_292, %ge3A_295 : vector<16xi32>
        %jit3A_297 = arith.constant 1 : i32
        %jit3A_298 = arith.constant 0 : i32
        %broadcast_in_dim3A_299 = vector.broadcast %jit3A_297 : i32 to vector<16xi32>
        %broadcast_in_dim3A_300 = vector.broadcast %jit3A_298 : i32 to vector<16xi32>
        %select_n3A_301 = arith.select %ge3A_296, %broadcast_in_dim3A_299, %broadcast_in_dim3A_300 : vector<16xi1>, vector<16xi32>
        %add3A_302 = arith.addi %add3A_288, %select_n3A_301 : vector<16xi32>
        %add3A_303 = arith.constant 80 : i32
        %add3A_304 = arith.addi %mul3A_234, %add3A_303 : i32
        %get3A_305 = arith.index_cast %add3A_304 : i32 to index
        %get3A_306 = tpu.vector_load %arg8[%get3A_305] {strides = array<i32>} : memref<4096xi32, #tpu.memory_space<vmem>>, vector<16xi32>,
        %add3A_307 = arith.constant 80 : i32
        %add3A_308 = arith.addi %mul3A_234, %add3A_307 : i32
        %ge3A_309 = vector.broadcast %xor3A_214 : i32 to vector<16xi32>
        %ge3A_310 = arith.cmpi sge, %get3A_306, %ge3A_309 : vector<16xi32>
        %jit3A_311 = arith.constant 1 : i32
        %jit3A_312 = arith.constant 0 : i32
        %broadcast_in_dim3A_313 = vector.broadcast %jit3A_311 : i32 to vector<16xi32>
        %broadcast_in_dim3A_314 = vector.broadcast %jit3A_312 : i32 to vector<16xi32>
        %select_n3A_315 = arith.select %ge3A_310, %broadcast_in_dim3A_313, %broadcast_in_dim3A_314 : vector<16xi1>, vector<16xi32>
        %add3A_316 = arith.addi %add3A_302, %select_n3A_315 : vector<16xi32>
        %add3A_317 = arith.constant 96 : i32
        %add3A_318 = arith.addi %mul3A_234, %add3A_317 : i32
        %get3A_319 = arith.index_cast %add3A_318 : i32 to index
        %get3A_320 = tpu.vector_load %arg8[%get3A_319] {strides = array<i32>} : memref<4096xi32, #tpu.memory_space<vmem>>, vector<16xi32>,
        %add3A_321 = arith.constant 96 : i32
        %add3A_322 = arith.addi %mul3A_234, %add3A_321 : i32
        %ge3A_323 = vector.broadcast %xor3A_214 : i32 to vector<16xi32>
        %ge3A_324 = arith.cmpi sge, %get3A_320, %ge3A_323 : vector<16xi32>
        %jit3A_325 = arith.constant 1 : i32
        %jit3A_326 = arith.constant 0 : i32
        %broadcast_in_dim3A_327 = vector.broadcast %jit3A_325 : i32 to vector<16xi32>
        %broadcast_in_dim3A_328 = vector.broadcast %jit3A_326 : i32 to vector<16xi32>
        %select_n3A_329 = arith.select %ge3A_324, %broadcast_in_dim3A_327, %broadcast_in_dim3A_328 : vector<16xi1>, vector<16xi32>
        %add3A_330 = arith.addi %add3A_316, %select_n3A_329 : vector<16xi32>
        %add3A_331 = arith.constant 112 : i32
        %add3A_332 = arith.addi %mul3A_234, %add3A_331 : i32
        %get3A_333 = arith.index_cast %add3A_332 : i32 to index
        %get3A_334 = tpu.vector_load %arg8[%get3A_333] {strides = array<i32>} : memref<4096xi32, #tpu.memory_space<vmem>>, vector<16xi32>,
        %add3A_335 = arith.constant 112 : i32
        %add3A_336 = arith.addi %mul3A_234, %add3A_335 : i32
        %ge3A_337 = vector.broadcast %xor3A_214 : i32 to vector<16xi32>
        %ge3A_338 = arith.cmpi sge, %get3A_334, %ge3A_337 : vector<16xi32>
        %jit3A_339 = arith.constant 1 : i32
        %jit3A_340 = arith.constant 0 : i32
        %broadcast_in_dim3A_341 = vector.broadcast %jit3A_339 : i32 to vector<16xi32>
        %broadcast_in_dim3A_342 = vector.broadcast %jit3A_340 : i32 to vector<16xi32>
        %select_n3A_343 = arith.select %ge3A_338, %broadcast_in_dim3A_341, %broadcast_in_dim3A_342 : vector<16xi1>, vector<16xi32>
        %add3A_344 = arith.addi %add3A_330, %select_n3A_343 : vector<16xi32>
        %add3A_345 = arith.constant 128 : i32
        %add3A_346 = arith.addi %mul3A_234, %add3A_345 : i32
        %get3A_347 = arith.index_cast %add3A_346 : i32 to index
        %get3A_348 = tpu.vector_load %arg8[%get3A_347] {strides = array<i32>} : memref<4096xi32, #tpu.memory_space<vmem>>, vector<16xi32>,
        %add3A_349 = arith.constant 128 : i32
        %add3A_350 = arith.addi %mul3A_234, %add3A_349 : i32
        %ge3A_351 = vector.broadcast %xor3A_214 : i32 to vector<16xi32>
        %ge3A_352 = arith.cmpi sge, %get3A_348, %ge3A_351 : vector<16xi32>
        %jit3A_353 = arith.constant 1 : i32
        %jit3A_354 = arith.constant 0 : i32
        %broadcast_in_dim3A_355 = vector.broadcast %jit3A_353 : i32 to vector<16xi32>
        %broadcast_in_dim3A_356 = vector.broadcast %jit3A_354 : i32 to vector<16xi32>
        %select_n3A_357 = arith.select %ge3A_352, %broadcast_in_dim3A_355, %broadcast_in_dim3A_356 : vector<16xi1>, vector<16xi32>
        %add3A_358 = arith.addi %add3A_344, %select_n3A_357 : vector<16xi32>
        %add3A_359 = arith.constant 144 : i32
        %add3A_360 = arith.addi %mul3A_234, %add3A_359 : i32
        %get3A_361 = arith.index_cast %add3A_360 : i32 to index
        %get3A_362 = tpu.vector_load %arg8[%get3A_361] {strides = array<i32>} : memref<4096xi32, #tpu.memory_space<vmem>>, vector<16xi32>,
        %add3A_363 = arith.constant 144 : i32
        %add3A_364 = arith.addi %mul3A_234, %add3A_363 : i32
        %ge3A_365 = vector.broadcast %xor3A_214 : i32 to vector<16xi32>
        %ge3A_366 = arith.cmpi sge, %get3A_362, %ge3A_365 : vector<16xi32>
        %jit3A_367 = arith.constant 1 : i32
        %jit3A_368 = arith.constant 0 : i32
        %broadcast_in_dim3A_369 = vector.broadcast %jit3A_367 : i32 to vector<16xi32>
        %broadcast_in_dim3A_370 = vector.broadcast %jit3A_368 : i32 to vector<16xi32>
        %select_n3A_371 = arith.select %ge3A_366, %broadcast_in_dim3A_369, %broadcast_in_dim3A_370 : vector<16xi1>, vector<16xi32>
        %add3A_372 = arith.addi %add3A_358, %select_n3A_371 : vector<16xi32>
        %add3A_373 = arith.constant 160 : i32
        %add3A_374 = arith.addi %mul3A_234, %add3A_373 : i32
        %get3A_375 = arith.index_cast %add3A_374 : i32 to index
        %get3A_376 = tpu.vector_load %arg8[%get3A_375] {strides = array<i32>} : memref<4096xi32, #tpu.memory_space<vmem>>, vector<16xi32>,
        %add3A_377 = arith.constant 160 : i32
        %add3A_378 = arith.addi %mul3A_234, %add3A_377 : i32
        %ge3A_379 = vector.broadcast %xor3A_214 : i32 to vector<16xi32>
        %ge3A_380 = arith.cmpi sge, %get3A_376, %ge3A_379 : vector<16xi32>
        %jit3A_381 = arith.constant 1 : i32
        %jit3A_382 = arith.constant 0 : i32
        %broadcast_in_dim3A_383 = vector.broadcast %jit3A_381 : i32 to vector<16xi32>
        %broadcast_in_dim3A_384 = vector.broadcast %jit3A_382 : i32 to vector<16xi32>
        %select_n3A_385 = arith.select %ge3A_380, %broadcast_in_dim3A_383, %broadcast_in_dim3A_384 : vector<16xi1>, vector<16xi32>
        %add3A_386 = arith.addi %add3A_372, %select_n3A_385 : vector<16xi32>
        %add3A_387 = arith.constant 176 : i32
        %add3A_388 = arith.addi %mul3A_234, %add3A_387 : i32
        %get3A_389 = arith.index_cast %add3A_388 : i32 to index
        %get3A_390 = tpu.vector_load %arg8[%get3A_389] {strides = array<i32>} : memref<4096xi32, #tpu.memory_space<vmem>>, vector<16xi32>,
        %add3A_391 = arith.constant 176 : i32
        %add3A_392 = arith.addi %mul3A_234, %add3A_391 : i32
        %ge3A_393 = vector.broadcast %xor3A_214 : i32 to vector<16xi32>
        %ge3A_394 = arith.cmpi sge, %get3A_390, %ge3A_393 : vector<16xi32>
        %jit3A_395 = arith.constant 1 : i32
        %jit3A_396 = arith.constant 0 : i32
        %broadcast_in_dim3A_397 = vector.broadcast %jit3A_395 : i32 to vector<16xi32>
        %broadcast_in_dim3A_398 = vector.broadcast %jit3A_396 : i32 to vector<16xi32>
        %select_n3A_399 = arith.select %ge3A_394, %broadcast_in_dim3A_397, %broadcast_in_dim3A_398 : vector<16xi1>, vector<16xi32>
        %add3A_400 = arith.addi %add3A_386, %select_n3A_399 : vector<16xi32>
        %add3A_401 = arith.constant 192 : i32
        %add3A_402 = arith.addi %mul3A_234, %add3A_401 : i32
        %get3A_403 = arith.index_cast %add3A_402 : i32 to index
        %get3A_404 = tpu.vector_load %arg8[%get3A_403] {strides = array<i32>} : memref<4096xi32, #tpu.memory_space<vmem>>, vector<16xi32>,
        %add3A_405 = arith.constant 192 : i32
        %add3A_406 = arith.addi %mul3A_234, %add3A_405 : i32
        %ge3A_407 = vector.broadcast %xor3A_214 : i32 to vector<16xi32>
        %ge3A_408 = arith.cmpi sge, %get3A_404, %ge3A_407 : vector<16xi32>
        %jit3A_409 = arith.constant 1 : i32
        %jit3A_410 = arith.constant 0 : i32
        %broadcast_in_dim3A_411 = vector.broadcast %jit3A_409 : i32 to vector<16xi32>
        %broadcast_in_dim3A_412 = vector.broadcast %jit3A_410 : i32 to vector<16xi32>
        %select_n3A_413 = arith.select %ge3A_408, %broadcast_in_dim3A_411, %broadcast_in_dim3A_412 : vector<16xi1>, vector<16xi32>
        %add3A_414 = arith.addi %add3A_400, %select_n3A_413 : vector<16xi32>
        %add3A_415 = arith.constant 208 : i32
        %add3A_416 = arith.addi %mul3A_234, %add3A_415 : i32
        %get3A_417 = arith.index_cast %add3A_416 : i32 to index
        %get3A_418 = tpu.vector_load %arg8[%get3A_417] {strides = array<i32>} : memref<4096xi32, #tpu.memory_space<vmem>>, vector<16xi32>,
        %add3A_419 = arith.constant 208 : i32
        %add3A_420 = arith.addi %mul3A_234, %add3A_419 : i32
        %ge3A_421 = vector.broadcast %xor3A_214 : i32 to vector<16xi32>
        %ge3A_422 = arith.cmpi sge, %get3A_418, %ge3A_421 : vector<16xi32>
        %jit3A_423 = arith.constant 1 : i32
        %jit3A_424 = arith.constant 0 : i32
        %broadcast_in_dim3A_425 = vector.broadcast %jit3A_423 : i32 to vector<16xi32>
        %broadcast_in_dim3A_426 = vector.broadcast %jit3A_424 : i32 to vector<16xi32>
        %select_n3A_427 = arith.select %ge3A_422, %broadcast_in_dim3A_425, %broadcast_in_dim3A_426 : vector<16xi1>, vector<16xi32>
        %add3A_428 = arith.addi %add3A_414, %select_n3A_427 : vector<16xi32>
        %add3A_429 = arith.constant 224 : i32
        %add3A_430 = arith.addi %mul3A_234, %add3A_429 : i32
        %get3A_431 = arith.index_cast %add3A_430 : i32 to index
        %get3A_432 = tpu.vector_load %arg8[%get3A_431] {strides = array<i32>} : memref<4096xi32, #tpu.memory_space<vmem>>, vector<16xi32>,
        %add3A_433 = arith.constant 224 : i32
        %add3A_434 = arith.addi %mul3A_234, %add3A_433 : i32
        %ge3A_435 = vector.broadcast %xor3A_214 : i32 to vector<16xi32>
        %ge3A_436 = arith.cmpi sge, %get3A_432, %ge3A_435 : vector<16xi32>
        %jit3A_437 = arith.constant 1 : i32
        %jit3A_438 = arith.constant 0 : i32
        %broadcast_in_dim3A_439 = vector.broadcast %jit3A_437 : i32 to vector<16xi32>
        %broadcast_in_dim3A_440 = vector.broadcast %jit3A_438 : i32 to vector<16xi32>
        %select_n3A_441 = arith.select %ge3A_436, %broadcast_in_dim3A_439, %broadcast_in_dim3A_440 : vector<16xi1>, vector<16xi32>
        %add3A_442 = arith.addi %add3A_428, %select_n3A_441 : vector<16xi32>
        %add3A_443 = arith.constant 240 : i32
        %add3A_444 = arith.addi %mul3A_234, %add3A_443 : i32
        %get3A_445 = arith.index_cast %add3A_444 : i32 to index
        %get3A_446 = tpu.vector_load %arg8[%get3A_445] {strides = array<i32>} : memref<4096xi32, #tpu.memory_space<vmem>>, vector<16xi32>,
        %add3A_447 = arith.constant 240 : i32
        %add3A_448 = arith.addi %mul3A_234, %add3A_447 : i32
        %ge3A_449 = vector.broadcast %xor3A_214 : i32 to vector<16xi32>
        %ge3A_450 = arith.cmpi sge, %get3A_446, %ge3A_449 : vector<16xi32>
        %jit3A_451 = arith.constant 1 : i32
        %jit3A_452 = arith.constant 0 : i32
        %broadcast_in_dim3A_453 = vector.broadcast %jit3A_451 : i32 to vector<16xi32>
        %broadcast_in_dim3A_454 = vector.broadcast %jit3A_452 : i32 to vector<16xi32>
        %select_n3A_455 = arith.select %ge3A_450, %broadcast_in_dim3A_453, %broadcast_in_dim3A_454 : vector<16xi1>, vector<16xi32>
        %add3A_456 = arith.addi %add3A_442, %select_n3A_455 : vector<16xi32>
        scf.yield %add3A_456 : vector<16xi32>
      }
      %scan3A_222 = arith.constant 16 : i32
      %reduce_sum3A_223 = arith.constant true
      %reduce_sum3A_224 = vector.broadcast %reduce_sum3A_223 : i1 to vector<16xi1>
      %reduce_sum3A_225 = tpu.scan <sum>, %scan3A_221 masked %reduce_sum3A_224 : vector<16xi32>, vector<16xi1> -> vector<16xi32>
      %reduce_sum3A_226 = vector.extract %reduce_sum3A_225[15] : i32 from vector<16xi32>
      %ge3A = arith.constant 1024 : i32
      %ge3A_227 = arith.cmpi sge, %reduce_sum3A_226, %ge3A : i32
      %select_n3A = arith.select %ge3A_227, %or3A, %scan3A_208 : i32
      %select_n3A_228 = arith.select %ge3A_227, %reduce_sum3A_226, %scan3A_209 : i32
      scf.yield %select_n3A, %select_n3A_228 : i32, i32
    }
    %scan3A_117 = arith.constant 32 : i32
    %xor3A = arith.constant -2147483648 : i32
    %xor3A_118 = arith.xori %scan3A_116#0, %xor3A : i32
    %broadcast_in_dim3A = arith.constant 0 : i32
    %broadcast_in_dim3A_119 = vector.broadcast %broadcast_in_dim3A : i32 to vector<16xi32>
    %scan3A_120 = arith.constant 0 : i32
    %scan3A_121 = arith.constant 16 : i32
    %scan3A_122 = arith.addi %scan3A_120, %scan3A_121 : i32
    %scan3A_123 = arith.constant 1 : i32
    %scan3A_124 = scf.for %scan3A_207 = %scan3A_120 to %scan3A_122 step %scan3A_123 iter_args(%scan3A_208 = %broadcast_in_dim3A_119) -> (vector<16xi32>)  : i32 {
      %mul3A_209 = arith.constant 16 : i32
      %mul3A_210 = arith.muli %scan3A_207, %mul3A_209 : i32
      %mul3A_211 = arith.constant 16 : i32
      %mul3A_212 = arith.muli %mul3A_210, %mul3A_211 : i32
      %add3A_213 = arith.constant 0 : i32
      %add3A_214 = arith.addi %mul3A_212, %add3A_213 : i32
      %get3A = arith.index_cast %add3A_214 : i32 to index
      %get3A_215 = tpu.vector_load %arg8[%get3A] {strides = array<i32>} : memref<4096xi32, #tpu.memory_space<vmem>>, vector<16xi32>,
      %add3A_216 = arith.constant 0 : i32
      %add3A_217 = arith.addi %mul3A_212, %add3A_216 : i32
      %gt3A = vector.broadcast %xor3A_118 : i32 to vector<16xi32>
      %gt3A_218 = arith.cmpi sgt, %get3A_215, %gt3A : vector<16xi32>
      %jit3A = arith.constant 1 : i32
      %jit3A_219 = arith.constant 0 : i32
      %broadcast_in_dim3A_220 = vector.broadcast %jit3A : i32 to vector<16xi32>
      %broadcast_in_dim3A_221 = vector.broadcast %jit3A_219 : i32 to vector<16xi32>
      %select_n3A = arith.select %gt3A_218, %broadcast_in_dim3A_220, %broadcast_in_dim3A_221 : vector<16xi1>, vector<16xi32>
      %add3A_222 = arith.addi %scan3A_208, %select_n3A : vector<16xi32>
      %add3A_223 = arith.constant 16 : i32
      %add3A_224 = arith.addi %mul3A_212, %add3A_223 : i32
      %get3A_225 = arith.index_cast %add3A_224 : i32 to index
      %get3A_226 = tpu.vector_load %arg8[%get3A_225] {strides = array<i32>} : memref<4096xi32, #tpu.memory_space<vmem>>, vector<16xi32>,
      %add3A_227 = arith.constant 16 : i32
      %add3A_228 = arith.addi %mul3A_212, %add3A_227 : i32
      %gt3A_229 = vector.broadcast %xor3A_118 : i32 to vector<16xi32>
      %gt3A_230 = arith.cmpi sgt, %get3A_226, %gt3A_229 : vector<16xi32>
      %jit3A_231 = arith.constant 1 : i32
      %jit3A_232 = arith.constant 0 : i32
      %broadcast_in_dim3A_233 = vector.broadcast %jit3A_231 : i32 to vector<16xi32>
      %broadcast_in_dim3A_234 = vector.broadcast %jit3A_232 : i32 to vector<16xi32>
      %select_n3A_235 = arith.select %gt3A_230, %broadcast_in_dim3A_233, %broadcast_in_dim3A_234 : vector<16xi1>, vector<16xi32>
      %add3A_236 = arith.addi %add3A_222, %select_n3A_235 : vector<16xi32>
      %add3A_237 = arith.constant 32 : i32
      %add3A_238 = arith.addi %mul3A_212, %add3A_237 : i32
      %get3A_239 = arith.index_cast %add3A_238 : i32 to index
      %get3A_240 = tpu.vector_load %arg8[%get3A_239] {strides = array<i32>} : memref<4096xi32, #tpu.memory_space<vmem>>, vector<16xi32>,
      %add3A_241 = arith.constant 32 : i32
      %add3A_242 = arith.addi %mul3A_212, %add3A_241 : i32
      %gt3A_243 = vector.broadcast %xor3A_118 : i32 to vector<16xi32>
      %gt3A_244 = arith.cmpi sgt, %get3A_240, %gt3A_243 : vector<16xi32>
      %jit3A_245 = arith.constant 1 : i32
      %jit3A_246 = arith.constant 0 : i32
      %broadcast_in_dim3A_247 = vector.broadcast %jit3A_245 : i32 to vector<16xi32>
      %broadcast_in_dim3A_248 = vector.broadcast %jit3A_246 : i32 to vector<16xi32>
      %select_n3A_249 = arith.select %gt3A_244, %broadcast_in_dim3A_247, %broadcast_in_dim3A_248 : vector<16xi1>, vector<16xi32>
      %add3A_250 = arith.addi %add3A_236, %select_n3A_249 : vector<16xi32>
      %add3A_251 = arith.constant 48 : i32
      %add3A_252 = arith.addi %mul3A_212, %add3A_251 : i32
      %get3A_253 = arith.index_cast %add3A_252 : i32 to index
      %get3A_254 = tpu.vector_load %arg8[%get3A_253] {strides = array<i32>} : memref<4096xi32, #tpu.memory_space<vmem>>, vector<16xi32>,
      %add3A_255 = arith.constant 48 : i32
      %add3A_256 = arith.addi %mul3A_212, %add3A_255 : i32
      %gt3A_257 = vector.broadcast %xor3A_118 : i32 to vector<16xi32>
      %gt3A_258 = arith.cmpi sgt, %get3A_254, %gt3A_257 : vector<16xi32>
      %jit3A_259 = arith.constant 1 : i32
      %jit3A_260 = arith.constant 0 : i32
      %broadcast_in_dim3A_261 = vector.broadcast %jit3A_259 : i32 to vector<16xi32>
      %broadcast_in_dim3A_262 = vector.broadcast %jit3A_260 : i32 to vector<16xi32>
      %select_n3A_263 = arith.select %gt3A_258, %broadcast_in_dim3A_261, %broadcast_in_dim3A_262 : vector<16xi1>, vector<16xi32>
      %add3A_264 = arith.addi %add3A_250, %select_n3A_263 : vector<16xi32>
      %add3A_265 = arith.constant 64 : i32
      %add3A_266 = arith.addi %mul3A_212, %add3A_265 : i32
      %get3A_267 = arith.index_cast %add3A_266 : i32 to index
      %get3A_268 = tpu.vector_load %arg8[%get3A_267] {strides = array<i32>} : memref<4096xi32, #tpu.memory_space<vmem>>, vector<16xi32>,
      %add3A_269 = arith.constant 64 : i32
      %add3A_270 = arith.addi %mul3A_212, %add3A_269 : i32
      %gt3A_271 = vector.broadcast %xor3A_118 : i32 to vector<16xi32>
      %gt3A_272 = arith.cmpi sgt, %get3A_268, %gt3A_271 : vector<16xi32>
      %jit3A_273 = arith.constant 1 : i32
      %jit3A_274 = arith.constant 0 : i32
      %broadcast_in_dim3A_275 = vector.broadcast %jit3A_273 : i32 to vector<16xi32>
      %broadcast_in_dim3A_276 = vector.broadcast %jit3A_274 : i32 to vector<16xi32>
      %select_n3A_277 = arith.select %gt3A_272, %broadcast_in_dim3A_275, %broadcast_in_dim3A_276 : vector<16xi1>, vector<16xi32>
      %add3A_278 = arith.addi %add3A_264, %select_n3A_277 : vector<16xi32>
      %add3A_279 = arith.constant 80 : i32
      %add3A_280 = arith.addi %mul3A_212, %add3A_279 : i32
      %get3A_281 = arith.index_cast %add3A_280 : i32 to index
      %get3A_282 = tpu.vector_load %arg8[%get3A_281] {strides = array<i32>} : memref<4096xi32, #tpu.memory_space<vmem>>, vector<16xi32>,
      %add3A_283 = arith.constant 80 : i32
      %add3A_284 = arith.addi %mul3A_212, %add3A_283 : i32
      %gt3A_285 = vector.broadcast %xor3A_118 : i32 to vector<16xi32>
      %gt3A_286 = arith.cmpi sgt, %get3A_282, %gt3A_285 : vector<16xi32>
      %jit3A_287 = arith.constant 1 : i32
      %jit3A_288 = arith.constant 0 : i32
      %broadcast_in_dim3A_289 = vector.broadcast %jit3A_287 : i32 to vector<16xi32>
      %broadcast_in_dim3A_290 = vector.broadcast %jit3A_288 : i32 to vector<16xi32>
      %select_n3A_291 = arith.select %gt3A_286, %broadcast_in_dim3A_289, %broadcast_in_dim3A_290 : vector<16xi1>, vector<16xi32>
      %add3A_292 = arith.addi %add3A_278, %select_n3A_291 : vector<16xi32>
      %add3A_293 = arith.constant 96 : i32
      %add3A_294 = arith.addi %mul3A_212, %add3A_293 : i32
      %get3A_295 = arith.index_cast %add3A_294 : i32 to index
      %get3A_296 = tpu.vector_load %arg8[%get3A_295] {strides = array<i32>} : memref<4096xi32, #tpu.memory_space<vmem>>, vector<16xi32>,
      %add3A_297 = arith.constant 96 : i32
      %add3A_298 = arith.addi %mul3A_212, %add3A_297 : i32
      %gt3A_299 = vector.broadcast %xor3A_118 : i32 to vector<16xi32>
      %gt3A_300 = arith.cmpi sgt, %get3A_296, %gt3A_299 : vector<16xi32>
      %jit3A_301 = arith.constant 1 : i32
      %jit3A_302 = arith.constant 0 : i32
      %broadcast_in_dim3A_303 = vector.broadcast %jit3A_301 : i32 to vector<16xi32>
      %broadcast_in_dim3A_304 = vector.broadcast %jit3A_302 : i32 to vector<16xi32>
      %select_n3A_305 = arith.select %gt3A_300, %broadcast_in_dim3A_303, %broadcast_in_dim3A_304 : vector<16xi1>, vector<16xi32>
      %add3A_306 = arith.addi %add3A_292, %select_n3A_305 : vector<16xi32>
      %add3A_307 = arith.constant 112 : i32
      %add3A_308 = arith.addi %mul3A_212, %add3A_307 : i32
      %get3A_309 = arith.index_cast %add3A_308 : i32 to index
      %get3A_310 = tpu.vector_load %arg8[%get3A_309] {strides = array<i32>} : memref<4096xi32, #tpu.memory_space<vmem>>, vector<16xi32>,
      %add3A_311 = arith.constant 112 : i32
      %add3A_312 = arith.addi %mul3A_212, %add3A_311 : i32
      %gt3A_313 = vector.broadcast %xor3A_118 : i32 to vector<16xi32>
      %gt3A_314 = arith.cmpi sgt, %get3A_310, %gt3A_313 : vector<16xi32>
      %jit3A_315 = arith.constant 1 : i32
      %jit3A_316 = arith.constant 0 : i32
      %broadcast_in_dim3A_317 = vector.broadcast %jit3A_315 : i32 to vector<16xi32>
      %broadcast_in_dim3A_318 = vector.broadcast %jit3A_316 : i32 to vector<16xi32>
      %select_n3A_319 = arith.select %gt3A_314, %broadcast_in_dim3A_317, %broadcast_in_dim3A_318 : vector<16xi1>, vector<16xi32>
      %add3A_320 = arith.addi %add3A_306, %select_n3A_319 : vector<16xi32>
      %add3A_321 = arith.constant 128 : i32
      %add3A_322 = arith.addi %mul3A_212, %add3A_321 : i32
      %get3A_323 = arith.index_cast %add3A_322 : i32 to index
      %get3A_324 = tpu.vector_load %arg8[%get3A_323] {strides = array<i32>} : memref<4096xi32, #tpu.memory_space<vmem>>, vector<16xi32>,
      %add3A_325 = arith.constant 128 : i32
      %add3A_326 = arith.addi %mul3A_212, %add3A_325 : i32
      %gt3A_327 = vector.broadcast %xor3A_118 : i32 to vector<16xi32>
      %gt3A_328 = arith.cmpi sgt, %get3A_324, %gt3A_327 : vector<16xi32>
      %jit3A_329 = arith.constant 1 : i32
      %jit3A_330 = arith.constant 0 : i32
      %broadcast_in_dim3A_331 = vector.broadcast %jit3A_329 : i32 to vector<16xi32>
      %broadcast_in_dim3A_332 = vector.broadcast %jit3A_330 : i32 to vector<16xi32>
      %select_n3A_333 = arith.select %gt3A_328, %broadcast_in_dim3A_331, %broadcast_in_dim3A_332 : vector<16xi1>, vector<16xi32>
      %add3A_334 = arith.addi %add3A_320, %select_n3A_333 : vector<16xi32>
      %add3A_335 = arith.constant 144 : i32
      %add3A_336 = arith.addi %mul3A_212, %add3A_335 : i32
      %get3A_337 = arith.index_cast %add3A_336 : i32 to index
      %get3A_338 = tpu.vector_load %arg8[%get3A_337] {strides = array<i32>} : memref<4096xi32, #tpu.memory_space<vmem>>, vector<16xi32>,
      %add3A_339 = arith.constant 144 : i32
      %add3A_340 = arith.addi %mul3A_212, %add3A_339 : i32
      %gt3A_341 = vector.broadcast %xor3A_118 : i32 to vector<16xi32>
      %gt3A_342 = arith.cmpi sgt, %get3A_338, %gt3A_341 : vector<16xi32>
      %jit3A_343 = arith.constant 1 : i32
      %jit3A_344 = arith.constant 0 : i32
      %broadcast_in_dim3A_345 = vector.broadcast %jit3A_343 : i32 to vector<16xi32>
      %broadcast_in_dim3A_346 = vector.broadcast %jit3A_344 : i32 to vector<16xi32>
      %select_n3A_347 = arith.select %gt3A_342, %broadcast_in_dim3A_345, %broadcast_in_dim3A_346 : vector<16xi1>, vector<16xi32>
      %add3A_348 = arith.addi %add3A_334, %select_n3A_347 : vector<16xi32>
      %add3A_349 = arith.constant 160 : i32
      %add3A_350 = arith.addi %mul3A_212, %add3A_349 : i32
      %get3A_351 = arith.index_cast %add3A_350 : i32 to index
      %get3A_352 = tpu.vector_load %arg8[%get3A_351] {strides = array<i32>} : memref<4096xi32, #tpu.memory_space<vmem>>, vector<16xi32>,
      %add3A_353 = arith.constant 160 : i32
      %add3A_354 = arith.addi %mul3A_212, %add3A_353 : i32
      %gt3A_355 = vector.broadcast %xor3A_118 : i32 to vector<16xi32>
      %gt3A_356 = arith.cmpi sgt, %get3A_352, %gt3A_355 : vector<16xi32>
      %jit3A_357 = arith.constant 1 : i32
      %jit3A_358 = arith.constant 0 : i32
      %broadcast_in_dim3A_359 = vector.broadcast %jit3A_357 : i32 to vector<16xi32>
      %broadcast_in_dim3A_360 = vector.broadcast %jit3A_358 : i32 to vector<16xi32>
      %select_n3A_361 = arith.select %gt3A_356, %broadcast_in_dim3A_359, %broadcast_in_dim3A_360 : vector<16xi1>, vector<16xi32>
      %add3A_362 = arith.addi %add3A_348, %select_n3A_361 : vector<16xi32>
      %add3A_363 = arith.constant 176 : i32
      %add3A_364 = arith.addi %mul3A_212, %add3A_363 : i32
      %get3A_365 = arith.index_cast %add3A_364 : i32 to index
      %get3A_366 = tpu.vector_load %arg8[%get3A_365] {strides = array<i32>} : memref<4096xi32, #tpu.memory_space<vmem>>, vector<16xi32>,
      %add3A_367 = arith.constant 176 : i32
      %add3A_368 = arith.addi %mul3A_212, %add3A_367 : i32
      %gt3A_369 = vector.broadcast %xor3A_118 : i32 to vector<16xi32>
      %gt3A_370 = arith.cmpi sgt, %get3A_366, %gt3A_369 : vector<16xi32>
      %jit3A_371 = arith.constant 1 : i32
      %jit3A_372 = arith.constant 0 : i32
      %broadcast_in_dim3A_373 = vector.broadcast %jit3A_371 : i32 to vector<16xi32>
      %broadcast_in_dim3A_374 = vector.broadcast %jit3A_372 : i32 to vector<16xi32>
      %select_n3A_375 = arith.select %gt3A_370, %broadcast_in_dim3A_373, %broadcast_in_dim3A_374 : vector<16xi1>, vector<16xi32>
      %add3A_376 = arith.addi %add3A_362, %select_n3A_375 : vector<16xi32>
      %add3A_377 = arith.constant 192 : i32
      %add3A_378 = arith.addi %mul3A_212, %add3A_377 : i32
      %get3A_379 = arith.index_cast %add3A_378 : i32 to index
      %get3A_380 = tpu.vector_load %arg8[%get3A_379] {strides = array<i32>} : memref<4096xi32, #tpu.memory_space<vmem>>, vector<16xi32>,
      %add3A_381 = arith.constant 192 : i32
      %add3A_382 = arith.addi %mul3A_212, %add3A_381 : i32
      %gt3A_383 = vector.broadcast %xor3A_118 : i32 to vector<16xi32>
      %gt3A_384 = arith.cmpi sgt, %get3A_380, %gt3A_383 : vector<16xi32>
      %jit3A_385 = arith.constant 1 : i32
      %jit3A_386 = arith.constant 0 : i32
      %broadcast_in_dim3A_387 = vector.broadcast %jit3A_385 : i32 to vector<16xi32>
      %broadcast_in_dim3A_388 = vector.broadcast %jit3A_386 : i32 to vector<16xi32>
      %select_n3A_389 = arith.select %gt3A_384, %broadcast_in_dim3A_387, %broadcast_in_dim3A_388 : vector<16xi1>, vector<16xi32>
      %add3A_390 = arith.addi %add3A_376, %select_n3A_389 : vector<16xi32>
      %add3A_391 = arith.constant 208 : i32
      %add3A_392 = arith.addi %mul3A_212, %add3A_391 : i32
      %get3A_393 = arith.index_cast %add3A_392 : i32 to index
      %get3A_394 = tpu.vector_load %arg8[%get3A_393] {strides = array<i32>} : memref<4096xi32, #tpu.memory_space<vmem>>, vector<16xi32>,
      %add3A_395 = arith.constant 208 : i32
      %add3A_396 = arith.addi %mul3A_212, %add3A_395 : i32
      %gt3A_397 = vector.broadcast %xor3A_118 : i32 to vector<16xi32>
      %gt3A_398 = arith.cmpi sgt, %get3A_394, %gt3A_397 : vector<16xi32>
      %jit3A_399 = arith.constant 1 : i32
      %jit3A_400 = arith.constant 0 : i32
      %broadcast_in_dim3A_401 = vector.broadcast %jit3A_399 : i32 to vector<16xi32>
      %broadcast_in_dim3A_402 = vector.broadcast %jit3A_400 : i32 to vector<16xi32>
      %select_n3A_403 = arith.select %gt3A_398, %broadcast_in_dim3A_401, %broadcast_in_dim3A_402 : vector<16xi1>, vector<16xi32>
      %add3A_404 = arith.addi %add3A_390, %select_n3A_403 : vector<16xi32>
      %add3A_405 = arith.constant 224 : i32
      %add3A_406 = arith.addi %mul3A_212, %add3A_405 : i32
      %get3A_407 = arith.index_cast %add3A_406 : i32 to index
      %get3A_408 = tpu.vector_load %arg8[%get3A_407] {strides = array<i32>} : memref<4096xi32, #tpu.memory_space<vmem>>, vector<16xi32>,
      %add3A_409 = arith.constant 224 : i32
      %add3A_410 = arith.addi %mul3A_212, %add3A_409 : i32
      %gt3A_411 = vector.broadcast %xor3A_118 : i32 to vector<16xi32>
      %gt3A_412 = arith.cmpi sgt, %get3A_408, %gt3A_411 : vector<16xi32>
      %jit3A_413 = arith.constant 1 : i32
      %jit3A_414 = arith.constant 0 : i32
      %broadcast_in_dim3A_415 = vector.broadcast %jit3A_413 : i32 to vector<16xi32>
      %broadcast_in_dim3A_416 = vector.broadcast %jit3A_414 : i32 to vector<16xi32>
      %select_n3A_417 = arith.select %gt3A_412, %broadcast_in_dim3A_415, %broadcast_in_dim3A_416 : vector<16xi1>, vector<16xi32>
      %add3A_418 = arith.addi %add3A_404, %select_n3A_417 : vector<16xi32>
      %add3A_419 = arith.constant 240 : i32
      %add3A_420 = arith.addi %mul3A_212, %add3A_419 : i32
      %get3A_421 = arith.index_cast %add3A_420 : i32 to index
      %get3A_422 = tpu.vector_load %arg8[%get3A_421] {strides = array<i32>} : memref<4096xi32, #tpu.memory_space<vmem>>, vector<16xi32>,
      %add3A_423 = arith.constant 240 : i32
      %add3A_424 = arith.addi %mul3A_212, %add3A_423 : i32
      %gt3A_425 = vector.broadcast %xor3A_118 : i32 to vector<16xi32>
      %gt3A_426 = arith.cmpi sgt, %get3A_422, %gt3A_425 : vector<16xi32>
      %jit3A_427 = arith.constant 1 : i32
      %jit3A_428 = arith.constant 0 : i32
      %broadcast_in_dim3A_429 = vector.broadcast %jit3A_427 : i32 to vector<16xi32>
      %broadcast_in_dim3A_430 = vector.broadcast %jit3A_428 : i32 to vector<16xi32>
      %select_n3A_431 = arith.select %gt3A_426, %broadcast_in_dim3A_429, %broadcast_in_dim3A_430 : vector<16xi1>, vector<16xi32>
      %add3A_432 = arith.addi %add3A_418, %select_n3A_431 : vector<16xi32>
      scf.yield %add3A_432 : vector<16xi32>
    }
    %scan3A_125 = arith.constant 16 : i32
    %reduce_sum3A = arith.constant true
    %reduce_sum3A_126 = vector.broadcast %reduce_sum3A : i1 to vector<16xi1>
    %reduce_sum3A_127 = tpu.scan <sum>, %scan3A_124 masked %reduce_sum3A_126 : vector<16xi32>, vector<16xi1> -> vector<16xi32>
    %reduce_sum3A_128 = vector.extract %reduce_sum3A_127[15] : i32 from vector<16xi32>
    %sub3A = arith.constant 1024 : i32
    %sub3A_129 = arith.subi %sub3A, %reduce_sum3A_128 : i32
    %iota3A = tpu.iota {dimensions = array<i32: 0>} : vector<16xi32>
    %sub3A_130 = arith.subi %scan3A_116#1, %reduce_sum3A_128 : i32
    %eq3A = arith.cmpi eq, %sub3A_130, %sub3A_129 : i32
    %convert_element_type3A = arith.extui %eq3A : i1 to i32
    %cond3A = arith.constant 0 : i32
    %cond3A_131 = arith.cmpi ne, %convert_element_type3A, %cond3A : i32
    %cond3A_132 = scf.if %cond3A_131 -> (i32) {
      %cond3A_207 = arith.constant 4096 : i32
      scf.yield %cond3A_207 : i32
    } else {
      %scan3A_207 = arith.constant 0 : i32
      %scan3A_208 = arith.constant 0 : i32
      %scan3A_209 = arith.constant 12 : i32
      %scan3A_210 = arith.addi %scan3A_208, %scan3A_209 : i32
      %scan3A_211 = arith.constant 1 : i32
      %scan3A_212 = scf.for %scan3A_214 = %scan3A_208 to %scan3A_210 step %scan3A_211 iter_args(%scan3A_215 = %scan3A_207) -> (i32)  : i32 {
        %sub3A_216 = arith.constant 11 : i32
        %sub3A_217 = arith.subi %sub3A_216, %scan3A_214 : i32
        %shift_left3A = arith.constant 1 : i32
        %shift_left3A_218 = arith.shli %shift_left3A, %sub3A_217 : i32
        %or3A = arith.ori %scan3A_215, %shift_left3A_218 : i32
        %broadcast_in_dim3A_219 = arith.constant 0 : i32
        %broadcast_in_dim3A_220 = vector.broadcast %broadcast_in_dim3A_219 : i32 to vector<16xi32>
        %scan3A_221 = arith.constant 0 : i32
        %scan3A_222 = arith.constant 16 : i32
        %scan3A_223 = arith.addi %scan3A_221, %scan3A_222 : i32
        %scan3A_224 = arith.constant 1 : i32
        %scan3A_225 = scf.for %scan3A_231 = %scan3A_221 to %scan3A_223 step %scan3A_224 iter_args(%scan3A_232 = %broadcast_in_dim3A_220) -> (vector<16xi32>)  : i32 {
          %mul3A_233 = arith.constant 16 : i32
          %mul3A_234 = arith.muli %scan3A_231, %mul3A_233 : i32
          %mul3A_235 = arith.constant 16 : i32
          %mul3A_236 = arith.muli %mul3A_234, %mul3A_235 : i32
          %add3A_237 = arith.constant 0 : i32
          %add3A_238 = arith.addi %mul3A_236, %add3A_237 : i32
          %get3A = arith.index_cast %add3A_238 : i32 to index
          %get3A_239 = tpu.vector_load %arg8[%get3A] {strides = array<i32>} : memref<4096xi32, #tpu.memory_space<vmem>>, vector<16xi32>,
          %add3A_240 = arith.constant 0 : i32
          %add3A_241 = arith.addi %mul3A_236, %add3A_240 : i32
          %eq3A_242 = vector.broadcast %xor3A_118 : i32 to vector<16xi32>
          %eq3A_243 = arith.cmpi eq, %get3A_239, %eq3A_242 : vector<16xi32>
          %add3A_244 = vector.broadcast %add3A_241 : i32 to vector<16xi32>
          %add3A_245 = arith.addi %iota3A, %add3A_244 : vector<16xi32>
          %le3A_246 = vector.broadcast %or3A : i32 to vector<16xi32>
          %le3A_247 = arith.cmpi sle, %add3A_245, %le3A_246 : vector<16xi32>
          %and3A = arith.andi %eq3A_243, %le3A_247 : vector<16xi1>
          %jit3A = arith.constant 1 : i32
          %jit3A_248 = arith.constant 0 : i32
          %broadcast_in_dim3A_249 = vector.broadcast %jit3A : i32 to vector<16xi32>
          %broadcast_in_dim3A_250 = vector.broadcast %jit3A_248 : i32 to vector<16xi32>
          %select_n3A_251 = arith.select %and3A, %broadcast_in_dim3A_249, %broadcast_in_dim3A_250 : vector<16xi1>, vector<16xi32>
          %add3A_252 = arith.addi %scan3A_232, %select_n3A_251 : vector<16xi32>
          %add3A_253 = arith.constant 16 : i32
          %add3A_254 = arith.addi %mul3A_236, %add3A_253 : i32
          %get3A_255 = arith.index_cast %add3A_254 : i32 to index
          %get3A_256 = tpu.vector_load %arg8[%get3A_255] {strides = array<i32>} : memref<4096xi32, #tpu.memory_space<vmem>>, vector<16xi32>,
          %add3A_257 = arith.constant 16 : i32
          %add3A_258 = arith.addi %mul3A_236, %add3A_257 : i32
          %eq3A_259 = vector.broadcast %xor3A_118 : i32 to vector<16xi32>
          %eq3A_260 = arith.cmpi eq, %get3A_256, %eq3A_259 : vector<16xi32>
          %add3A_261 = vector.broadcast %add3A_258 : i32 to vector<16xi32>
          %add3A_262 = arith.addi %iota3A, %add3A_261 : vector<16xi32>
          %le3A_263 = vector.broadcast %or3A : i32 to vector<16xi32>
          %le3A_264 = arith.cmpi sle, %add3A_262, %le3A_263 : vector<16xi32>
          %and3A_265 = arith.andi %eq3A_260, %le3A_264 : vector<16xi1>
          %jit3A_266 = arith.constant 1 : i32
          %jit3A_267 = arith.constant 0 : i32
          %broadcast_in_dim3A_268 = vector.broadcast %jit3A_266 : i32 to vector<16xi32>
          %broadcast_in_dim3A_269 = vector.broadcast %jit3A_267 : i32 to vector<16xi32>
          %select_n3A_270 = arith.select %and3A_265, %broadcast_in_dim3A_268, %broadcast_in_dim3A_269 : vector<16xi1>, vector<16xi32>
          %add3A_271 = arith.addi %add3A_252, %select_n3A_270 : vector<16xi32>
          %add3A_272 = arith.constant 32 : i32
          %add3A_273 = arith.addi %mul3A_236, %add3A_272 : i32
          %get3A_274 = arith.index_cast %add3A_273 : i32 to index
          %get3A_275 = tpu.vector_load %arg8[%get3A_274] {strides = array<i32>} : memref<4096xi32, #tpu.memory_space<vmem>>, vector<16xi32>,
          %add3A_276 = arith.constant 32 : i32
          %add3A_277 = arith.addi %mul3A_236, %add3A_276 : i32
          %eq3A_278 = vector.broadcast %xor3A_118 : i32 to vector<16xi32>
          %eq3A_279 = arith.cmpi eq, %get3A_275, %eq3A_278 : vector<16xi32>
          %add3A_280 = vector.broadcast %add3A_277 : i32 to vector<16xi32>
          %add3A_281 = arith.addi %iota3A, %add3A_280 : vector<16xi32>
          %le3A_282 = vector.broadcast %or3A : i32 to vector<16xi32>
          %le3A_283 = arith.cmpi sle, %add3A_281, %le3A_282 : vector<16xi32>
          %and3A_284 = arith.andi %eq3A_279, %le3A_283 : vector<16xi1>
          %jit3A_285 = arith.constant 1 : i32
          %jit3A_286 = arith.constant 0 : i32
          %broadcast_in_dim3A_287 = vector.broadcast %jit3A_285 : i32 to vector<16xi32>
          %broadcast_in_dim3A_288 = vector.broadcast %jit3A_286 : i32 to vector<16xi32>
          %select_n3A_289 = arith.select %and3A_284, %broadcast_in_dim3A_287, %broadcast_in_dim3A_288 : vector<16xi1>, vector<16xi32>
          %add3A_290 = arith.addi %add3A_271, %select_n3A_289 : vector<16xi32>
          %add3A_291 = arith.constant 48 : i32
          %add3A_292 = arith.addi %mul3A_236, %add3A_291 : i32
          %get3A_293 = arith.index_cast %add3A_292 : i32 to index
          %get3A_294 = tpu.vector_load %arg8[%get3A_293] {strides = array<i32>} : memref<4096xi32, #tpu.memory_space<vmem>>, vector<16xi32>,
          %add3A_295 = arith.constant 48 : i32
          %add3A_296 = arith.addi %mul3A_236, %add3A_295 : i32
          %eq3A_297 = vector.broadcast %xor3A_118 : i32 to vector<16xi32>
          %eq3A_298 = arith.cmpi eq, %get3A_294, %eq3A_297 : vector<16xi32>
          %add3A_299 = vector.broadcast %add3A_296 : i32 to vector<16xi32>
          %add3A_300 = arith.addi %iota3A, %add3A_299 : vector<16xi32>
          %le3A_301 = vector.broadcast %or3A : i32 to vector<16xi32>
          %le3A_302 = arith.cmpi sle, %add3A_300, %le3A_301 : vector<16xi32>
          %and3A_303 = arith.andi %eq3A_298, %le3A_302 : vector<16xi1>
          %jit3A_304 = arith.constant 1 : i32
          %jit3A_305 = arith.constant 0 : i32
          %broadcast_in_dim3A_306 = vector.broadcast %jit3A_304 : i32 to vector<16xi32>
          %broadcast_in_dim3A_307 = vector.broadcast %jit3A_305 : i32 to vector<16xi32>
          %select_n3A_308 = arith.select %and3A_303, %broadcast_in_dim3A_306, %broadcast_in_dim3A_307 : vector<16xi1>, vector<16xi32>
          %add3A_309 = arith.addi %add3A_290, %select_n3A_308 : vector<16xi32>
          %add3A_310 = arith.constant 64 : i32
          %add3A_311 = arith.addi %mul3A_236, %add3A_310 : i32
          %get3A_312 = arith.index_cast %add3A_311 : i32 to index
          %get3A_313 = tpu.vector_load %arg8[%get3A_312] {strides = array<i32>} : memref<4096xi32, #tpu.memory_space<vmem>>, vector<16xi32>,
          %add3A_314 = arith.constant 64 : i32
          %add3A_315 = arith.addi %mul3A_236, %add3A_314 : i32
          %eq3A_316 = vector.broadcast %xor3A_118 : i32 to vector<16xi32>
          %eq3A_317 = arith.cmpi eq, %get3A_313, %eq3A_316 : vector<16xi32>
          %add3A_318 = vector.broadcast %add3A_315 : i32 to vector<16xi32>
          %add3A_319 = arith.addi %iota3A, %add3A_318 : vector<16xi32>
          %le3A_320 = vector.broadcast %or3A : i32 to vector<16xi32>
          %le3A_321 = arith.cmpi sle, %add3A_319, %le3A_320 : vector<16xi32>
          %and3A_322 = arith.andi %eq3A_317, %le3A_321 : vector<16xi1>
          %jit3A_323 = arith.constant 1 : i32
          %jit3A_324 = arith.constant 0 : i32
          %broadcast_in_dim3A_325 = vector.broadcast %jit3A_323 : i32 to vector<16xi32>
          %broadcast_in_dim3A_326 = vector.broadcast %jit3A_324 : i32 to vector<16xi32>
          %select_n3A_327 = arith.select %and3A_322, %broadcast_in_dim3A_325, %broadcast_in_dim3A_326 : vector<16xi1>, vector<16xi32>
          %add3A_328 = arith.addi %add3A_309, %select_n3A_327 : vector<16xi32>
          %add3A_329 = arith.constant 80 : i32
          %add3A_330 = arith.addi %mul3A_236, %add3A_329 : i32
          %get3A_331 = arith.index_cast %add3A_330 : i32 to index
          %get3A_332 = tpu.vector_load %arg8[%get3A_331] {strides = array<i32>} : memref<4096xi32, #tpu.memory_space<vmem>>, vector<16xi32>,
          %add3A_333 = arith.constant 80 : i32
          %add3A_334 = arith.addi %mul3A_236, %add3A_333 : i32
          %eq3A_335 = vector.broadcast %xor3A_118 : i32 to vector<16xi32>
          %eq3A_336 = arith.cmpi eq, %get3A_332, %eq3A_335 : vector<16xi32>
          %add3A_337 = vector.broadcast %add3A_334 : i32 to vector<16xi32>
          %add3A_338 = arith.addi %iota3A, %add3A_337 : vector<16xi32>
          %le3A_339 = vector.broadcast %or3A : i32 to vector<16xi32>
          %le3A_340 = arith.cmpi sle, %add3A_338, %le3A_339 : vector<16xi32>
          %and3A_341 = arith.andi %eq3A_336, %le3A_340 : vector<16xi1>
          %jit3A_342 = arith.constant 1 : i32
          %jit3A_343 = arith.constant 0 : i32
          %broadcast_in_dim3A_344 = vector.broadcast %jit3A_342 : i32 to vector<16xi32>
          %broadcast_in_dim3A_345 = vector.broadcast %jit3A_343 : i32 to vector<16xi32>
          %select_n3A_346 = arith.select %and3A_341, %broadcast_in_dim3A_344, %broadcast_in_dim3A_345 : vector<16xi1>, vector<16xi32>
          %add3A_347 = arith.addi %add3A_328, %select_n3A_346 : vector<16xi32>
          %add3A_348 = arith.constant 96 : i32
          %add3A_349 = arith.addi %mul3A_236, %add3A_348 : i32
          %get3A_350 = arith.index_cast %add3A_349 : i32 to index
          %get3A_351 = tpu.vector_load %arg8[%get3A_350] {strides = array<i32>} : memref<4096xi32, #tpu.memory_space<vmem>>, vector<16xi32>,
          %add3A_352 = arith.constant 96 : i32
          %add3A_353 = arith.addi %mul3A_236, %add3A_352 : i32
          %eq3A_354 = vector.broadcast %xor3A_118 : i32 to vector<16xi32>
          %eq3A_355 = arith.cmpi eq, %get3A_351, %eq3A_354 : vector<16xi32>
          %add3A_356 = vector.broadcast %add3A_353 : i32 to vector<16xi32>
          %add3A_357 = arith.addi %iota3A, %add3A_356 : vector<16xi32>
          %le3A_358 = vector.broadcast %or3A : i32 to vector<16xi32>
          %le3A_359 = arith.cmpi sle, %add3A_357, %le3A_358 : vector<16xi32>
          %and3A_360 = arith.andi %eq3A_355, %le3A_359 : vector<16xi1>
          %jit3A_361 = arith.constant 1 : i32
          %jit3A_362 = arith.constant 0 : i32
          %broadcast_in_dim3A_363 = vector.broadcast %jit3A_361 : i32 to vector<16xi32>
          %broadcast_in_dim3A_364 = vector.broadcast %jit3A_362 : i32 to vector<16xi32>
          %select_n3A_365 = arith.select %and3A_360, %broadcast_in_dim3A_363, %broadcast_in_dim3A_364 : vector<16xi1>, vector<16xi32>
          %add3A_366 = arith.addi %add3A_347, %select_n3A_365 : vector<16xi32>
          %add3A_367 = arith.constant 112 : i32
          %add3A_368 = arith.addi %mul3A_236, %add3A_367 : i32
          %get3A_369 = arith.index_cast %add3A_368 : i32 to index
          %get3A_370 = tpu.vector_load %arg8[%get3A_369] {strides = array<i32>} : memref<4096xi32, #tpu.memory_space<vmem>>, vector<16xi32>,
          %add3A_371 = arith.constant 112 : i32
          %add3A_372 = arith.addi %mul3A_236, %add3A_371 : i32
          %eq3A_373 = vector.broadcast %xor3A_118 : i32 to vector<16xi32>
          %eq3A_374 = arith.cmpi eq, %get3A_370, %eq3A_373 : vector<16xi32>
          %add3A_375 = vector.broadcast %add3A_372 : i32 to vector<16xi32>
          %add3A_376 = arith.addi %iota3A, %add3A_375 : vector<16xi32>
          %le3A_377 = vector.broadcast %or3A : i32 to vector<16xi32>
          %le3A_378 = arith.cmpi sle, %add3A_376, %le3A_377 : vector<16xi32>
          %and3A_379 = arith.andi %eq3A_374, %le3A_378 : vector<16xi1>
          %jit3A_380 = arith.constant 1 : i32
          %jit3A_381 = arith.constant 0 : i32
          %broadcast_in_dim3A_382 = vector.broadcast %jit3A_380 : i32 to vector<16xi32>
          %broadcast_in_dim3A_383 = vector.broadcast %jit3A_381 : i32 to vector<16xi32>
          %select_n3A_384 = arith.select %and3A_379, %broadcast_in_dim3A_382, %broadcast_in_dim3A_383 : vector<16xi1>, vector<16xi32>
          %add3A_385 = arith.addi %add3A_366, %select_n3A_384 : vector<16xi32>
          %add3A_386 = arith.constant 128 : i32
          %add3A_387 = arith.addi %mul3A_236, %add3A_386 : i32
          %get3A_388 = arith.index_cast %add3A_387 : i32 to index
          %get3A_389 = tpu.vector_load %arg8[%get3A_388] {strides = array<i32>} : memref<4096xi32, #tpu.memory_space<vmem>>, vector<16xi32>,
          %add3A_390 = arith.constant 128 : i32
          %add3A_391 = arith.addi %mul3A_236, %add3A_390 : i32
          %eq3A_392 = vector.broadcast %xor3A_118 : i32 to vector<16xi32>
          %eq3A_393 = arith.cmpi eq, %get3A_389, %eq3A_392 : vector<16xi32>
          %add3A_394 = vector.broadcast %add3A_391 : i32 to vector<16xi32>
          %add3A_395 = arith.addi %iota3A, %add3A_394 : vector<16xi32>
          %le3A_396 = vector.broadcast %or3A : i32 to vector<16xi32>
          %le3A_397 = arith.cmpi sle, %add3A_395, %le3A_396 : vector<16xi32>
          %and3A_398 = arith.andi %eq3A_393, %le3A_397 : vector<16xi1>
          %jit3A_399 = arith.constant 1 : i32
          %jit3A_400 = arith.constant 0 : i32
          %broadcast_in_dim3A_401 = vector.broadcast %jit3A_399 : i32 to vector<16xi32>
          %broadcast_in_dim3A_402 = vector.broadcast %jit3A_400 : i32 to vector<16xi32>
          %select_n3A_403 = arith.select %and3A_398, %broadcast_in_dim3A_401, %broadcast_in_dim3A_402 : vector<16xi1>, vector<16xi32>
          %add3A_404 = arith.addi %add3A_385, %select_n3A_403 : vector<16xi32>
          %add3A_405 = arith.constant 144 : i32
          %add3A_406 = arith.addi %mul3A_236, %add3A_405 : i32
          %get3A_407 = arith.index_cast %add3A_406 : i32 to index
          %get3A_408 = tpu.vector_load %arg8[%get3A_407] {strides = array<i32>} : memref<4096xi32, #tpu.memory_space<vmem>>, vector<16xi32>,
          %add3A_409 = arith.constant 144 : i32
          %add3A_410 = arith.addi %mul3A_236, %add3A_409 : i32
          %eq3A_411 = vector.broadcast %xor3A_118 : i32 to vector<16xi32>
          %eq3A_412 = arith.cmpi eq, %get3A_408, %eq3A_411 : vector<16xi32>
          %add3A_413 = vector.broadcast %add3A_410 : i32 to vector<16xi32>
          %add3A_414 = arith.addi %iota3A, %add3A_413 : vector<16xi32>
          %le3A_415 = vector.broadcast %or3A : i32 to vector<16xi32>
          %le3A_416 = arith.cmpi sle, %add3A_414, %le3A_415 : vector<16xi32>
          %and3A_417 = arith.andi %eq3A_412, %le3A_416 : vector<16xi1>
          %jit3A_418 = arith.constant 1 : i32
          %jit3A_419 = arith.constant 0 : i32
          %broadcast_in_dim3A_420 = vector.broadcast %jit3A_418 : i32 to vector<16xi32>
          %broadcast_in_dim3A_421 = vector.broadcast %jit3A_419 : i32 to vector<16xi32>
          %select_n3A_422 = arith.select %and3A_417, %broadcast_in_dim3A_420, %broadcast_in_dim3A_421 : vector<16xi1>, vector<16xi32>
          %add3A_423 = arith.addi %add3A_404, %select_n3A_422 : vector<16xi32>
          %add3A_424 = arith.constant 160 : i32
          %add3A_425 = arith.addi %mul3A_236, %add3A_424 : i32
          %get3A_426 = arith.index_cast %add3A_425 : i32 to index
          %get3A_427 = tpu.vector_load %arg8[%get3A_426] {strides = array<i32>} : memref<4096xi32, #tpu.memory_space<vmem>>, vector<16xi32>,
          %add3A_428 = arith.constant 160 : i32
          %add3A_429 = arith.addi %mul3A_236, %add3A_428 : i32
          %eq3A_430 = vector.broadcast %xor3A_118 : i32 to vector<16xi32>
          %eq3A_431 = arith.cmpi eq, %get3A_427, %eq3A_430 : vector<16xi32>
          %add3A_432 = vector.broadcast %add3A_429 : i32 to vector<16xi32>
          %add3A_433 = arith.addi %iota3A, %add3A_432 : vector<16xi32>
          %le3A_434 = vector.broadcast %or3A : i32 to vector<16xi32>
          %le3A_435 = arith.cmpi sle, %add3A_433, %le3A_434 : vector<16xi32>
          %and3A_436 = arith.andi %eq3A_431, %le3A_435 : vector<16xi1>
          %jit3A_437 = arith.constant 1 : i32
          %jit3A_438 = arith.constant 0 : i32
          %broadcast_in_dim3A_439 = vector.broadcast %jit3A_437 : i32 to vector<16xi32>
          %broadcast_in_dim3A_440 = vector.broadcast %jit3A_438 : i32 to vector<16xi32>
          %select_n3A_441 = arith.select %and3A_436, %broadcast_in_dim3A_439, %broadcast_in_dim3A_440 : vector<16xi1>, vector<16xi32>
          %add3A_442 = arith.addi %add3A_423, %select_n3A_441 : vector<16xi32>
          %add3A_443 = arith.constant 176 : i32
          %add3A_444 = arith.addi %mul3A_236, %add3A_443 : i32
          %get3A_445 = arith.index_cast %add3A_444 : i32 to index
          %get3A_446 = tpu.vector_load %arg8[%get3A_445] {strides = array<i32>} : memref<4096xi32, #tpu.memory_space<vmem>>, vector<16xi32>,
          %add3A_447 = arith.constant 176 : i32
          %add3A_448 = arith.addi %mul3A_236, %add3A_447 : i32
          %eq3A_449 = vector.broadcast %xor3A_118 : i32 to vector<16xi32>
          %eq3A_450 = arith.cmpi eq, %get3A_446, %eq3A_449 : vector<16xi32>
          %add3A_451 = vector.broadcast %add3A_448 : i32 to vector<16xi32>
          %add3A_452 = arith.addi %iota3A, %add3A_451 : vector<16xi32>
          %le3A_453 = vector.broadcast %or3A : i32 to vector<16xi32>
          %le3A_454 = arith.cmpi sle, %add3A_452, %le3A_453 : vector<16xi32>
          %and3A_455 = arith.andi %eq3A_450, %le3A_454 : vector<16xi1>
          %jit3A_456 = arith.constant 1 : i32
          %jit3A_457 = arith.constant 0 : i32
          %broadcast_in_dim3A_458 = vector.broadcast %jit3A_456 : i32 to vector<16xi32>
          %broadcast_in_dim3A_459 = vector.broadcast %jit3A_457 : i32 to vector<16xi32>
          %select_n3A_460 = arith.select %and3A_455, %broadcast_in_dim3A_458, %broadcast_in_dim3A_459 : vector<16xi1>, vector<16xi32>
          %add3A_461 = arith.addi %add3A_442, %select_n3A_460 : vector<16xi32>
          %add3A_462 = arith.constant 192 : i32
          %add3A_463 = arith.addi %mul3A_236, %add3A_462 : i32
          %get3A_464 = arith.index_cast %add3A_463 : i32 to index
          %get3A_465 = tpu.vector_load %arg8[%get3A_464] {strides = array<i32>} : memref<4096xi32, #tpu.memory_space<vmem>>, vector<16xi32>,
          %add3A_466 = arith.constant 192 : i32
          %add3A_467 = arith.addi %mul3A_236, %add3A_466 : i32
          %eq3A_468 = vector.broadcast %xor3A_118 : i32 to vector<16xi32>
          %eq3A_469 = arith.cmpi eq, %get3A_465, %eq3A_468 : vector<16xi32>
          %add3A_470 = vector.broadcast %add3A_467 : i32 to vector<16xi32>
          %add3A_471 = arith.addi %iota3A, %add3A_470 : vector<16xi32>
          %le3A_472 = vector.broadcast %or3A : i32 to vector<16xi32>
          %le3A_473 = arith.cmpi sle, %add3A_471, %le3A_472 : vector<16xi32>
          %and3A_474 = arith.andi %eq3A_469, %le3A_473 : vector<16xi1>
          %jit3A_475 = arith.constant 1 : i32
          %jit3A_476 = arith.constant 0 : i32
          %broadcast_in_dim3A_477 = vector.broadcast %jit3A_475 : i32 to vector<16xi32>
          %broadcast_in_dim3A_478 = vector.broadcast %jit3A_476 : i32 to vector<16xi32>
          %select_n3A_479 = arith.select %and3A_474, %broadcast_in_dim3A_477, %broadcast_in_dim3A_478 : vector<16xi1>, vector<16xi32>
          %add3A_480 = arith.addi %add3A_461, %select_n3A_479 : vector<16xi32>
          %add3A_481 = arith.constant 208 : i32
          %add3A_482 = arith.addi %mul3A_236, %add3A_481 : i32
          %get3A_483 = arith.index_cast %add3A_482 : i32 to index
          %get3A_484 = tpu.vector_load %arg8[%get3A_483] {strides = array<i32>} : memref<4096xi32, #tpu.memory_space<vmem>>, vector<16xi32>,
          %add3A_485 = arith.constant 208 : i32
          %add3A_486 = arith.addi %mul3A_236, %add3A_485 : i32
          %eq3A_487 = vector.broadcast %xor3A_118 : i32 to vector<16xi32>
          %eq3A_488 = arith.cmpi eq, %get3A_484, %eq3A_487 : vector<16xi32>
          %add3A_489 = vector.broadcast %add3A_486 : i32 to vector<16xi32>
          %add3A_490 = arith.addi %iota3A, %add3A_489 : vector<16xi32>
          %le3A_491 = vector.broadcast %or3A : i32 to vector<16xi32>
          %le3A_492 = arith.cmpi sle, %add3A_490, %le3A_491 : vector<16xi32>
          %and3A_493 = arith.andi %eq3A_488, %le3A_492 : vector<16xi1>
          %jit3A_494 = arith.constant 1 : i32
          %jit3A_495 = arith.constant 0 : i32
          %broadcast_in_dim3A_496 = vector.broadcast %jit3A_494 : i32 to vector<16xi32>
          %broadcast_in_dim3A_497 = vector.broadcast %jit3A_495 : i32 to vector<16xi32>
          %select_n3A_498 = arith.select %and3A_493, %broadcast_in_dim3A_496, %broadcast_in_dim3A_497 : vector<16xi1>, vector<16xi32>
          %add3A_499 = arith.addi %add3A_480, %select_n3A_498 : vector<16xi32>
          %add3A_500 = arith.constant 224 : i32
          %add3A_501 = arith.addi %mul3A_236, %add3A_500 : i32
          %get3A_502 = arith.index_cast %add3A_501 : i32 to index
          %get3A_503 = tpu.vector_load %arg8[%get3A_502] {strides = array<i32>} : memref<4096xi32, #tpu.memory_space<vmem>>, vector<16xi32>,
          %add3A_504 = arith.constant 224 : i32
          %add3A_505 = arith.addi %mul3A_236, %add3A_504 : i32
          %eq3A_506 = vector.broadcast %xor3A_118 : i32 to vector<16xi32>
          %eq3A_507 = arith.cmpi eq, %get3A_503, %eq3A_506 : vector<16xi32>
          %add3A_508 = vector.broadcast %add3A_505 : i32 to vector<16xi32>
          %add3A_509 = arith.addi %iota3A, %add3A_508 : vector<16xi32>
          %le3A_510 = vector.broadcast %or3A : i32 to vector<16xi32>
          %le3A_511 = arith.cmpi sle, %add3A_509, %le3A_510 : vector<16xi32>
          %and3A_512 = arith.andi %eq3A_507, %le3A_511 : vector<16xi1>
          %jit3A_513 = arith.constant 1 : i32
          %jit3A_514 = arith.constant 0 : i32
          %broadcast_in_dim3A_515 = vector.broadcast %jit3A_513 : i32 to vector<16xi32>
          %broadcast_in_dim3A_516 = vector.broadcast %jit3A_514 : i32 to vector<16xi32>
          %select_n3A_517 = arith.select %and3A_512, %broadcast_in_dim3A_515, %broadcast_in_dim3A_516 : vector<16xi1>, vector<16xi32>
          %add3A_518 = arith.addi %add3A_499, %select_n3A_517 : vector<16xi32>
          %add3A_519 = arith.constant 240 : i32
          %add3A_520 = arith.addi %mul3A_236, %add3A_519 : i32
          %get3A_521 = arith.index_cast %add3A_520 : i32 to index
          %get3A_522 = tpu.vector_load %arg8[%get3A_521] {strides = array<i32>} : memref<4096xi32, #tpu.memory_space<vmem>>, vector<16xi32>,
          %add3A_523 = arith.constant 240 : i32
          %add3A_524 = arith.addi %mul3A_236, %add3A_523 : i32
          %eq3A_525 = vector.broadcast %xor3A_118 : i32 to vector<16xi32>
          %eq3A_526 = arith.cmpi eq, %get3A_522, %eq3A_525 : vector<16xi32>
          %add3A_527 = vector.broadcast %add3A_524 : i32 to vector<16xi32>
          %add3A_528 = arith.addi %iota3A, %add3A_527 : vector<16xi32>
          %le3A_529 = vector.broadcast %or3A : i32 to vector<16xi32>
          %le3A_530 = arith.cmpi sle, %add3A_528, %le3A_529 : vector<16xi32>
          %and3A_531 = arith.andi %eq3A_526, %le3A_530 : vector<16xi1>
          %jit3A_532 = arith.constant 1 : i32
          %jit3A_533 = arith.constant 0 : i32
          %broadcast_in_dim3A_534 = vector.broadcast %jit3A_532 : i32 to vector<16xi32>
          %broadcast_in_dim3A_535 = vector.broadcast %jit3A_533 : i32 to vector<16xi32>
          %select_n3A_536 = arith.select %and3A_531, %broadcast_in_dim3A_534, %broadcast_in_dim3A_535 : vector<16xi1>, vector<16xi32>
          %add3A_537 = arith.addi %add3A_518, %select_n3A_536 : vector<16xi32>
          scf.yield %add3A_537 : vector<16xi32>
        }
        %scan3A_226 = arith.constant 16 : i32
        %reduce_sum3A_227 = arith.constant true
        %reduce_sum3A_228 = vector.broadcast %reduce_sum3A_227 : i1 to vector<16xi1>
        %reduce_sum3A_229 = tpu.scan <sum>, %scan3A_225 masked %reduce_sum3A_228 : vector<16xi32>, vector<16xi1> -> vector<16xi32>
        %reduce_sum3A_230 = vector.extract %reduce_sum3A_229[15] : i32 from vector<16xi32>
        %le3A = arith.cmpi sle, %reduce_sum3A_230, %sub3A_129 : i32
        %select_n3A = arith.select %le3A, %or3A, %scan3A_215 : i32
        scf.yield %select_n3A : i32
      }
      %scan3A_213 = arith.constant 12 : i32
      scf.yield %scan3A_212 : i32
    }
    %dma_wait3A_133 = arith.constant 1 : i32
    %dma_wait3A_134 = arith.constant 0 : i32
    %dma_wait3A_135 = tpu.memref_slice %arg6[%dma_wait3A_134] : memref<4096xf32, #tpu.memory_space<vmem>> -> memref<2048xf32, #tpu.memory_space<vmem>>
    %dma_wait3A_136 = arith.constant 0 : i32
    %dma_wait3A_137 = tpu.memref_slice %arg2[%mul3A_29, %dma_wait3A_133, %dma_wait3A_136] : memref<64x8x2048xf32, #tpu.memory_space<hbm>> -> memref<1x1x2048xf32, #tpu.memory_space<hbm>>
    %dma_wait3A_138 = tpu.memref_squeeze %dma_wait3A_137 : memref<1x1x2048xf32, #tpu.memory_space<hbm>> -> memref<2048xf32, #tpu.memory_space<hbm>>
    %dma_wait3A_139 = arith.constant 0 : i32
    %dma_wait3A_140 = tpu.memref_slice %arg6[%dma_wait3A_139] : memref<4096xf32, #tpu.memory_space<vmem>> -> memref<2048xf32, #tpu.memory_space<vmem>>
    %dma_wait3A_141 = arith.constant 0 : i32
    %dma_wait3A_142 = tpu.memref_slice %arg2[%mul3A_29, %dma_wait3A_133, %dma_wait3A_141] : memref<64x8x2048xf32, #tpu.memory_space<hbm>> -> memref<1x1x2048xf32, #tpu.memory_space<hbm>>
    %dma_wait3A_143 = tpu.memref_squeeze %dma_wait3A_142 : memref<1x1x2048xf32, #tpu.memory_space<hbm>> -> memref<2048xf32, #tpu.memory_space<hbm>>
    tpu.wait_dma2 semaphore(%arg12 : memref<!tpu.dma_semaphore, #tpu.memory_space<semaphore_mem>>) src(%dma_wait3A_143 : memref<2048xf32, #tpu.memory_space<hbm>>) dst(%dma_wait3A_140 : memref<2048xf32, #tpu.memory_space<vmem>>)
    %dma_wait3A_144 = arith.constant 1 : i32
    %dma_wait3A_145 = arith.constant 2048 : i32
    %dma_wait3A_146 = tpu.memref_slice %arg6[%dma_wait3A_145] : memref<4096xf32, #tpu.memory_space<vmem>> -> memref<2048xf32, #tpu.memory_space<vmem>>
    %dma_wait3A_147 = arith.constant 0 : i32
    %dma_wait3A_148 = tpu.memref_slice %arg2[%add3A_44, %dma_wait3A_144, %dma_wait3A_147] : memref<64x8x2048xf32, #tpu.memory_space<hbm>> -> memref<1x1x2048xf32, #tpu.memory_space<hbm>>
    %dma_wait3A_149 = tpu.memref_squeeze %dma_wait3A_148 : memref<1x1x2048xf32, #tpu.memory_space<hbm>> -> memref<2048xf32, #tpu.memory_space<hbm>>
    %dma_wait3A_150 = arith.constant 2048 : i32
    %dma_wait3A_151 = tpu.memref_slice %arg6[%dma_wait3A_150] : memref<4096xf32, #tpu.memory_space<vmem>> -> memref<2048xf32, #tpu.memory_space<vmem>>
    %dma_wait3A_152 = arith.constant 0 : i32
    %dma_wait3A_153 = tpu.memref_slice %arg2[%add3A_44, %dma_wait3A_144, %dma_wait3A_152] : memref<64x8x2048xf32, #tpu.memory_space<hbm>> -> memref<1x1x2048xf32, #tpu.memory_space<hbm>>
    %dma_wait3A_154 = tpu.memref_squeeze %dma_wait3A_153 : memref<1x1x2048xf32, #tpu.memory_space<hbm>> -> memref<2048xf32, #tpu.memory_space<hbm>>
    tpu.wait_dma2 semaphore(%arg12 : memref<!tpu.dma_semaphore, #tpu.memory_space<semaphore_mem>>) src(%dma_wait3A_154 : memref<2048xf32, #tpu.memory_space<hbm>>) dst(%dma_wait3A_151 : memref<2048xf32, #tpu.memory_space<vmem>>)
    %dma_wait3A_155 = arith.constant 2 : i32
    %dma_wait3A_156 = arith.constant 0 : i32
    %dma_wait3A_157 = tpu.memref_slice %arg7[%dma_wait3A_156] : memref<4096xf32, #tpu.memory_space<vmem>> -> memref<2048xf32, #tpu.memory_space<vmem>>
    %dma_wait3A_158 = arith.constant 0 : i32
    %dma_wait3A_159 = tpu.memref_slice %arg2[%mul3A_57, %dma_wait3A_155, %dma_wait3A_158] : memref<64x8x2048xf32, #tpu.memory_space<hbm>> -> memref<1x1x2048xf32, #tpu.memory_space<hbm>>
    %dma_wait3A_160 = tpu.memref_squeeze %dma_wait3A_159 : memref<1x1x2048xf32, #tpu.memory_space<hbm>> -> memref<2048xf32, #tpu.memory_space<hbm>>
    %dma_wait3A_161 = arith.constant 0 : i32
    %dma_wait3A_162 = tpu.memref_slice %arg7[%dma_wait3A_161] : memref<4096xf32, #tpu.memory_space<vmem>> -> memref<2048xf32, #tpu.memory_space<vmem>>
    %dma_wait3A_163 = arith.constant 0 : i32
    %dma_wait3A_164 = tpu.memref_slice %arg2[%mul3A_57, %dma_wait3A_155, %dma_wait3A_163] : memref<64x8x2048xf32, #tpu.memory_space<hbm>> -> memref<1x1x2048xf32, #tpu.memory_space<hbm>>
    %dma_wait3A_165 = tpu.memref_squeeze %dma_wait3A_164 : memref<1x1x2048xf32, #tpu.memory_space<hbm>> -> memref<2048xf32, #tpu.memory_space<hbm>>
    tpu.wait_dma2 semaphore(%arg12 : memref<!tpu.dma_semaphore, #tpu.memory_space<semaphore_mem>>) src(%dma_wait3A_165 : memref<2048xf32, #tpu.memory_space<hbm>>) dst(%dma_wait3A_162 : memref<2048xf32, #tpu.memory_space<vmem>>)
    %dma_wait3A_166 = arith.constant 2 : i32
    %dma_wait3A_167 = arith.constant 2048 : i32
    %dma_wait3A_168 = tpu.memref_slice %arg7[%dma_wait3A_167] : memref<4096xf32, #tpu.memory_space<vmem>> -> memref<2048xf32, #tpu.memory_space<vmem>>
    %dma_wait3A_169 = arith.constant 0 : i32
    %dma_wait3A_170 = tpu.memref_slice %arg2[%add3A_72, %dma_wait3A_166, %dma_wait3A_169] : memref<64x8x2048xf32, #tpu.memory_space<hbm>> -> memref<1x1x2048xf32, #tpu.memory_space<hbm>>
    %dma_wait3A_171 = tpu.memref_squeeze %dma_wait3A_170 : memref<1x1x2048xf32, #tpu.memory_space<hbm>> -> memref<2048xf32, #tpu.memory_space<hbm>>
    %dma_wait3A_172 = arith.constant 2048 : i32
    %dma_wait3A_173 = tpu.memref_slice %arg7[%dma_wait3A_172] : memref<4096xf32, #tpu.memory_space<vmem>> -> memref<2048xf32, #tpu.memory_space<vmem>>
    %dma_wait3A_174 = arith.constant 0 : i32
    %dma_wait3A_175 = tpu.memref_slice %arg2[%add3A_72, %dma_wait3A_166, %dma_wait3A_174] : memref<64x8x2048xf32, #tpu.memory_space<hbm>> -> memref<1x1x2048xf32, #tpu.memory_space<hbm>>
    %dma_wait3A_176 = tpu.memref_squeeze %dma_wait3A_175 : memref<1x1x2048xf32, #tpu.memory_space<hbm>> -> memref<2048xf32, #tpu.memory_space<hbm>>
    tpu.wait_dma2 semaphore(%arg12 : memref<!tpu.dma_semaphore, #tpu.memory_space<semaphore_mem>>) src(%dma_wait3A_176 : memref<2048xf32, #tpu.memory_space<hbm>>) dst(%dma_wait3A_173 : memref<2048xf32, #tpu.memory_space<vmem>>)
    %scan3A_177 = arith.constant 0 : i32
    %scan3A_178 = arith.constant 0 : i32
    %scan3A_179 = arith.constant 16 : i32
    %scan3A_180 = arith.addi %scan3A_178, %scan3A_179 : i32
    %scan3A_181 = arith.constant 1 : i32
    scf.for %scan3A_207 = %scan3A_178 to %scan3A_180 step %scan3A_181  : i32 {
      %mul3A_208 = arith.constant 16 : i32
      %mul3A_209 = arith.muli %scan3A_207, %mul3A_208 : i32
      %mul3A_210 = arith.constant 16 : i32
      %mul3A_211 = arith.muli %mul3A_209, %mul3A_210 : i32
      %add3A_212 = arith.constant 0 : i32
      %add3A_213 = arith.addi %mul3A_211, %add3A_212 : i32
      %get3A = arith.index_cast %add3A_213 : i32 to index
      %get3A_214 = tpu.vector_load %arg8[%get3A] {strides = array<i32>} : memref<4096xi32, #tpu.memory_space<vmem>>, vector<16xi32>,
      %gt3A = vector.broadcast %xor3A_118 : i32 to vector<16xi32>
      %gt3A_215 = arith.cmpi sgt, %get3A_214, %gt3A : vector<16xi32>
      %eq3A_216 = vector.broadcast %xor3A_118 : i32 to vector<16xi32>
      %eq3A_217 = arith.cmpi eq, %get3A_214, %eq3A_216 : vector<16xi32>
      %add3A_218 = vector.broadcast %add3A_213 : i32 to vector<16xi32>
      %add3A_219 = arith.addi %iota3A, %add3A_218 : vector<16xi32>
      %le3A = vector.broadcast %cond3A_132 : i32 to vector<16xi32>
      %le3A_220 = arith.cmpi sle, %add3A_219, %le3A : vector<16xi32>
      %and3A = arith.andi %eq3A_217, %le3A_220 : vector<16xi1>
      %or3A = arith.ori %gt3A_215, %and3A : vector<16xi1>
      %jit3A = arith.constant 1 : i32
      %jit3A_221 = arith.constant 0 : i32
      %broadcast_in_dim3A_222 = vector.broadcast %jit3A : i32 to vector<16xi32>
      %broadcast_in_dim3A_223 = vector.broadcast %jit3A_221 : i32 to vector<16xi32>
      %select_n3A = arith.select %or3A, %broadcast_in_dim3A_222, %broadcast_in_dim3A_223 : vector<16xi1>, vector<16xi32>
      %swap3A = arith.index_cast %add3A_213 : i32 to index
      %swap3A_224 = tpu.vector_load %arg9[%swap3A] {strides = array<i32>} : memref<4096xi32, #tpu.memory_space<vmem>>, vector<16xi32>,
      tpu.vector_store %arg9[%swap3A], %select_n3A {strides = array<i32>} : memref<4096xi32, #tpu.memory_space<vmem>>, vector<16xi32>,
      %get3A_225 = arith.index_cast %add3A_213 : i32 to index
      %get3A_226 = tpu.vector_load %arg7[%get3A_225] {strides = array<i32>} : memref<4096xf32, #tpu.memory_space<vmem>>, vector<16xf32>,
      %get3A_227 = arith.index_cast %add3A_213 : i32 to index
      %get3A_228 = tpu.vector_load %arg6[%get3A_227] {strides = array<i32>} : memref<4096xf32, #tpu.memory_space<vmem>>, vector<16xf32>,
      %select_n3A_229 = arith.select %or3A, %get3A_226, %get3A_228 : vector<16xi1>, vector<16xf32>
      %swap3A_230 = arith.index_cast %add3A_213 : i32 to index
      %swap3A_231 = tpu.vector_load %arg10[%swap3A_230] {strides = array<i32>} : memref<4096xf32, #tpu.memory_space<vmem>>, vector<16xf32>,
      tpu.vector_store %arg10[%swap3A_230], %select_n3A_229 {strides = array<i32>} : memref<4096xf32, #tpu.memory_space<vmem>>, vector<16xf32>,
      %add3A_232 = arith.constant 16 : i32
      %add3A_233 = arith.addi %mul3A_211, %add3A_232 : i32
      %get3A_234 = arith.index_cast %add3A_233 : i32 to index
      %get3A_235 = tpu.vector_load %arg8[%get3A_234] {strides = array<i32>} : memref<4096xi32, #tpu.memory_space<vmem>>, vector<16xi32>,
      %gt3A_236 = vector.broadcast %xor3A_118 : i32 to vector<16xi32>
      %gt3A_237 = arith.cmpi sgt, %get3A_235, %gt3A_236 : vector<16xi32>
      %eq3A_238 = vector.broadcast %xor3A_118 : i32 to vector<16xi32>
      %eq3A_239 = arith.cmpi eq, %get3A_235, %eq3A_238 : vector<16xi32>
      %add3A_240 = vector.broadcast %add3A_233 : i32 to vector<16xi32>
      %add3A_241 = arith.addi %iota3A, %add3A_240 : vector<16xi32>
      %le3A_242 = vector.broadcast %cond3A_132 : i32 to vector<16xi32>
      %le3A_243 = arith.cmpi sle, %add3A_241, %le3A_242 : vector<16xi32>
      %and3A_244 = arith.andi %eq3A_239, %le3A_243 : vector<16xi1>
      %or3A_245 = arith.ori %gt3A_237, %and3A_244 : vector<16xi1>
      %jit3A_246 = arith.constant 1 : i32
      %jit3A_247 = arith.constant 0 : i32
      %broadcast_in_dim3A_248 = vector.broadcast %jit3A_246 : i32 to vector<16xi32>
      %broadcast_in_dim3A_249 = vector.broadcast %jit3A_247 : i32 to vector<16xi32>
      %select_n3A_250 = arith.select %or3A_245, %broadcast_in_dim3A_248, %broadcast_in_dim3A_249 : vector<16xi1>, vector<16xi32>
      %swap3A_251 = arith.index_cast %add3A_233 : i32 to index
      %swap3A_252 = tpu.vector_load %arg9[%swap3A_251] {strides = array<i32>} : memref<4096xi32, #tpu.memory_space<vmem>>, vector<16xi32>,
      tpu.vector_store %arg9[%swap3A_251], %select_n3A_250 {strides = array<i32>} : memref<4096xi32, #tpu.memory_space<vmem>>, vector<16xi32>,
      %get3A_253 = arith.index_cast %add3A_233 : i32 to index
      %get3A_254 = tpu.vector_load %arg7[%get3A_253] {strides = array<i32>} : memref<4096xf32, #tpu.memory_space<vmem>>, vector<16xf32>,
      %get3A_255 = arith.index_cast %add3A_233 : i32 to index
      %get3A_256 = tpu.vector_load %arg6[%get3A_255] {strides = array<i32>} : memref<4096xf32, #tpu.memory_space<vmem>>, vector<16xf32>,
      %select_n3A_257 = arith.select %or3A_245, %get3A_254, %get3A_256 : vector<16xi1>, vector<16xf32>
      %swap3A_258 = arith.index_cast %add3A_233 : i32 to index
      %swap3A_259 = tpu.vector_load %arg10[%swap3A_258] {strides = array<i32>} : memref<4096xf32, #tpu.memory_space<vmem>>, vector<16xf32>,
      tpu.vector_store %arg10[%swap3A_258], %select_n3A_257 {strides = array<i32>} : memref<4096xf32, #tpu.memory_space<vmem>>, vector<16xf32>,
      %add3A_260 = arith.constant 32 : i32
      %add3A_261 = arith.addi %mul3A_211, %add3A_260 : i32
      %get3A_262 = arith.index_cast %add3A_261 : i32 to index
      %get3A_263 = tpu.vector_load %arg8[%get3A_262] {strides = array<i32>} : memref<4096xi32, #tpu.memory_space<vmem>>, vector<16xi32>,
      %gt3A_264 = vector.broadcast %xor3A_118 : i32 to vector<16xi32>
      %gt3A_265 = arith.cmpi sgt, %get3A_263, %gt3A_264 : vector<16xi32>
      %eq3A_266 = vector.broadcast %xor3A_118 : i32 to vector<16xi32>
      %eq3A_267 = arith.cmpi eq, %get3A_263, %eq3A_266 : vector<16xi32>
      %add3A_268 = vector.broadcast %add3A_261 : i32 to vector<16xi32>
      %add3A_269 = arith.addi %iota3A, %add3A_268 : vector<16xi32>
      %le3A_270 = vector.broadcast %cond3A_132 : i32 to vector<16xi32>
      %le3A_271 = arith.cmpi sle, %add3A_269, %le3A_270 : vector<16xi32>
      %and3A_272 = arith.andi %eq3A_267, %le3A_271 : vector<16xi1>
      %or3A_273 = arith.ori %gt3A_265, %and3A_272 : vector<16xi1>
      %jit3A_274 = arith.constant 1 : i32
      %jit3A_275 = arith.constant 0 : i32
      %broadcast_in_dim3A_276 = vector.broadcast %jit3A_274 : i32 to vector<16xi32>
      %broadcast_in_dim3A_277 = vector.broadcast %jit3A_275 : i32 to vector<16xi32>
      %select_n3A_278 = arith.select %or3A_273, %broadcast_in_dim3A_276, %broadcast_in_dim3A_277 : vector<16xi1>, vector<16xi32>
      %swap3A_279 = arith.index_cast %add3A_261 : i32 to index
      %swap3A_280 = tpu.vector_load %arg9[%swap3A_279] {strides = array<i32>} : memref<4096xi32, #tpu.memory_space<vmem>>, vector<16xi32>,
      tpu.vector_store %arg9[%swap3A_279], %select_n3A_278 {strides = array<i32>} : memref<4096xi32, #tpu.memory_space<vmem>>, vector<16xi32>,
      %get3A_281 = arith.index_cast %add3A_261 : i32 to index
      %get3A_282 = tpu.vector_load %arg7[%get3A_281] {strides = array<i32>} : memref<4096xf32, #tpu.memory_space<vmem>>, vector<16xf32>,
      %get3A_283 = arith.index_cast %add3A_261 : i32 to index
      %get3A_284 = tpu.vector_load %arg6[%get3A_283] {strides = array<i32>} : memref<4096xf32, #tpu.memory_space<vmem>>, vector<16xf32>,
      %select_n3A_285 = arith.select %or3A_273, %get3A_282, %get3A_284 : vector<16xi1>, vector<16xf32>
      %swap3A_286 = arith.index_cast %add3A_261 : i32 to index
      %swap3A_287 = tpu.vector_load %arg10[%swap3A_286] {strides = array<i32>} : memref<4096xf32, #tpu.memory_space<vmem>>, vector<16xf32>,
      tpu.vector_store %arg10[%swap3A_286], %select_n3A_285 {strides = array<i32>} : memref<4096xf32, #tpu.memory_space<vmem>>, vector<16xf32>,
      %add3A_288 = arith.constant 48 : i32
      %add3A_289 = arith.addi %mul3A_211, %add3A_288 : i32
      %get3A_290 = arith.index_cast %add3A_289 : i32 to index
      %get3A_291 = tpu.vector_load %arg8[%get3A_290] {strides = array<i32>} : memref<4096xi32, #tpu.memory_space<vmem>>, vector<16xi32>,
      %gt3A_292 = vector.broadcast %xor3A_118 : i32 to vector<16xi32>
      %gt3A_293 = arith.cmpi sgt, %get3A_291, %gt3A_292 : vector<16xi32>
      %eq3A_294 = vector.broadcast %xor3A_118 : i32 to vector<16xi32>
      %eq3A_295 = arith.cmpi eq, %get3A_291, %eq3A_294 : vector<16xi32>
      %add3A_296 = vector.broadcast %add3A_289 : i32 to vector<16xi32>
      %add3A_297 = arith.addi %iota3A, %add3A_296 : vector<16xi32>
      %le3A_298 = vector.broadcast %cond3A_132 : i32 to vector<16xi32>
      %le3A_299 = arith.cmpi sle, %add3A_297, %le3A_298 : vector<16xi32>
      %and3A_300 = arith.andi %eq3A_295, %le3A_299 : vector<16xi1>
      %or3A_301 = arith.ori %gt3A_293, %and3A_300 : vector<16xi1>
      %jit3A_302 = arith.constant 1 : i32
      %jit3A_303 = arith.constant 0 : i32
      %broadcast_in_dim3A_304 = vector.broadcast %jit3A_302 : i32 to vector<16xi32>
      %broadcast_in_dim3A_305 = vector.broadcast %jit3A_303 : i32 to vector<16xi32>
      %select_n3A_306 = arith.select %or3A_301, %broadcast_in_dim3A_304, %broadcast_in_dim3A_305 : vector<16xi1>, vector<16xi32>
      %swap3A_307 = arith.index_cast %add3A_289 : i32 to index
      %swap3A_308 = tpu.vector_load %arg9[%swap3A_307] {strides = array<i32>} : memref<4096xi32, #tpu.memory_space<vmem>>, vector<16xi32>,
      tpu.vector_store %arg9[%swap3A_307], %select_n3A_306 {strides = array<i32>} : memref<4096xi32, #tpu.memory_space<vmem>>, vector<16xi32>,
      %get3A_309 = arith.index_cast %add3A_289 : i32 to index
      %get3A_310 = tpu.vector_load %arg7[%get3A_309] {strides = array<i32>} : memref<4096xf32, #tpu.memory_space<vmem>>, vector<16xf32>,
      %get3A_311 = arith.index_cast %add3A_289 : i32 to index
      %get3A_312 = tpu.vector_load %arg6[%get3A_311] {strides = array<i32>} : memref<4096xf32, #tpu.memory_space<vmem>>, vector<16xf32>,
      %select_n3A_313 = arith.select %or3A_301, %get3A_310, %get3A_312 : vector<16xi1>, vector<16xf32>
      %swap3A_314 = arith.index_cast %add3A_289 : i32 to index
      %swap3A_315 = tpu.vector_load %arg10[%swap3A_314] {strides = array<i32>} : memref<4096xf32, #tpu.memory_space<vmem>>, vector<16xf32>,
      tpu.vector_store %arg10[%swap3A_314], %select_n3A_313 {strides = array<i32>} : memref<4096xf32, #tpu.memory_space<vmem>>, vector<16xf32>,
      %add3A_316 = arith.constant 64 : i32
      %add3A_317 = arith.addi %mul3A_211, %add3A_316 : i32
      %get3A_318 = arith.index_cast %add3A_317 : i32 to index
      %get3A_319 = tpu.vector_load %arg8[%get3A_318] {strides = array<i32>} : memref<4096xi32, #tpu.memory_space<vmem>>, vector<16xi32>,
      %gt3A_320 = vector.broadcast %xor3A_118 : i32 to vector<16xi32>
      %gt3A_321 = arith.cmpi sgt, %get3A_319, %gt3A_320 : vector<16xi32>
      %eq3A_322 = vector.broadcast %xor3A_118 : i32 to vector<16xi32>
      %eq3A_323 = arith.cmpi eq, %get3A_319, %eq3A_322 : vector<16xi32>
      %add3A_324 = vector.broadcast %add3A_317 : i32 to vector<16xi32>
      %add3A_325 = arith.addi %iota3A, %add3A_324 : vector<16xi32>
      %le3A_326 = vector.broadcast %cond3A_132 : i32 to vector<16xi32>
      %le3A_327 = arith.cmpi sle, %add3A_325, %le3A_326 : vector<16xi32>
      %and3A_328 = arith.andi %eq3A_323, %le3A_327 : vector<16xi1>
      %or3A_329 = arith.ori %gt3A_321, %and3A_328 : vector<16xi1>
      %jit3A_330 = arith.constant 1 : i32
      %jit3A_331 = arith.constant 0 : i32
      %broadcast_in_dim3A_332 = vector.broadcast %jit3A_330 : i32 to vector<16xi32>
      %broadcast_in_dim3A_333 = vector.broadcast %jit3A_331 : i32 to vector<16xi32>
      %select_n3A_334 = arith.select %or3A_329, %broadcast_in_dim3A_332, %broadcast_in_dim3A_333 : vector<16xi1>, vector<16xi32>
      %swap3A_335 = arith.index_cast %add3A_317 : i32 to index
      %swap3A_336 = tpu.vector_load %arg9[%swap3A_335] {strides = array<i32>} : memref<4096xi32, #tpu.memory_space<vmem>>, vector<16xi32>,
      tpu.vector_store %arg9[%swap3A_335], %select_n3A_334 {strides = array<i32>} : memref<4096xi32, #tpu.memory_space<vmem>>, vector<16xi32>,
      %get3A_337 = arith.index_cast %add3A_317 : i32 to index
      %get3A_338 = tpu.vector_load %arg7[%get3A_337] {strides = array<i32>} : memref<4096xf32, #tpu.memory_space<vmem>>, vector<16xf32>,
      %get3A_339 = arith.index_cast %add3A_317 : i32 to index
      %get3A_340 = tpu.vector_load %arg6[%get3A_339] {strides = array<i32>} : memref<4096xf32, #tpu.memory_space<vmem>>, vector<16xf32>,
      %select_n3A_341 = arith.select %or3A_329, %get3A_338, %get3A_340 : vector<16xi1>, vector<16xf32>
      %swap3A_342 = arith.index_cast %add3A_317 : i32 to index
      %swap3A_343 = tpu.vector_load %arg10[%swap3A_342] {strides = array<i32>} : memref<4096xf32, #tpu.memory_space<vmem>>, vector<16xf32>,
      tpu.vector_store %arg10[%swap3A_342], %select_n3A_341 {strides = array<i32>} : memref<4096xf32, #tpu.memory_space<vmem>>, vector<16xf32>,
      %add3A_344 = arith.constant 80 : i32
      %add3A_345 = arith.addi %mul3A_211, %add3A_344 : i32
      %get3A_346 = arith.index_cast %add3A_345 : i32 to index
      %get3A_347 = tpu.vector_load %arg8[%get3A_346] {strides = array<i32>} : memref<4096xi32, #tpu.memory_space<vmem>>, vector<16xi32>,
      %gt3A_348 = vector.broadcast %xor3A_118 : i32 to vector<16xi32>
      %gt3A_349 = arith.cmpi sgt, %get3A_347, %gt3A_348 : vector<16xi32>
      %eq3A_350 = vector.broadcast %xor3A_118 : i32 to vector<16xi32>
      %eq3A_351 = arith.cmpi eq, %get3A_347, %eq3A_350 : vector<16xi32>
      %add3A_352 = vector.broadcast %add3A_345 : i32 to vector<16xi32>
      %add3A_353 = arith.addi %iota3A, %add3A_352 : vector<16xi32>
      %le3A_354 = vector.broadcast %cond3A_132 : i32 to vector<16xi32>
      %le3A_355 = arith.cmpi sle, %add3A_353, %le3A_354 : vector<16xi32>
      %and3A_356 = arith.andi %eq3A_351, %le3A_355 : vector<16xi1>
      %or3A_357 = arith.ori %gt3A_349, %and3A_356 : vector<16xi1>
      %jit3A_358 = arith.constant 1 : i32
      %jit3A_359 = arith.constant 0 : i32
      %broadcast_in_dim3A_360 = vector.broadcast %jit3A_358 : i32 to vector<16xi32>
      %broadcast_in_dim3A_361 = vector.broadcast %jit3A_359 : i32 to vector<16xi32>
      %select_n3A_362 = arith.select %or3A_357, %broadcast_in_dim3A_360, %broadcast_in_dim3A_361 : vector<16xi1>, vector<16xi32>
      %swap3A_363 = arith.index_cast %add3A_345 : i32 to index
      %swap3A_364 = tpu.vector_load %arg9[%swap3A_363] {strides = array<i32>} : memref<4096xi32, #tpu.memory_space<vmem>>, vector<16xi32>,
      tpu.vector_store %arg9[%swap3A_363], %select_n3A_362 {strides = array<i32>} : memref<4096xi32, #tpu.memory_space<vmem>>, vector<16xi32>,
      %get3A_365 = arith.index_cast %add3A_345 : i32 to index
      %get3A_366 = tpu.vector_load %arg7[%get3A_365] {strides = array<i32>} : memref<4096xf32, #tpu.memory_space<vmem>>, vector<16xf32>,
      %get3A_367 = arith.index_cast %add3A_345 : i32 to index
      %get3A_368 = tpu.vector_load %arg6[%get3A_367] {strides = array<i32>} : memref<4096xf32, #tpu.memory_space<vmem>>, vector<16xf32>,
      %select_n3A_369 = arith.select %or3A_357, %get3A_366, %get3A_368 : vector<16xi1>, vector<16xf32>
      %swap3A_370 = arith.index_cast %add3A_345 : i32 to index
      %swap3A_371 = tpu.vector_load %arg10[%swap3A_370] {strides = array<i32>} : memref<4096xf32, #tpu.memory_space<vmem>>, vector<16xf32>,
      tpu.vector_store %arg10[%swap3A_370], %select_n3A_369 {strides = array<i32>} : memref<4096xf32, #tpu.memory_space<vmem>>, vector<16xf32>,
      %add3A_372 = arith.constant 96 : i32
      %add3A_373 = arith.addi %mul3A_211, %add3A_372 : i32
      %get3A_374 = arith.index_cast %add3A_373 : i32 to index
      %get3A_375 = tpu.vector_load %arg8[%get3A_374] {strides = array<i32>} : memref<4096xi32, #tpu.memory_space<vmem>>, vector<16xi32>,
      %gt3A_376 = vector.broadcast %xor3A_118 : i32 to vector<16xi32>
      %gt3A_377 = arith.cmpi sgt, %get3A_375, %gt3A_376 : vector<16xi32>
      %eq3A_378 = vector.broadcast %xor3A_118 : i32 to vector<16xi32>
      %eq3A_379 = arith.cmpi eq, %get3A_375, %eq3A_378 : vector<16xi32>
      %add3A_380 = vector.broadcast %add3A_373 : i32 to vector<16xi32>
      %add3A_381 = arith.addi %iota3A, %add3A_380 : vector<16xi32>
      %le3A_382 = vector.broadcast %cond3A_132 : i32 to vector<16xi32>
      %le3A_383 = arith.cmpi sle, %add3A_381, %le3A_382 : vector<16xi32>
      %and3A_384 = arith.andi %eq3A_379, %le3A_383 : vector<16xi1>
      %or3A_385 = arith.ori %gt3A_377, %and3A_384 : vector<16xi1>
      %jit3A_386 = arith.constant 1 : i32
      %jit3A_387 = arith.constant 0 : i32
      %broadcast_in_dim3A_388 = vector.broadcast %jit3A_386 : i32 to vector<16xi32>
      %broadcast_in_dim3A_389 = vector.broadcast %jit3A_387 : i32 to vector<16xi32>
      %select_n3A_390 = arith.select %or3A_385, %broadcast_in_dim3A_388, %broadcast_in_dim3A_389 : vector<16xi1>, vector<16xi32>
      %swap3A_391 = arith.index_cast %add3A_373 : i32 to index
      %swap3A_392 = tpu.vector_load %arg9[%swap3A_391] {strides = array<i32>} : memref<4096xi32, #tpu.memory_space<vmem>>, vector<16xi32>,
      tpu.vector_store %arg9[%swap3A_391], %select_n3A_390 {strides = array<i32>} : memref<4096xi32, #tpu.memory_space<vmem>>, vector<16xi32>,
      %get3A_393 = arith.index_cast %add3A_373 : i32 to index
      %get3A_394 = tpu.vector_load %arg7[%get3A_393] {strides = array<i32>} : memref<4096xf32, #tpu.memory_space<vmem>>, vector<16xf32>,
      %get3A_395 = arith.index_cast %add3A_373 : i32 to index
      %get3A_396 = tpu.vector_load %arg6[%get3A_395] {strides = array<i32>} : memref<4096xf32, #tpu.memory_space<vmem>>, vector<16xf32>,
      %select_n3A_397 = arith.select %or3A_385, %get3A_394, %get3A_396 : vector<16xi1>, vector<16xf32>
      %swap3A_398 = arith.index_cast %add3A_373 : i32 to index
      %swap3A_399 = tpu.vector_load %arg10[%swap3A_398] {strides = array<i32>} : memref<4096xf32, #tpu.memory_space<vmem>>, vector<16xf32>,
      tpu.vector_store %arg10[%swap3A_398], %select_n3A_397 {strides = array<i32>} : memref<4096xf32, #tpu.memory_space<vmem>>, vector<16xf32>,
      %add3A_400 = arith.constant 112 : i32
      %add3A_401 = arith.addi %mul3A_211, %add3A_400 : i32
      %get3A_402 = arith.index_cast %add3A_401 : i32 to index
      %get3A_403 = tpu.vector_load %arg8[%get3A_402] {strides = array<i32>} : memref<4096xi32, #tpu.memory_space<vmem>>, vector<16xi32>,
      %gt3A_404 = vector.broadcast %xor3A_118 : i32 to vector<16xi32>
      %gt3A_405 = arith.cmpi sgt, %get3A_403, %gt3A_404 : vector<16xi32>
      %eq3A_406 = vector.broadcast %xor3A_118 : i32 to vector<16xi32>
      %eq3A_407 = arith.cmpi eq, %get3A_403, %eq3A_406 : vector<16xi32>
      %add3A_408 = vector.broadcast %add3A_401 : i32 to vector<16xi32>
      %add3A_409 = arith.addi %iota3A, %add3A_408 : vector<16xi32>
      %le3A_410 = vector.broadcast %cond3A_132 : i32 to vector<16xi32>
      %le3A_411 = arith.cmpi sle, %add3A_409, %le3A_410 : vector<16xi32>
      %and3A_412 = arith.andi %eq3A_407, %le3A_411 : vector<16xi1>
      %or3A_413 = arith.ori %gt3A_405, %and3A_412 : vector<16xi1>
      %jit3A_414 = arith.constant 1 : i32
      %jit3A_415 = arith.constant 0 : i32
      %broadcast_in_dim3A_416 = vector.broadcast %jit3A_414 : i32 to vector<16xi32>
      %broadcast_in_dim3A_417 = vector.broadcast %jit3A_415 : i32 to vector<16xi32>
      %select_n3A_418 = arith.select %or3A_413, %broadcast_in_dim3A_416, %broadcast_in_dim3A_417 : vector<16xi1>, vector<16xi32>
      %swap3A_419 = arith.index_cast %add3A_401 : i32 to index
      %swap3A_420 = tpu.vector_load %arg9[%swap3A_419] {strides = array<i32>} : memref<4096xi32, #tpu.memory_space<vmem>>, vector<16xi32>,
      tpu.vector_store %arg9[%swap3A_419], %select_n3A_418 {strides = array<i32>} : memref<4096xi32, #tpu.memory_space<vmem>>, vector<16xi32>,
      %get3A_421 = arith.index_cast %add3A_401 : i32 to index
      %get3A_422 = tpu.vector_load %arg7[%get3A_421] {strides = array<i32>} : memref<4096xf32, #tpu.memory_space<vmem>>, vector<16xf32>,
      %get3A_423 = arith.index_cast %add3A_401 : i32 to index
      %get3A_424 = tpu.vector_load %arg6[%get3A_423] {strides = array<i32>} : memref<4096xf32, #tpu.memory_space<vmem>>, vector<16xf32>,
      %select_n3A_425 = arith.select %or3A_413, %get3A_422, %get3A_424 : vector<16xi1>, vector<16xf32>
      %swap3A_426 = arith.index_cast %add3A_401 : i32 to index
      %swap3A_427 = tpu.vector_load %arg10[%swap3A_426] {strides = array<i32>} : memref<4096xf32, #tpu.memory_space<vmem>>, vector<16xf32>,
      tpu.vector_store %arg10[%swap3A_426], %select_n3A_425 {strides = array<i32>} : memref<4096xf32, #tpu.memory_space<vmem>>, vector<16xf32>,
      %add3A_428 = arith.constant 128 : i32
      %add3A_429 = arith.addi %mul3A_211, %add3A_428 : i32
      %get3A_430 = arith.index_cast %add3A_429 : i32 to index
      %get3A_431 = tpu.vector_load %arg8[%get3A_430] {strides = array<i32>} : memref<4096xi32, #tpu.memory_space<vmem>>, vector<16xi32>,
      %gt3A_432 = vector.broadcast %xor3A_118 : i32 to vector<16xi32>
      %gt3A_433 = arith.cmpi sgt, %get3A_431, %gt3A_432 : vector<16xi32>
      %eq3A_434 = vector.broadcast %xor3A_118 : i32 to vector<16xi32>
      %eq3A_435 = arith.cmpi eq, %get3A_431, %eq3A_434 : vector<16xi32>
      %add3A_436 = vector.broadcast %add3A_429 : i32 to vector<16xi32>
      %add3A_437 = arith.addi %iota3A, %add3A_436 : vector<16xi32>
      %le3A_438 = vector.broadcast %cond3A_132 : i32 to vector<16xi32>
      %le3A_439 = arith.cmpi sle, %add3A_437, %le3A_438 : vector<16xi32>
      %and3A_440 = arith.andi %eq3A_435, %le3A_439 : vector<16xi1>
      %or3A_441 = arith.ori %gt3A_433, %and3A_440 : vector<16xi1>
      %jit3A_442 = arith.constant 1 : i32
      %jit3A_443 = arith.constant 0 : i32
      %broadcast_in_dim3A_444 = vector.broadcast %jit3A_442 : i32 to vector<16xi32>
      %broadcast_in_dim3A_445 = vector.broadcast %jit3A_443 : i32 to vector<16xi32>
      %select_n3A_446 = arith.select %or3A_441, %broadcast_in_dim3A_444, %broadcast_in_dim3A_445 : vector<16xi1>, vector<16xi32>
      %swap3A_447 = arith.index_cast %add3A_429 : i32 to index
      %swap3A_448 = tpu.vector_load %arg9[%swap3A_447] {strides = array<i32>} : memref<4096xi32, #tpu.memory_space<vmem>>, vector<16xi32>,
      tpu.vector_store %arg9[%swap3A_447], %select_n3A_446 {strides = array<i32>} : memref<4096xi32, #tpu.memory_space<vmem>>, vector<16xi32>,
      %get3A_449 = arith.index_cast %add3A_429 : i32 to index
      %get3A_450 = tpu.vector_load %arg7[%get3A_449] {strides = array<i32>} : memref<4096xf32, #tpu.memory_space<vmem>>, vector<16xf32>,
      %get3A_451 = arith.index_cast %add3A_429 : i32 to index
      %get3A_452 = tpu.vector_load %arg6[%get3A_451] {strides = array<i32>} : memref<4096xf32, #tpu.memory_space<vmem>>, vector<16xf32>,
      %select_n3A_453 = arith.select %or3A_441, %get3A_450, %get3A_452 : vector<16xi1>, vector<16xf32>
      %swap3A_454 = arith.index_cast %add3A_429 : i32 to index
      %swap3A_455 = tpu.vector_load %arg10[%swap3A_454] {strides = array<i32>} : memref<4096xf32, #tpu.memory_space<vmem>>, vector<16xf32>,
      tpu.vector_store %arg10[%swap3A_454], %select_n3A_453 {strides = array<i32>} : memref<4096xf32, #tpu.memory_space<vmem>>, vector<16xf32>,
      %add3A_456 = arith.constant 144 : i32
      %add3A_457 = arith.addi %mul3A_211, %add3A_456 : i32
      %get3A_458 = arith.index_cast %add3A_457 : i32 to index
      %get3A_459 = tpu.vector_load %arg8[%get3A_458] {strides = array<i32>} : memref<4096xi32, #tpu.memory_space<vmem>>, vector<16xi32>,
      %gt3A_460 = vector.broadcast %xor3A_118 : i32 to vector<16xi32>
      %gt3A_461 = arith.cmpi sgt, %get3A_459, %gt3A_460 : vector<16xi32>
      %eq3A_462 = vector.broadcast %xor3A_118 : i32 to vector<16xi32>
      %eq3A_463 = arith.cmpi eq, %get3A_459, %eq3A_462 : vector<16xi32>
      %add3A_464 = vector.broadcast %add3A_457 : i32 to vector<16xi32>
      %add3A_465 = arith.addi %iota3A, %add3A_464 : vector<16xi32>
      %le3A_466 = vector.broadcast %cond3A_132 : i32 to vector<16xi32>
      %le3A_467 = arith.cmpi sle, %add3A_465, %le3A_466 : vector<16xi32>
      %and3A_468 = arith.andi %eq3A_463, %le3A_467 : vector<16xi1>
      %or3A_469 = arith.ori %gt3A_461, %and3A_468 : vector<16xi1>
      %jit3A_470 = arith.constant 1 : i32
      %jit3A_471 = arith.constant 0 : i32
      %broadcast_in_dim3A_472 = vector.broadcast %jit3A_470 : i32 to vector<16xi32>
      %broadcast_in_dim3A_473 = vector.broadcast %jit3A_471 : i32 to vector<16xi32>
      %select_n3A_474 = arith.select %or3A_469, %broadcast_in_dim3A_472, %broadcast_in_dim3A_473 : vector<16xi1>, vector<16xi32>
      %swap3A_475 = arith.index_cast %add3A_457 : i32 to index
      %swap3A_476 = tpu.vector_load %arg9[%swap3A_475] {strides = array<i32>} : memref<4096xi32, #tpu.memory_space<vmem>>, vector<16xi32>,
      tpu.vector_store %arg9[%swap3A_475], %select_n3A_474 {strides = array<i32>} : memref<4096xi32, #tpu.memory_space<vmem>>, vector<16xi32>,
      %get3A_477 = arith.index_cast %add3A_457 : i32 to index
      %get3A_478 = tpu.vector_load %arg7[%get3A_477] {strides = array<i32>} : memref<4096xf32, #tpu.memory_space<vmem>>, vector<16xf32>,
      %get3A_479 = arith.index_cast %add3A_457 : i32 to index
      %get3A_480 = tpu.vector_load %arg6[%get3A_479] {strides = array<i32>} : memref<4096xf32, #tpu.memory_space<vmem>>, vector<16xf32>,
      %select_n3A_481 = arith.select %or3A_469, %get3A_478, %get3A_480 : vector<16xi1>, vector<16xf32>
      %swap3A_482 = arith.index_cast %add3A_457 : i32 to index
      %swap3A_483 = tpu.vector_load %arg10[%swap3A_482] {strides = array<i32>} : memref<4096xf32, #tpu.memory_space<vmem>>, vector<16xf32>,
      tpu.vector_store %arg10[%swap3A_482], %select_n3A_481 {strides = array<i32>} : memref<4096xf32, #tpu.memory_space<vmem>>, vector<16xf32>,
      %add3A_484 = arith.constant 160 : i32
      %add3A_485 = arith.addi %mul3A_211, %add3A_484 : i32
      %get3A_486 = arith.index_cast %add3A_485 : i32 to index
      %get3A_487 = tpu.vector_load %arg8[%get3A_486] {strides = array<i32>} : memref<4096xi32, #tpu.memory_space<vmem>>, vector<16xi32>,
      %gt3A_488 = vector.broadcast %xor3A_118 : i32 to vector<16xi32>
      %gt3A_489 = arith.cmpi sgt, %get3A_487, %gt3A_488 : vector<16xi32>
      %eq3A_490 = vector.broadcast %xor3A_118 : i32 to vector<16xi32>
      %eq3A_491 = arith.cmpi eq, %get3A_487, %eq3A_490 : vector<16xi32>
      %add3A_492 = vector.broadcast %add3A_485 : i32 to vector<16xi32>
      %add3A_493 = arith.addi %iota3A, %add3A_492 : vector<16xi32>
      %le3A_494 = vector.broadcast %cond3A_132 : i32 to vector<16xi32>
      %le3A_495 = arith.cmpi sle, %add3A_493, %le3A_494 : vector<16xi32>
      %and3A_496 = arith.andi %eq3A_491, %le3A_495 : vector<16xi1>
      %or3A_497 = arith.ori %gt3A_489, %and3A_496 : vector<16xi1>
      %jit3A_498 = arith.constant 1 : i32
      %jit3A_499 = arith.constant 0 : i32
      %broadcast_in_dim3A_500 = vector.broadcast %jit3A_498 : i32 to vector<16xi32>
      %broadcast_in_dim3A_501 = vector.broadcast %jit3A_499 : i32 to vector<16xi32>
      %select_n3A_502 = arith.select %or3A_497, %broadcast_in_dim3A_500, %broadcast_in_dim3A_501 : vector<16xi1>, vector<16xi32>
      %swap3A_503 = arith.index_cast %add3A_485 : i32 to index
      %swap3A_504 = tpu.vector_load %arg9[%swap3A_503] {strides = array<i32>} : memref<4096xi32, #tpu.memory_space<vmem>>, vector<16xi32>,
      tpu.vector_store %arg9[%swap3A_503], %select_n3A_502 {strides = array<i32>} : memref<4096xi32, #tpu.memory_space<vmem>>, vector<16xi32>,
      %get3A_505 = arith.index_cast %add3A_485 : i32 to index
      %get3A_506 = tpu.vector_load %arg7[%get3A_505] {strides = array<i32>} : memref<4096xf32, #tpu.memory_space<vmem>>, vector<16xf32>,
      %get3A_507 = arith.index_cast %add3A_485 : i32 to index
      %get3A_508 = tpu.vector_load %arg6[%get3A_507] {strides = array<i32>} : memref<4096xf32, #tpu.memory_space<vmem>>, vector<16xf32>,
      %select_n3A_509 = arith.select %or3A_497, %get3A_506, %get3A_508 : vector<16xi1>, vector<16xf32>
      %swap3A_510 = arith.index_cast %add3A_485 : i32 to index
      %swap3A_511 = tpu.vector_load %arg10[%swap3A_510] {strides = array<i32>} : memref<4096xf32, #tpu.memory_space<vmem>>, vector<16xf32>,
      tpu.vector_store %arg10[%swap3A_510], %select_n3A_509 {strides = array<i32>} : memref<4096xf32, #tpu.memory_space<vmem>>, vector<16xf32>,
      %add3A_512 = arith.constant 176 : i32
      %add3A_513 = arith.addi %mul3A_211, %add3A_512 : i32
      %get3A_514 = arith.index_cast %add3A_513 : i32 to index
      %get3A_515 = tpu.vector_load %arg8[%get3A_514] {strides = array<i32>} : memref<4096xi32, #tpu.memory_space<vmem>>, vector<16xi32>,
      %gt3A_516 = vector.broadcast %xor3A_118 : i32 to vector<16xi32>
      %gt3A_517 = arith.cmpi sgt, %get3A_515, %gt3A_516 : vector<16xi32>
      %eq3A_518 = vector.broadcast %xor3A_118 : i32 to vector<16xi32>
      %eq3A_519 = arith.cmpi eq, %get3A_515, %eq3A_518 : vector<16xi32>
      %add3A_520 = vector.broadcast %add3A_513 : i32 to vector<16xi32>
      %add3A_521 = arith.addi %iota3A, %add3A_520 : vector<16xi32>
      %le3A_522 = vector.broadcast %cond3A_132 : i32 to vector<16xi32>
      %le3A_523 = arith.cmpi sle, %add3A_521, %le3A_522 : vector<16xi32>
      %and3A_524 = arith.andi %eq3A_519, %le3A_523 : vector<16xi1>
      %or3A_525 = arith.ori %gt3A_517, %and3A_524 : vector<16xi1>
      %jit3A_526 = arith.constant 1 : i32
      %jit3A_527 = arith.constant 0 : i32
      %broadcast_in_dim3A_528 = vector.broadcast %jit3A_526 : i32 to vector<16xi32>
      %broadcast_in_dim3A_529 = vector.broadcast %jit3A_527 : i32 to vector<16xi32>
      %select_n3A_530 = arith.select %or3A_525, %broadcast_in_dim3A_528, %broadcast_in_dim3A_529 : vector<16xi1>, vector<16xi32>
      %swap3A_531 = arith.index_cast %add3A_513 : i32 to index
      %swap3A_532 = tpu.vector_load %arg9[%swap3A_531] {strides = array<i32>} : memref<4096xi32, #tpu.memory_space<vmem>>, vector<16xi32>,
      tpu.vector_store %arg9[%swap3A_531], %select_n3A_530 {strides = array<i32>} : memref<4096xi32, #tpu.memory_space<vmem>>, vector<16xi32>,
      %get3A_533 = arith.index_cast %add3A_513 : i32 to index
      %get3A_534 = tpu.vector_load %arg7[%get3A_533] {strides = array<i32>} : memref<4096xf32, #tpu.memory_space<vmem>>, vector<16xf32>,
      %get3A_535 = arith.index_cast %add3A_513 : i32 to index
      %get3A_536 = tpu.vector_load %arg6[%get3A_535] {strides = array<i32>} : memref<4096xf32, #tpu.memory_space<vmem>>, vector<16xf32>,
      %select_n3A_537 = arith.select %or3A_525, %get3A_534, %get3A_536 : vector<16xi1>, vector<16xf32>
      %swap3A_538 = arith.index_cast %add3A_513 : i32 to index
      %swap3A_539 = tpu.vector_load %arg10[%swap3A_538] {strides = array<i32>} : memref<4096xf32, #tpu.memory_space<vmem>>, vector<16xf32>,
      tpu.vector_store %arg10[%swap3A_538], %select_n3A_537 {strides = array<i32>} : memref<4096xf32, #tpu.memory_space<vmem>>, vector<16xf32>,
      %add3A_540 = arith.constant 192 : i32
      %add3A_541 = arith.addi %mul3A_211, %add3A_540 : i32
      %get3A_542 = arith.index_cast %add3A_541 : i32 to index
      %get3A_543 = tpu.vector_load %arg8[%get3A_542] {strides = array<i32>} : memref<4096xi32, #tpu.memory_space<vmem>>, vector<16xi32>,
      %gt3A_544 = vector.broadcast %xor3A_118 : i32 to vector<16xi32>
      %gt3A_545 = arith.cmpi sgt, %get3A_543, %gt3A_544 : vector<16xi32>
      %eq3A_546 = vector.broadcast %xor3A_118 : i32 to vector<16xi32>
      %eq3A_547 = arith.cmpi eq, %get3A_543, %eq3A_546 : vector<16xi32>
      %add3A_548 = vector.broadcast %add3A_541 : i32 to vector<16xi32>
      %add3A_549 = arith.addi %iota3A, %add3A_548 : vector<16xi32>
      %le3A_550 = vector.broadcast %cond3A_132 : i32 to vector<16xi32>
      %le3A_551 = arith.cmpi sle, %add3A_549, %le3A_550 : vector<16xi32>
      %and3A_552 = arith.andi %eq3A_547, %le3A_551 : vector<16xi1>
      %or3A_553 = arith.ori %gt3A_545, %and3A_552 : vector<16xi1>
      %jit3A_554 = arith.constant 1 : i32
      %jit3A_555 = arith.constant 0 : i32
      %broadcast_in_dim3A_556 = vector.broadcast %jit3A_554 : i32 to vector<16xi32>
      %broadcast_in_dim3A_557 = vector.broadcast %jit3A_555 : i32 to vector<16xi32>
      %select_n3A_558 = arith.select %or3A_553, %broadcast_in_dim3A_556, %broadcast_in_dim3A_557 : vector<16xi1>, vector<16xi32>
      %swap3A_559 = arith.index_cast %add3A_541 : i32 to index
      %swap3A_560 = tpu.vector_load %arg9[%swap3A_559] {strides = array<i32>} : memref<4096xi32, #tpu.memory_space<vmem>>, vector<16xi32>,
      tpu.vector_store %arg9[%swap3A_559], %select_n3A_558 {strides = array<i32>} : memref<4096xi32, #tpu.memory_space<vmem>>, vector<16xi32>,
      %get3A_561 = arith.index_cast %add3A_541 : i32 to index
      %get3A_562 = tpu.vector_load %arg7[%get3A_561] {strides = array<i32>} : memref<4096xf32, #tpu.memory_space<vmem>>, vector<16xf32>,
      %get3A_563 = arith.index_cast %add3A_541 : i32 to index
      %get3A_564 = tpu.vector_load %arg6[%get3A_563] {strides = array<i32>} : memref<4096xf32, #tpu.memory_space<vmem>>, vector<16xf32>,
      %select_n3A_565 = arith.select %or3A_553, %get3A_562, %get3A_564 : vector<16xi1>, vector<16xf32>
      %swap3A_566 = arith.index_cast %add3A_541 : i32 to index
      %swap3A_567 = tpu.vector_load %arg10[%swap3A_566] {strides = array<i32>} : memref<4096xf32, #tpu.memory_space<vmem>>, vector<16xf32>,
      tpu.vector_store %arg10[%swap3A_566], %select_n3A_565 {strides = array<i32>} : memref<4096xf32, #tpu.memory_space<vmem>>, vector<16xf32>,
      %add3A_568 = arith.constant 208 : i32
      %add3A_569 = arith.addi %mul3A_211, %add3A_568 : i32
      %get3A_570 = arith.index_cast %add3A_569 : i32 to index
      %get3A_571 = tpu.vector_load %arg8[%get3A_570] {strides = array<i32>} : memref<4096xi32, #tpu.memory_space<vmem>>, vector<16xi32>,
      %gt3A_572 = vector.broadcast %xor3A_118 : i32 to vector<16xi32>
      %gt3A_573 = arith.cmpi sgt, %get3A_571, %gt3A_572 : vector<16xi32>
      %eq3A_574 = vector.broadcast %xor3A_118 : i32 to vector<16xi32>
      %eq3A_575 = arith.cmpi eq, %get3A_571, %eq3A_574 : vector<16xi32>
      %add3A_576 = vector.broadcast %add3A_569 : i32 to vector<16xi32>
      %add3A_577 = arith.addi %iota3A, %add3A_576 : vector<16xi32>
      %le3A_578 = vector.broadcast %cond3A_132 : i32 to vector<16xi32>
      %le3A_579 = arith.cmpi sle, %add3A_577, %le3A_578 : vector<16xi32>
      %and3A_580 = arith.andi %eq3A_575, %le3A_579 : vector<16xi1>
      %or3A_581 = arith.ori %gt3A_573, %and3A_580 : vector<16xi1>
      %jit3A_582 = arith.constant 1 : i32
      %jit3A_583 = arith.constant 0 : i32
      %broadcast_in_dim3A_584 = vector.broadcast %jit3A_582 : i32 to vector<16xi32>
      %broadcast_in_dim3A_585 = vector.broadcast %jit3A_583 : i32 to vector<16xi32>
      %select_n3A_586 = arith.select %or3A_581, %broadcast_in_dim3A_584, %broadcast_in_dim3A_585 : vector<16xi1>, vector<16xi32>
      %swap3A_587 = arith.index_cast %add3A_569 : i32 to index
      %swap3A_588 = tpu.vector_load %arg9[%swap3A_587] {strides = array<i32>} : memref<4096xi32, #tpu.memory_space<vmem>>, vector<16xi32>,
      tpu.vector_store %arg9[%swap3A_587], %select_n3A_586 {strides = array<i32>} : memref<4096xi32, #tpu.memory_space<vmem>>, vector<16xi32>,
      %get3A_589 = arith.index_cast %add3A_569 : i32 to index
      %get3A_590 = tpu.vector_load %arg7[%get3A_589] {strides = array<i32>} : memref<4096xf32, #tpu.memory_space<vmem>>, vector<16xf32>,
      %get3A_591 = arith.index_cast %add3A_569 : i32 to index
      %get3A_592 = tpu.vector_load %arg6[%get3A_591] {strides = array<i32>} : memref<4096xf32, #tpu.memory_space<vmem>>, vector<16xf32>,
      %select_n3A_593 = arith.select %or3A_581, %get3A_590, %get3A_592 : vector<16xi1>, vector<16xf32>
      %swap3A_594 = arith.index_cast %add3A_569 : i32 to index
      %swap3A_595 = tpu.vector_load %arg10[%swap3A_594] {strides = array<i32>} : memref<4096xf32, #tpu.memory_space<vmem>>, vector<16xf32>,
      tpu.vector_store %arg10[%swap3A_594], %select_n3A_593 {strides = array<i32>} : memref<4096xf32, #tpu.memory_space<vmem>>, vector<16xf32>,
      %add3A_596 = arith.constant 224 : i32
      %add3A_597 = arith.addi %mul3A_211, %add3A_596 : i32
      %get3A_598 = arith.index_cast %add3A_597 : i32 to index
      %get3A_599 = tpu.vector_load %arg8[%get3A_598] {strides = array<i32>} : memref<4096xi32, #tpu.memory_space<vmem>>, vector<16xi32>,
      %gt3A_600 = vector.broadcast %xor3A_118 : i32 to vector<16xi32>
      %gt3A_601 = arith.cmpi sgt, %get3A_599, %gt3A_600 : vector<16xi32>
      %eq3A_602 = vector.broadcast %xor3A_118 : i32 to vector<16xi32>
      %eq3A_603 = arith.cmpi eq, %get3A_599, %eq3A_602 : vector<16xi32>
      %add3A_604 = vector.broadcast %add3A_597 : i32 to vector<16xi32>
      %add3A_605 = arith.addi %iota3A, %add3A_604 : vector<16xi32>
      %le3A_606 = vector.broadcast %cond3A_132 : i32 to vector<16xi32>
      %le3A_607 = arith.cmpi sle, %add3A_605, %le3A_606 : vector<16xi32>
      %and3A_608 = arith.andi %eq3A_603, %le3A_607 : vector<16xi1>
      %or3A_609 = arith.ori %gt3A_601, %and3A_608 : vector<16xi1>
      %jit3A_610 = arith.constant 1 : i32
      %jit3A_611 = arith.constant 0 : i32
      %broadcast_in_dim3A_612 = vector.broadcast %jit3A_610 : i32 to vector<16xi32>
      %broadcast_in_dim3A_613 = vector.broadcast %jit3A_611 : i32 to vector<16xi32>
      %select_n3A_614 = arith.select %or3A_609, %broadcast_in_dim3A_612, %broadcast_in_dim3A_613 : vector<16xi1>, vector<16xi32>
      %swap3A_615 = arith.index_cast %add3A_597 : i32 to index
      %swap3A_616 = tpu.vector_load %arg9[%swap3A_615] {strides = array<i32>} : memref<4096xi32, #tpu.memory_space<vmem>>, vector<16xi32>,
      tpu.vector_store %arg9[%swap3A_615], %select_n3A_614 {strides = array<i32>} : memref<4096xi32, #tpu.memory_space<vmem>>, vector<16xi32>,
      %get3A_617 = arith.index_cast %add3A_597 : i32 to index
      %get3A_618 = tpu.vector_load %arg7[%get3A_617] {strides = array<i32>} : memref<4096xf32, #tpu.memory_space<vmem>>, vector<16xf32>,
      %get3A_619 = arith.index_cast %add3A_597 : i32 to index
      %get3A_620 = tpu.vector_load %arg6[%get3A_619] {strides = array<i32>} : memref<4096xf32, #tpu.memory_space<vmem>>, vector<16xf32>,
      %select_n3A_621 = arith.select %or3A_609, %get3A_618, %get3A_620 : vector<16xi1>, vector<16xf32>
      %swap3A_622 = arith.index_cast %add3A_597 : i32 to index
      %swap3A_623 = tpu.vector_load %arg10[%swap3A_622] {strides = array<i32>} : memref<4096xf32, #tpu.memory_space<vmem>>, vector<16xf32>,
      tpu.vector_store %arg10[%swap3A_622], %select_n3A_621 {strides = array<i32>} : memref<4096xf32, #tpu.memory_space<vmem>>, vector<16xf32>,
      %add3A_624 = arith.constant 240 : i32
      %add3A_625 = arith.addi %mul3A_211, %add3A_624 : i32
      %get3A_626 = arith.index_cast %add3A_625 : i32 to index
      %get3A_627 = tpu.vector_load %arg8[%get3A_626] {strides = array<i32>} : memref<4096xi32, #tpu.memory_space<vmem>>, vector<16xi32>,
      %gt3A_628 = vector.broadcast %xor3A_118 : i32 to vector<16xi32>
      %gt3A_629 = arith.cmpi sgt, %get3A_627, %gt3A_628 : vector<16xi32>
      %eq3A_630 = vector.broadcast %xor3A_118 : i32 to vector<16xi32>
      %eq3A_631 = arith.cmpi eq, %get3A_627, %eq3A_630 : vector<16xi32>
      %add3A_632 = vector.broadcast %add3A_625 : i32 to vector<16xi32>
      %add3A_633 = arith.addi %iota3A, %add3A_632 : vector<16xi32>
      %le3A_634 = vector.broadcast %cond3A_132 : i32 to vector<16xi32>
      %le3A_635 = arith.cmpi sle, %add3A_633, %le3A_634 : vector<16xi32>
      %and3A_636 = arith.andi %eq3A_631, %le3A_635 : vector<16xi1>
      %or3A_637 = arith.ori %gt3A_629, %and3A_636 : vector<16xi1>
      %jit3A_638 = arith.constant 1 : i32
      %jit3A_639 = arith.constant 0 : i32
      %broadcast_in_dim3A_640 = vector.broadcast %jit3A_638 : i32 to vector<16xi32>
      %broadcast_in_dim3A_641 = vector.broadcast %jit3A_639 : i32 to vector<16xi32>
      %select_n3A_642 = arith.select %or3A_637, %broadcast_in_dim3A_640, %broadcast_in_dim3A_641 : vector<16xi1>, vector<16xi32>
      %swap3A_643 = arith.index_cast %add3A_625 : i32 to index
      %swap3A_644 = tpu.vector_load %arg9[%swap3A_643] {strides = array<i32>} : memref<4096xi32, #tpu.memory_space<vmem>>, vector<16xi32>,
      tpu.vector_store %arg9[%swap3A_643], %select_n3A_642 {strides = array<i32>} : memref<4096xi32, #tpu.memory_space<vmem>>, vector<16xi32>,
      %get3A_645 = arith.index_cast %add3A_625 : i32 to index
      %get3A_646 = tpu.vector_load %arg7[%get3A_645] {strides = array<i32>} : memref<4096xf32, #tpu.memory_space<vmem>>, vector<16xf32>,
      %get3A_647 = arith.index_cast %add3A_625 : i32 to index
      %get3A_648 = tpu.vector_load %arg6[%get3A_647] {strides = array<i32>} : memref<4096xf32, #tpu.memory_space<vmem>>, vector<16xf32>,
      %select_n3A_649 = arith.select %or3A_637, %get3A_646, %get3A_648 : vector<16xi1>, vector<16xf32>
      %swap3A_650 = arith.index_cast %add3A_625 : i32 to index
      %swap3A_651 = tpu.vector_load %arg10[%swap3A_650] {strides = array<i32>} : memref<4096xf32, #tpu.memory_space<vmem>>, vector<16xf32>,
      tpu.vector_store %arg10[%swap3A_650], %select_n3A_649 {strides = array<i32>} : memref<4096xf32, #tpu.memory_space<vmem>>, vector<16xf32>,
    }
    %scan3A_182 = arith.constant 16 : i32
    %dma_start3A_183 = arith.constant 0 : i32
    %dma_start3A_184 = tpu.memref_slice %arg3[%add3A, %dma_start3A_183] : memref<32x4096xi32, #tpu.memory_space<hbm>> -> memref<1x4096xi32, #tpu.memory_space<hbm>>
    %dma_start3A_185 = tpu.memref_squeeze %dma_start3A_184 : memref<1x4096xi32, #tpu.memory_space<hbm>> -> memref<4096xi32, #tpu.memory_space<hbm>>
    %dma_start3A_186 = arith.constant 0 : i32
    %dma_start3A_187 = tpu.memref_slice %arg3[%add3A, %dma_start3A_186] : memref<32x4096xi32, #tpu.memory_space<hbm>> -> memref<1x4096xi32, #tpu.memory_space<hbm>>
    %dma_start3A_188 = tpu.memref_squeeze %dma_start3A_187 : memref<1x4096xi32, #tpu.memory_space<hbm>> -> memref<4096xi32, #tpu.memory_space<hbm>>
    tpu.enqueue_dma source(%arg9 : memref<4096xi32, #tpu.memory_space<vmem>>) target(%dma_start3A_188 : memref<4096xi32, #tpu.memory_space<hbm>>) target_semaphore(%arg11 : memref<!tpu.dma_semaphore, #tpu.memory_space<semaphore_mem>>)
    %dma_start3A_189 = arith.constant 0 : i32
    %dma_start3A_190 = tpu.memref_slice %arg4[%add3A, %dma_start3A_189] : memref<32x4096xf32, #tpu.memory_space<hbm>> -> memref<1x4096xf32, #tpu.memory_space<hbm>>
    %dma_start3A_191 = tpu.memref_squeeze %dma_start3A_190 : memref<1x4096xf32, #tpu.memory_space<hbm>> -> memref<4096xf32, #tpu.memory_space<hbm>>
    %dma_start3A_192 = arith.constant 0 : i32
    %dma_start3A_193 = tpu.memref_slice %arg4[%add3A, %dma_start3A_192] : memref<32x4096xf32, #tpu.memory_space<hbm>> -> memref<1x4096xf32, #tpu.memory_space<hbm>>
    %dma_start3A_194 = tpu.memref_squeeze %dma_start3A_193 : memref<1x4096xf32, #tpu.memory_space<hbm>> -> memref<4096xf32, #tpu.memory_space<hbm>>
    tpu.enqueue_dma source(%arg10 : memref<4096xf32, #tpu.memory_space<vmem>>) target(%dma_start3A_194 : memref<4096xf32, #tpu.memory_space<hbm>>) target_semaphore(%arg11 : memref<!tpu.dma_semaphore, #tpu.memory_space<semaphore_mem>>)
    %dma_wait3A_195 = arith.constant 0 : i32
    %dma_wait3A_196 = tpu.memref_slice %arg3[%add3A, %dma_wait3A_195] : memref<32x4096xi32, #tpu.memory_space<hbm>> -> memref<1x4096xi32, #tpu.memory_space<hbm>>
    %dma_wait3A_197 = tpu.memref_squeeze %dma_wait3A_196 : memref<1x4096xi32, #tpu.memory_space<hbm>> -> memref<4096xi32, #tpu.memory_space<hbm>>
    %dma_wait3A_198 = arith.constant 0 : i32
    %dma_wait3A_199 = tpu.memref_slice %arg3[%add3A, %dma_wait3A_198] : memref<32x4096xi32, #tpu.memory_space<hbm>> -> memref<1x4096xi32, #tpu.memory_space<hbm>>
    %dma_wait3A_200 = tpu.memref_squeeze %dma_wait3A_199 : memref<1x4096xi32, #tpu.memory_space<hbm>> -> memref<4096xi32, #tpu.memory_space<hbm>>
    tpu.wait_dma2 semaphore(%arg11 : memref<!tpu.dma_semaphore, #tpu.memory_space<semaphore_mem>>) src(%arg9 : memref<4096xi32, #tpu.memory_space<vmem>>) dst(%dma_wait3A_200 : memref<4096xi32, #tpu.memory_space<hbm>>)
    %dma_wait3A_201 = arith.constant 0 : i32
    %dma_wait3A_202 = tpu.memref_slice %arg4[%add3A, %dma_wait3A_201] : memref<32x4096xf32, #tpu.memory_space<hbm>> -> memref<1x4096xf32, #tpu.memory_space<hbm>>
    %dma_wait3A_203 = tpu.memref_squeeze %dma_wait3A_202 : memref<1x4096xf32, #tpu.memory_space<hbm>> -> memref<4096xf32, #tpu.memory_space<hbm>>
    %dma_wait3A_204 = arith.constant 0 : i32
    %dma_wait3A_205 = tpu.memref_slice %arg4[%add3A, %dma_wait3A_204] : memref<32x4096xf32, #tpu.memory_space<hbm>> -> memref<1x4096xf32, #tpu.memory_space<hbm>>
    %dma_wait3A_206 = tpu.memref_squeeze %dma_wait3A_205 : memref<1x4096xf32, #tpu.memory_space<hbm>> -> memref<4096xf32, #tpu.memory_space<hbm>>
    tpu.wait_dma2 semaphore(%arg11 : memref<!tpu.dma_semaphore, #tpu.memory_space<semaphore_mem>>) src(%arg10 : memref<4096xf32, #tpu.memory_space<vmem>>) dst(%dma_wait3A_206 : memref<4096xf32, #tpu.memory_space<hbm>>)
    return
  }
}

module attributes {stable_mosaic.version = 14 : i64} {
  func.func @_stage1_body(%arg0: i32, %arg1: memref<1x2048x768xf32, #tpu.memory_space<vmem>>, %arg2: memref<2x768xf32, #tpu.memory_space<vmem>>, %arg3: memref<1x2xf32, #tpu.memory_space<vmem>>, %arg4: memref<1x8x2048xf32, #tpu.memory_space<vmem>>) attributes {dimension_semantics = [#tpu.dimension_semantics<arbitrary>], iteration_bounds = array<i64: 64>, scalar_prefetch = 0 : i64, scratch_operands = 0 : i64, tpu.core_type = #tpu.core_type<tc>, window_params = [{transform_indices = @transform_0, window_bounds = array<i64: 1, 2048, 768>}, {pipeline_mode = #tpu.pipeline_mode<synchronous>, transform_indices = @transform_1, window_bounds = array<i64: 2, 768>}, {pipeline_mode = #tpu.pipeline_mode<synchronous>, transform_indices = @transform_2, window_bounds = array<i64: 1, 2>}, {transform_indices = @transform_3, window_bounds = array<i64: 1, 8, 2048>}]} {
    %get3A = arith.constant 0 : index
    %get3A_0 = arith.constant 0 : index
    %get3A_1 = vector.load %arg2[%get3A, %get3A_0] : memref<2x768xf32, #tpu.memory_space<vmem>>, vector<2x768xf32>
    %get3A_2 = arith.constant 0 : index
    %get3A_3 = arith.constant 0 : index
    %get3A_4 = arith.constant 0 : index
    %get3A_5 = vector.load %arg1[%get3A_2, %get3A_3, %get3A_4] : memref<1x2048x768xf32, #tpu.memory_space<vmem>>, vector<1x2048x768xf32>
    %get3A_6 = vector.shape_cast %get3A_5 : vector<1x2048x768xf32> to vector<2048x768xf32>
    %dot_general3A = arith.constant dense<0.000000e+00> : vector<2x2048xf32>
    %dot_general3A_7 = tpu.matmul %get3A_1, %get3A_6, %dot_general3A {dimension_numbers = #tpu.dot_dimension_numbers<[1], [1], [0], [0], [0, 0, 1, 0], [], []>, transpose_lhs_hint = false} : vector<2x768xf32>, vector<2048x768xf32>, vector<2x2048xf32> -> vector<2x2048xf32>
    %slice3A = vector.extract_strided_slice %dot_general3A_7 {offsets = [0, 0], sizes = [1, 2048], strides = [1, 1]} : vector<2x2048xf32> to vector<1x2048xf32>
    %get3A_8 = arith.constant 0 : index
    %get3A_9 = arith.constant 0 : index
    %get3A_10 = vector.load %arg3[%get3A_8, %get3A_9] : memref<1x2xf32, #tpu.memory_space<vmem>>, vector<1x1xf32>
    %get3A_11 = vector.extract %get3A_10[0, 0] : f32 from vector<1x1xf32>
    %add3A = vector.broadcast %get3A_11 : f32 to vector<1x2048xf32>
    %add3A_12 = arith.addf %slice3A, %add3A : vector<1x2048xf32>
    %slice3A_13 = vector.extract_strided_slice %dot_general3A_7 {offsets = [1, 0], sizes = [1, 2048], strides = [1, 1]} : vector<2x2048xf32> to vector<1x2048xf32>
    %get3A_14 = arith.constant 0 : index
    %get3A_15 = arith.constant 1 : index
    %get3A_16 = vector.load %arg3[%get3A_14, %get3A_15] : memref<1x2xf32, #tpu.memory_space<vmem>>, vector<1x1xf32>
    %get3A_17 = vector.extract %get3A_16[0, 0] : f32 from vector<1x1xf32>
    %add3A_18 = vector.broadcast %get3A_17 : f32 to vector<1x2048xf32>
    %add3A_19 = arith.addf %slice3A_13, %add3A_18 : vector<1x2048xf32>
    %sub3A = arith.subf %add3A_19, %add3A_12 : vector<1x2048xf32>
    %max3A = arith.maximumf %add3A_12, %add3A_19 : vector<1x2048xf32>
    %sub3A_20 = arith.subf %add3A_12, %max3A : vector<1x2048xf32>
    %exp3A = math.exp %sub3A_20 : vector<1x2048xf32>
    %sub3A_21 = arith.subf %add3A_19, %max3A : vector<1x2048xf32>
    %exp3A_22 = math.exp %sub3A_21 : vector<1x2048xf32>
    %add3A_23 = arith.addf %exp3A, %exp3A_22 : vector<1x2048xf32>
    %log3A = math.log %add3A_23 : vector<1x2048xf32>
    %add3A_24 = arith.addf %max3A, %log3A : vector<1x2048xf32>
    %sub3A_25 = arith.subf %add3A_12, %add3A_24 : vector<1x2048xf32>
    %sub3A_26 = arith.subf %add3A_19, %add3A_24 : vector<1x2048xf32>
    %exp3A_27 = math.exp %sub3A_25 : vector<1x2048xf32>
    %mul3A = arith.mulf %exp3A_27, %sub3A_25 : vector<1x2048xf32>
    %exp3A_28 = math.exp %sub3A_26 : vector<1x2048xf32>
    %mul3A_29 = arith.mulf %exp3A_28, %sub3A_26 : vector<1x2048xf32>
    %add3A_30 = arith.addf %mul3A, %mul3A_29 : vector<1x2048xf32>
    %neg3A = arith.constant 0.000000e+00 : f32
    %neg3A_31 = vector.broadcast %neg3A : f32 to vector<1x2048xf32>
    %neg3A_32 = arith.subf %neg3A_31, %add3A_30 : vector<1x2048xf32>
    %broadcast_in_dim3A = arith.constant 0.000000e+00 : f32
    %broadcast_in_dim3A_33 = vector.broadcast %broadcast_in_dim3A : f32 to vector<4x2048xf32>
    %concatenate3A = tpu.concatenate %sub3A, %sub3A_25, %sub3A_26, %neg3A_32, %broadcast_in_dim3A_33 in 0 : vector<1x2048xf32>, vector<1x2048xf32>, vector<1x2048xf32>, vector<1x2048xf32>, vector<4x2048xf32> -> vector<8x2048xf32>
    %swap3A = arith.constant 0 : index
    %swap3A_34 = arith.constant 0 : index
    %swap3A_35 = arith.constant 0 : index
    %swap3A_36 = vector.load %arg4[%swap3A, %swap3A_34, %swap3A_35] : memref<1x8x2048xf32, #tpu.memory_space<vmem>>, vector<1x8x2048xf32>
    %swap3A_37 = vector.shape_cast %swap3A_36 : vector<1x8x2048xf32> to vector<8x2048xf32>
    %swap3A_38 = vector.shape_cast %concatenate3A : vector<8x2048xf32> to vector<1x8x2048xf32>
    tpu.vector_store %arg4[%swap3A, %swap3A_34, %swap3A_35], %swap3A_38 {strides = array<i32>} : memref<1x8x2048xf32, #tpu.memory_space<vmem>>, vector<1x8x2048xf32>,
    return
  }
  func.func @transform_0(%arg0: i32) -> (i32, i32, i32) {
    %c0_i32 = arith.constant 0 : i32
    %c0_i32_0 = arith.constant 0 : i32
    %c0_i32_1 = arith.constant 0 : i32
    return %arg0, %c0_i32, %c0_i32_0 : i32, i32, i32
  }
  func.func @transform_1(%arg0: i32) -> (i32, i32) {
    %c0_i32 = arith.constant 0 : i32
    %c0_i32_0 = arith.constant 0 : i32
    %c0_i32_1 = arith.constant 0 : i32
    return %c0_i32, %c0_i32_0 : i32, i32
  }
  func.func @transform_2(%arg0: i32) -> (i32, i32) {
    %c0_i32 = arith.constant 0 : i32
    %c0_i32_0 = arith.constant 0 : i32
    %c0_i32_1 = arith.constant 0 : i32
    return %c0_i32, %c0_i32_0 : i32, i32
  }
  func.func @transform_3(%arg0: i32) -> (i32, i32, i32) {
    %c0_i32 = arith.constant 0 : i32
    %c0_i32_0 = arith.constant 0 : i32
    %c0_i32_1 = arith.constant 0 : i32
    return %arg0, %c0_i32, %c0_i32_0 : i32, i32, i32
  }
}

</mosaic_0001>

<sc_bundles>
// kernel: kernel.4.cloned.1.call-start
scs
__scs_entry_jumppad:
0x0: {  	(pc) =	sbr.rel $0x88, $3  }
0x1: {  	(tag) =	ssettag $0x0;
	lr =	simm.s32 $0x1  }
0x2: {  	[smem:$0x3F9E] =	sst lr;
	_ =	strace $0xD0000000  }
0x3: {  	_ = 	snop  }
0x4: {  	_ = 	snop  }
0x5: {  	_ = 	snop  }
0x6: {  	_ = 	snop  }
0x7: {  	_ = 	snop  }
__scs_overlays_trampoline_lowered:
0x8: {  	[smem:$0x3FAD] =	sst s0  }
0x9: {  	[smem:$0x3FAE] =	sst s1  }
0xa: {  	[smem:$0x3FAF] =	sst s2  }
0xb: {  	[smem:$0x3FB0] =	sst s3  }
0xc: {  	[smem:$0x3FB1] =	sst s4  }
0xd: {  	[smem:$0x3FB2] =	sst s5  }
0xe: {  	[smem:$0x3FB3] =	sst s6  }
0xf: {  	[smem:$0x3FB4] =	sst s7  }
0x10: {  	[smem:$0x3FB5] =	sst s8  }
0x11: {  	[smem:$0x3FB6] =	sst s9;
	s0 =	simm.s32 @!p0 $0x0  }
0x12: {  	s1 =	sld [smem:$0x3F9C];
	s0 =	simm.s32 @p0 $0x1  }
0x13: {  	[smem:$0x3FB7] =	sst s0;
	s0 =	simm.s32 @!p1 $0x0  }
0x14: {  	s2 =	sld [smem:$0x3F9B];
	s0 =	simm.s32 @p1 $0x1  }
0x15: {  	[smem:$0x3FB8] =	sst s0;
	s0 =	simm.s32 @!p2 $0x0  }
0x16: {  	s3 =	sld [smem:$0x3FDB];
	s0 =	simm.s32 @p2 $0x1  }
0x17: {  	s4 =	simm.s32 $0x1BF5;
	[smem:$0x3FBA] =	sst s0  }
0x18: {  	s0 =	sld [smem:$0x3F9D];
	_ =	swait.ge [sflag:s4], $0x0  }
0x19: {  	s7 =	sld [smem:$0x3F9E]  }
0x1a: {  	s8 =	sadd.s32 $0xFFFFE003, lr  }
0x1b: {  	s9 =	sadd.s32 $0xFFFFFEF7, lr;
	s5 =	simm.s32 $0xFFFFFFFF;
	p2 =	slt.u32 s8, $0xFFFFF086  }
0x1c: {  	p1 =	slt.u32 s9, $0xF7A;
	s5 =	simm.s32 @!p2 $0x0  }
0x1d: {  	s5 =	simm.s32 @p1 $0x1;
	p0 =	seq.s32 s7, s2  }
0x1e: {  	s7 =	smul.u32 @!p0 $0xF7A, s2;
	p2 =	seq.s32 @!p0 s5, $0x0  }
0x1f: {  	s9 =	smul.u32 $0xF7A, s1;
	s8 =	simm.s32 @!p0 $0x1BF5;
	p2 =	por !p2, p0  }
0x20: {  	[sflag:s8] =	ssyncset.s32 @!p0 $0xFFFFF086;
	s6 =	sadd.s32 @!p0 s3, s7;
	s7 =	simm.s32 @!p0 $0x108  }
0x21: {  	s3 =	sadd.s32 s3, s9;
	s6 =	sadd.s32 @!p0 $0x88, s6;
	s7 =	simm.s32 @p2 $0x1082  }
0x22: {  	[simem:s7], [sflag:s8] =	dma.local @!p0 [hbm:s6], $0xF7A  }
0x23: {  	s9 =	sor.u32 $0xD0000000, s2;
	s6 =	simm.s32 $0x108;
	_ =	swait.ge @!p0 [sflag:s8], $0x0  }
0x24: {  	s3 =	sadd.s32 $0x88, s3;
	s6 =	simm.s32 @!p1 $0x1082;
	[sflag:s4] =	ssyncset.s32 $0xFFFFF086  }
0x25: {  	[simem:s6], [sflag:s4] =	dma.local [hbm:s3], $0xF7A  }
0x26: {  	[smem:$0x3F9E] =	sst s1;
	(tag) =	ssettag s2;
	_ =	strace s9  }
0x27: {  	s1 =	sld [smem:$0x3FAE]  }
0x28: {  	s2 =	sld [smem:$0x3FAF]  }
0x29: {  	s4 =	sld [smem:$0x3FB1]  }
0x2a: {  	p0 =	seq.s32 s5, $0x0;
	s5 =	sld [smem:$0x3FB2]  }
0x2b: {  	s6 =	sld [smem:$0x3FB3]  }
0x2c: {  	s7 =	sld [smem:$0x3FB4]  }
0x2d: {  	s3 =	simm.s32 $0x108;
	s8 =	sld [smem:$0x3FB5]  }
0x2e: {  	s3 =	simm.s32 @!p0 $0x1082;
	s9 =	sld [smem:$0x3FB6]  }
0x2f: {  	lr =	sadd.s32 s0, s3;
	s0 =	sld [smem:$0x3FAD]  }
0x30: {  	s3 =	sld [smem:$0x3FB0]  }
0x31: {  	[smem:$0x3FB9] =	sst s10  }
0x32: {  	s10 =	sld [smem:$0x3FB7];
	_ =	sdelay $0x3  }
0x33: {  	p0 =	seq.s32 s10, $0x1;
	s10 =	sld [smem:$0x3FB9];
	_ =	sdelay $0x3  }
0x34: {  	[smem:$0x3FB9] =	sst s10  }
0x35: {  	s10 =	sld [smem:$0x3FB8];
	_ =	sdelay $0x3  }
0x36: {  	p1 =	seq.s32 s10, $0x1;
	s10 =	sld [smem:$0x3FB9];
	_ =	sdelay $0x3  }
0x37: {  	[smem:$0x3FB9] =	sst s10  }
0x38: {  	s10 =	sld [smem:$0x3FBA]  }
0x39: {  	_ = 	snop;
	(pc) =	sbr.ind lr, $3  }
0x3a: {  	_ = 	snop  }
0x3b: {  	_ = 	snop  }
0x3c: {  	p2 =	seq.s32 s10, $0x1;
	s10 =	sld [smem:$0x3FB9]  }
0x3d: {  	_ =	shalt  }
0x3e: {  	_ =	shalt  }
0x3f: {  	_ =	shalt  }
0x40: {  	_ =	shalt  }
0x41: {  	_ =	shalt  }
0x42: {  	_ =	shalt  }
0x43: {  	_ =	shalt  }
0x44: {  	_ =	shalt  }
0x45: {  	_ =	shalt  }
0x46: {  	_ =	shalt  }
0x47: {  	_ =	shalt  }
0x48: {  	_ =	shalt  }
0x49: {  	_ =	shalt  }
0x4a: {  	_ =	shalt  }
0x4b: {  	_ =	shalt  }
0x4c: {  	_ =	shalt  }
0x4d: {  	_ =	shalt  }
0x4e: {  	_ =	shalt  }
0x4f: {  	_ =	shalt  }
0x50: {  	_ =	shalt  }
0x51: {  	_ =	shalt  }
0x52: {  	_ =	shalt  }
0x53: {  	_ =	shalt  }
0x54: {  	_ =	shalt  }
0x55: {  	_ =	shalt  }
0x56: {  	_ =	shalt  }
0x57: {  	_ =	shalt  }
0x58: {  	_ =	shalt  }
0x59: {  	_ =	shalt  }
0x5a: {  	_ =	shalt  }
0x5b: {  	_ =	shalt  }
0x5c: {  	_ =	shalt  }
0x5d: {  	_ =	shalt  }
0x5e: {  	_ =	shalt  }
0x5f: {  	_ =	shalt  }
0x60: {  	_ =	shalt  }
0x61: {  	_ =	shalt  }
0x62: {  	_ =	shalt  }
0x63: {  	_ =	shalt  }
0x64: {  	_ =	shalt  }
0x65: {  	_ =	shalt  }
0x66: {  	_ =	shalt  }
0x67: {  	_ =	shalt  }
0x68: {  	_ =	shalt  }
0x69: {  	_ =	shalt  }
0x6a: {  	_ =	shalt  }
0x6b: {  	_ =	shalt  }
0x6c: {  	_ =	shalt  }
0x6d: {  	_ =	shalt  }
0x6e: {  	_ =	shalt  }
0x6f: {  	_ =	shalt  }
0x70: {  	_ =	shalt  }
0x71: {  	_ =	shalt  }
0x72: {  	_ =	shalt  }
0x73: {  	_ =	shalt  }
0x74: {  	_ =	shalt  }
0x75: {  	_ =	shalt  }
0x76: {  	_ =	shalt  }
0x77: {  	_ =	shalt  }
0x78: {  	_ =	shalt  }
0x79: {  	_ =	shalt  }
0x7a: {  	_ =	shalt  }
0x7b: {  	_ =	shalt  }
0x7c: {  	_ =	shalt  }
0x7d: {  	_ =	shalt  }
0x7e: {  	_ =	shalt  }
0x7f: {  	_ =	shalt  }
0x80: {  	_ =	shalt  }
0x81: {  	_ =	shalt  }
0x82: {  	_ =	shalt  }
0x83: {  	_ =	shalt  }
0x84: {  	_ =	shalt  }
0x85: {  	_ =	shalt  }
0x86: {  	_ =	shalt  }
0x87: {  	_ =	shalt  }
.Lfunc_end0:
.L_simem_size_0:
called_computation_lowered:
.L_overlay_start_0:
0x88: {  	s2 =	sld [smem:$0x3FD9]  }
0x89: {  	s3 =	sld [smem:$0x3FFE];
	_ =	sdelay $0x1  }
0x8a: {  	s1 =	srdreg.scid  }
0x8b: {  	s0 =	sand.u32 $0x1, s1  }
0x8c: {  	s14 =	sshll.u32 s0, $0xA;
	s2 =	sadd.s32 s3, s2  }
0x8d: {  	s2 =	sadd.s32 s2, s14  }
0x8e: {  	[smem:$0x3FC5] =	sst s2  }
0x8f: {  	_ = 	snop  }
0x90: {  	s2 =	sld [smem:$0x3FD0];
	_ =	sdelay $0x2  }
0x91: {  	s15 =	simm.s32 $0xA;
	s4 =	simm.s32 $0x10  }
0x92: {  	[smem:s4], [sflag:s15] =	dma.local [hbm:s2], $0x1  }
0x93: {  	_ =	swait.eq [sflag:s15], $0x1  }
0x94: {  	[sflag:s15] =	ssyncset.done $0x0  }
0x95: {  	s16 =	sld [smem:$0x10];
	[sflag:s15] =	ssyncadd.s32 $0xFFFFFFFF  }
0x96: {  	s17 =	sld [smem:$0x12];
	(tm) =	ssettm $0x1  }
0x97: {  	s18 =	sld [smem:$0x3FFB];
	_ =	sdelay $0x3  }
0x98: {  	_ =	strace s18  }
0x99: {  	s4 =	sld [smem:$0x3FFC];
	_ =	sdelay $0x3  }
0x9a: {  	_ =	strace s4  }
0x9b: {  	s4 =	sld [smem:$0x3FFD];
	_ =	sdelay $0x3  }
0x9c: {  	_ =	strace s4  }
0x9d: {  	_ =	strace $0x8FFFFFFF  }
0x9e: {  	s19 =	sld [smem:$0x3FDB];
	_ =	sdelay $0x1  }
0x9f: {  	s5 =	simm.s32 $_scs_section_size  }
0xa0: {  	s6 =	simm.s32 $_size__tile_overlayer_lowered;
	s7 =	simm.s32 $_tile_overlayer_lowered  }
0xa1: {  	s22 =	simm.s32 $0x1BFF;
	s21 =	sshll.u32 s7, $0x1;
	s4 =	sadd.s32 s5, s19  }
0xa2: {  	s8 =	simm.s32 $0x0;
	s20 =	sshll.u32 s6, $0x1;
	s6 =	sadd.s32 s21, s4  }
0xa3: {  	[timem:s8], [sflag:s22] =	dma.local [hbm:s6], s20  }
0xa4: {  	_ =	swait.ge [sflag:s22], s20  }
0xa5: {  	s5 =	ssub.s32 $0x0, s20;
	[sflag:s22] =	ssyncset.done $0x0  }
0xa6: {  	[sflag:s22] =	ssyncadd.s32 s5;
	_ =	sdelay $0x1  }
0xa7: {  	s23 =	simm.s32 $0x1B8B  }
0xa8: {  	_ =	swait.ge [sflag:s23], $0x1  }
0xa9: {  	[sflag:s23] =	ssyncset.done $0x0  }
0xaa: {  	s25 =	simm.s32 $0x1B8E;
	s24 =	sld [smem:$0x3FFE];
	[sflag:s23] =	ssyncadd.s32 $0xFFFFFFFF  }
0xab: {  	s26 =	simm.s32 $execute0_lowered;
	[smem:$0x3FD2] =	sst s25  }
0xac: {  	s6 =	sshll.u32 s26, $0x1;
	_ =	strace $0x80000046;
	[dreg:$0x1] =	wrdreg $0xFFFFFFFF  }
0xad: {  	s28 =	simm.s32 $_size_execute0_lowered;
	s4 =	sadd.s32 s4, s6;
	[dreg:$0x0] =	wrdreg $0x0  }
0xae: {  	s6 =	sshll.u32 s28, $0x1;
	[dreg:$0x2] =	wrdreg s4  }
0xaf: {  	[dreg:$0x3] =	wrdreg s6  }
0xb0: {  	[dreg:$0x4] =	wrdreg $0xC0  }
0xb1: {  	_ =	task [dreg:s8], $0x5FFFF  }
0xb2: {  	[dreg:$0x1] =	wrdreg $0xFFFFFFFF  }
0xb3: {  	[dreg:$0x0] =	wrdreg $0x60  }
0xb4: {  	[dreg:$0x2] =	wrdreg s24  }
0xb5: {  	[dreg:$0x3] =	wrdreg s16  }
0xb6: {  	[dreg:$0x4] =	wrdreg s17  }
0xb7: {  	[dreg:$0x5] =	wrdreg $0x9  }
0xb8: {  	_ =	task.clear_ibuf [dreg:s8], $0x6FFFF;
	_ =	strace $0x90000046  }
0xb9: {  	s29 =	simm.s32 $0x9;
	_ =	strace $0x80000048  }
0xba: {  	_ =	swait.ge [sflag:s29], $0x1  }
0xbb: {  	[sflag:s29] =	ssyncadd.s32 $0xFFFFFFFF  }
0xbc: {  	_ =	strace $0x90000048  }
0xbd: {  	_ =	sfence  }
0xbe: {  	s30 =	sld [smem:$0x0];
	_ =	sdelay $0x2  }
0xbf: {  	s31 =	sshll.u32 s1, $0xD;
	s1 =	sshrl.u32 s1, $0x2  }
0xc0: {  	s3 =	sand.u32 $0x4000, s31;
	s1 =	sadd.s32 s1, s30  }
0xc1: {  	s0 =	sor.u32 s3, s0;
	s1 =	sshll.u32 s1, $0x11  }
0xc2: {  	s0 =	sor.u32 s1, s0  }
0xc3: {  	s0 =	sadd.s32 $0x8F2B, s0  }
0xc4: {  	[sflag:s0] =	ssyncadd.remote.s32 $0x1  }
0xc5: {  	_ =	sfence.sel $0xFFFF  }
0xc6: {  	[dreg:$0x0] =	wrdreg $0xFFFFFFFF;
	(pc) =	sbr.abs _section_cstart, $3  }
0xc7: {  	[dreg:$0x1] =	wrdreg $0xFFFFFFFF  }
0xc8: {  	_ =	task.clear_ibuf [dreg:s8], $0x2FFFF;
	_ =	strace $0x9FFFFFFF  }
0xc9: {  	(tm) =	ssettm $0x7FFFFFFF  }
tec
execute0_lowered:
.L_overlay_start_1:
0x0: {  	(tag) =	ssettag $0x1  }
0x1: {  	s0 =	rddreg [dreg:$0x0]  }
0x2: {  	s1 =	rddreg [dreg:$0x1]  }
0x3: {  	s10 =	rddreg [dreg:$0x2];
	s2 =	simm.s32 $0x0;
	s3 =	srdreg.scid  }
0x4: {  	s4 =	stileid.u32;
	s13 =	simm.s32 $0x400;
	s14 =	simm.s32 $0x800  }
0x5: {  	s19 =	simm.s32 $0x1;
	s20 =	simm.s32 $0x80000000;
	s21 =	simm.s32 $0x2  }
0x6: {  	s22 =	simm.s32 $0x4000;
	s23 =	simm.s32 $0x5000;
	s24 =	simm.s32 $0x0  }
0x7: {  	[smem:$0x7FF] =	sst s2;
	s3 =	sand.u32 $0x1, s3;
	s4 =	sshll.u32 s4, $0x1  }
0x8: {  	_ =	strace $0x80000047;
	s4 =	sor.u32 s3, s4;
	s3 =	ssub.s32 $0x2, s3  }
0x9: {  	s5 =	sshll.u32 s4, $0xC;
	s6 =	sshrl.u32 s3, $0x1;
	s4 =	sshll.u32 s4, $0x7  }
0xa: {  	s0 =	sadd.s32 s5, s0;
	s11 =	ssub.s32 s3, s6;
	s5 =	sor.u32 s4, s5  }
0xb: {  	s3 =	sadd.s32 $0xA00, s0;
	s4 =	sadd.s32 $0x1200, s0;
	s7 =	sand.u32 $0x18380, s5  }
0xc: {  	s5 =	sadd.s32 $0xA10, s0;
	s6 =	sadd.s32 $0x1210, s0;
	s8 =	sadd.s32 $0x1220, s0  }
0xd: {  	s11 =	smax.u32 s11, $0x1;
	s12 =	sshrl.u32 s7, $0x3;
	s7 =	sadd.s32 $0xA20, s0  }
0xe: {  	v0 =	vimm.s32 $0x0;
	v1 =	vlaneseq.u32;
	s9 =	sadd.s32 s1, s12;
	s10 =	sadd.s32 s10, s12;
	s12 =	simm.s32 $0x80  }
.LBB2_1:
0xf: {  	[tilespmem:s2], [sflag:$0x1] =	stream.strided.gather [hbm4b:s3+s12], $0x800, s13, s12, $0x38;
	[tilespmem:$0x6000] =	vst v63  }
0x10: {  	_ = 	snop  }
0x11: {  	[tilespmem:s14], [sflag:$0x1] =	stream.strided.gather [hbm4b:s4+s12], $0x800, s13, s12, $0x38;
	[tilespmem:$0x6000] =	vst v63  }
0x12: {  	s0 =	simm.s32 $0x1000  }
0x13: {  	[tilespmem:s0], [sflag:$0x2] =	stream.strided.gather [hbm4b:s5+s12], $0x800, s13, s12, $0x38;
	[tilespmem:$0x6000] =	vst v63  }
0x14: {  	s29 =	simm.s32 $0x1800  }
0x15: {  	[tilespmem:s29], [sflag:$0x2] =	stream.strided.gather [hbm4b:s6+s12], $0x800, s13, s12, $0x38;
	[tilespmem:$0x6000] =	vst v63  }
0x16: {  	s30 =	simm.s32 $0x2000  }
0x17: {  	[tilespmem:s30], [sflag:$0x2] =	stream.strided.gather [hbm4b:s7+s12], $0x800, s13, s12, $0x38;
	[tilespmem:$0x6000] =	vst v63  }
0x18: {  	s31 =	simm.s32 $0x2800  }
0x19: {  	[tilespmem:s31], [sflag:$0x2] =	stream.strided.gather [hbm4b:s8+s12], $0x800, s13, s12, $0x38;
	[tilespmem:$0x6000] =	vst v63  }
0x1a: {  	_ =	swait.ge [sflag:s19], $0x800  }
0x1b: {  	[sflag:s19] =	ssyncset.done $0x0  }
0x1c: {  	[sflag:s19] =	ssyncadd.s32 $0xFFFFF800  }
0x1d: {  	_ =	swait.ge [sflag:s19], $0x800  }
0x1e: {  	[sflag:s19] =	ssyncset.done $0x0  }
0x1f: {  	s0 =	simm.s32 $0x0;
	[sflag:s19] =	ssyncadd.s32 $0xFFFFF800  }
0x20: {  	v2 =	vld [tilespmem:s0+$0xF0]  }
0x21: {  	v3 =	vld [tilespmem:s0+$0x0]  }
0x22: {  	v4 =	vld [tilespmem:s0+$0x10]  }
0x23: {  	v5 =	vld [tilespmem:s0+$0x20]  }
0x24: {  	v6 =	vld [tilespmem:s0+$0x30]  }
0x25: {  	v7 =	vld [tilespmem:s0+$0x40];
	vm0 =	vlt.s32 v2, $0x0;
	v8 =	vxor.u32 $0x7FFFFFFF, v2  }
0x26: {  	v9 =	vld [tilespmem:s0+$0x50];
	vm1 =	vlt.s32 v3, $0x0;
	v10 =	vxor.u32 $0x7FFFFFFF, v3;
	v2 =	vsel vm0, v8, v2  }
0x27: {  	v8 =	vld [tilespmem:s0+$0x60];
	v3 =	vsel vm1, v10, v3;
	vm0 =	vlt.s32 v4, $0x0;
	[tilespmem:s0+$0x30F0] =	vst v2;
	v2 =	vxor.u32 $0x7FFFFFFF, v4  }
0x28: {  	v10 =	vld [tilespmem:s0+$0x70];
	[tilespmem:s0+$0x3000] =	vst v3;
	v3 =	vxor.u32 $0x7FFFFFFF, v5;
	v2 =	vsel vm0, v2, v4;
	vm0 =	vlt.s32 v5, $0x0  }
0x29: {  	v11 =	vld [tilespmem:s0+$0x80];
	[tilespmem:s0+$0x3010] =	vst v2;
	v2 =	vsel vm0, v3, v5;
	vm0 =	vlt.s32 v6, $0x0;
	v3 =	vxor.u32 $0x7FFFFFFF, v6  }
0x2a: {  	v4 =	vxor.u32 $0x7FFFFFFF, v7;
	[tilespmem:s0+$0x3020] =	vst v2;
	v3 =	vsel vm0, v3, v6;
	v2 =	vld [tilespmem:s0+$0x90];
	vm0 =	vlt.s32 v7, $0x0  }
0x2b: {  	v5 =	vxor.u32 $0x7FFFFFFF, v9;
	[tilespmem:s0+$0x3030] =	vst v3;
	v4 =	vsel vm0, v4, v7;
	v3 =	vld [tilespmem:s0+$0xA0];
	vm0 =	vlt.s32 v9, $0x0  }
0x2c: {  	v6 =	vxor.u32 $0x7FFFFFFF, v8;
	[tilespmem:s0+$0x3040] =	vst v4;
	v5 =	vsel vm0, v5, v9;
	v4 =	vld [tilespmem:s0+$0xB0];
	vm0 =	vlt.s32 v8, $0x0  }
0x2d: {  	v7 =	vxor.u32 $0x7FFFFFFF, v10;
	[tilespmem:s0+$0x3050] =	vst v5;
	v6 =	vsel vm0, v6, v8;
	v5 =	vld [tilespmem:s0+$0xC0];
	vm0 =	vlt.s32 v10, $0x0  }
0x2e: {  	v8 =	vxor.u32 $0x7FFFFFFF, v11;
	[tilespmem:s0+$0x3060] =	vst v6;
	v7 =	vsel vm0, v7, v10;
	v6 =	vld [tilespmem:s0+$0xD0];
	vm0 =	vlt.s32 v11, $0x0  }
0x2f: {  	s1 =	simm.s32 $0x100;
	s15 =	simm.s32 $0x800;
	[tilespmem:s0+$0x3070] =	vst v7;
	v8 =	vsel vm0, v8, v11;
	vm0 =	vlt.s32 v2, $0x0;
	v9 =	vxor.u32 $0x7FFFFFFF, v2;
	v7 =	vld [tilespmem:s0+$0xE0]  }
.LBB2_2:
0x30: {  	p0 =	sne.s32 s15, $0x3C00;
	v10 =	vld [tilespmem:s1+$0xF0];
	[tilespmem:s0+$0x3080] =	vst v8;
	v2 =	vsel vm0, v9, v2;
	vm0 =	vlt.s32 v3, $0x0;
	v8 =	vxor.u32 $0x7FFFFFFF, v3  }
0x31: {  	v9 =	vld [tilespmem:s1+$0x0];
	[tilespmem:s0+$0x3090] =	vst v2;
	v2 =	vsel vm0, v8, v3;
	vm0 =	vlt.s32 v4, $0x0;
	v3 =	vxor.u32 $0x7FFFFFFF, v4  }
0x32: {  	v8 =	vld [tilespmem:s1+$0x10];
	[tilespmem:s0+$0x30A0] =	vst v2;
	v2 =	vsel vm0, v3, v4;
	vm0 =	vlt.s32 v5, $0x0;
	v3 =	vxor.u32 $0x7FFFFFFF, v5  }
0x33: {  	v4 =	vld [tilespmem:s1+$0x20];
	[tilespmem:s0+$0x30B0] =	vst v2;
	v2 =	vsel vm0, v3, v5;
	vm0 =	vlt.s32 v6, $0x0;
	v3 =	vxor.u32 $0x7FFFFFFF, v6  }
0x34: {  	v5 =	vld [tilespmem:s1+$0x30];
	[tilespmem:s0+$0x30C0] =	vst v2;
	v2 =	vsel vm0, v3, v6;
	vm0 =	vlt.s32 v7, $0x0;
	v3 =	vxor.u32 $0x7FFFFFFF, v7  }
0x35: {  	v6 =	vld [tilespmem:s1+$0x40];
	vm1 =	vlt.s32 v10, $0x0;
	v11 =	vxor.u32 $0x7FFFFFFF, v10;
	[tilespmem:s0+$0x30D0] =	vst v2;
	v2 =	vsel vm0, v3, v7  }
0x36: {  	vm0 =	vlt.s32 v9, $0x0;
	v3 =	vxor.u32 $0x7FFFFFFF, v9;
	v7 =	vld [tilespmem:s1+$0x50];
	v10 =	vsel vm1, v11, v10;
	[tilespmem:s0+$0x30E0] =	vst v2;
	s0 =	smov.u32 s1  }
0x37: {  	v2 =	vsel vm0, v3, v9;
	vm0 =	vlt.s32 v8, $0x0;
	v3 =	vxor.u32 $0x7FFFFFFF, v8;
	v9 =	vld [tilespmem:s0+$0x60];
	[tilespmem:s0+$0x30F0] =	vst v10  }
0x38: {  	[tilespmem:s0+$0x3000] =	vst v2;
	v2 =	vsel vm0, v3, v8;
	vm0 =	vlt.s32 v4, $0x0;
	v3 =	vxor.u32 $0x7FFFFFFF, v4;
	v8 =	vld [tilespmem:s0+$0x70]  }
0x39: {  	[tilespmem:s0+$0x3010] =	vst v2;
	v2 =	vsel vm0, v3, v4;
	vm0 =	vlt.s32 v5, $0x0;
	v3 =	vxor.u32 $0x7FFFFFFF, v5;
	v10 =	vld [tilespmem:s0+$0x80]  }
0x3a: {  	[tilespmem:s0+$0x3020] =	vst v2;
	v3 =	vsel vm0, v3, v5;
	vm0 =	vlt.s32 v6, $0x0;
	v4 =	vxor.u32 $0x7FFFFFFF, v6;
	v2 =	vld [tilespmem:s0+$0x90]  }
.Ltmp0:
0x3b: {  	[tilespmem:s0+$0x3030] =	vst v3;
	v4 =	vsel vm0, v4, v6;
	vm0 =	vlt.s32 v7, $0x0;
	v5 =	vxor.u32 $0x7FFFFFFF, v7;
	v3 =	vld [tilespmem:s0+$0xA0];
	(pc) =	sbr.rel @p0 .LBB2_2-.Ltmp0, $4  }
0x3c: {  	[tilespmem:s0+$0x3040] =	vst v4;
	v5 =	vsel vm0, v5, v7;
	vm0 =	vlt.s32 v9, $0x0;
	v6 =	vxor.u32 $0x7FFFFFFF, v9;
	v4 =	vld [tilespmem:s0+$0xB0]  }
0x3d: {  	[tilespmem:s0+$0x3050] =	vst v5;
	v6 =	vsel vm0, v6, v9;
	vm0 =	vlt.s32 v8, $0x0;
	v7 =	vxor.u32 $0x7FFFFFFF, v8;
	v5 =	vld [tilespmem:s0+$0xC0]  }
0x3e: {  	[tilespmem:s0+$0x3060] =	vst v6;
	v7 =	vsel vm0, v7, v8;
	vm0 =	vlt.s32 v10, $0x0;
	v8 =	vxor.u32 $0x7FFFFFFF, v10;
	v6 =	vld [tilespmem:s0+$0xD0]  }
0x3f: {  	s1 =	sshra.s32 s15, $0x2;
	s15 =	sadd.s32 $0x400, s15;
	[tilespmem:s0+$0x3070] =	vst v7;
	v8 =	vsel vm0, v8, v10;
	vm0 =	vlt.s32 v2, $0x0;
	v9 =	vxor.u32 $0x7FFFFFFF, v2;
	v7 =	vld [tilespmem:s0+$0xE0]  }
0x40: {  	v10 =	vld [tilespmem:s1+$0xF0];
	[tilespmem:s0+$0x3080] =	vst v8;
	v2 =	vsel vm0, v9, v2;
	vm8 =	vlt.s32 v3, $0x0;
	v34 =	vxor.u32 $0x7FFFFFFF, v3  }
0x41: {  	v8 =	vld [tilespmem:s1+$0x0];
	[tilespmem:s0+$0x3090] =	vst v2;
	v2 =	vsel vm8, v34, v3;
	vm9 =	vlt.s32 v4, $0x0;
	v35 =	vxor.u32 $0x7FFFFFFF, v4  }
0x42: {  	v3 =	vld [tilespmem:s1+$0x10];
	[tilespmem:s0+$0x30A0] =	vst v2;
	v2 =	vsel vm9, v35, v4;
	vm10 =	vlt.s32 v5, $0x0;
	v37 =	vxor.u32 $0x7FFFFFFF, v5  }
0x43: {  	v36 =	vld [tilespmem:s1+$0x20];
	[tilespmem:s0+$0x30B0] =	vst v2;
	v2 =	vsel vm10, v37, v5;
	vm11 =	vlt.s32 v6, $0x0;
	v39 =	vxor.u32 $0x7FFFFFFF, v6  }
0x44: {  	v38 =	vld [tilespmem:s1+$0x30];
	[tilespmem:s0+$0x30C0] =	vst v2;
	v2 =	vsel vm11, v39, v6;
	vm12 =	vlt.s32 v7, $0x0;
	v41 =	vxor.u32 $0x7FFFFFFF, v7  }
0x45: {  	v40 =	vld [tilespmem:s1+$0x40];
	[tilespmem:s0+$0x30D0] =	vst v2;
	v2 =	vsel vm12, v41, v7;
	vm13 =	vlt.s32 v10, $0x0;
	v43 =	vxor.u32 $0x7FFFFFFF, v10  }
0x46: {  	v42 =	vld [tilespmem:s1+$0x50];
	[tilespmem:s0+$0x30E0] =	vst v2;
	vm1 =	vlt.s32 v8, $0x0;
	v2 =	vxor.u32 $0x7FFFFFFF, v8;
	v9 =	vsel vm13, v43, v10  }
0x47: {  	v44 =	vld [tilespmem:s1+$0x60];
	v2 =	vsel vm1, v2, v8;
	[tilespmem:s1+$0x30F0] =	vst v9;
	vm14 =	vlt.s32 v3, $0x0;
	v45 =	vxor.u32 $0x7FFFFFFF, v3  }
0x48: {  	[tilespmem:s1+$0x3000] =	vst v2;
	v2 =	vsel vm14, v45, v3;
	v3 =	vld [tilespmem:s1+$0x70];
	vm15 =	vlt.s32 v36, $0x0;
	v46 =	vxor.u32 $0x7FFFFFFF, v36  }
0x49: {  	v47 =	vld [tilespmem:s1+$0x80];
	[tilespmem:s1+$0x3010] =	vst v2;
	v2 =	vsel vm15, v46, v36;
	vm4 =	vlt.s32 v38, $0x0;
	v48 =	vxor.u32 $0x7FFFFFFF, v38  }
0x4a: {  	v49 =	vld [tilespmem:s1+$0x90];
	[tilespmem:s1+$0x3020] =	vst v2;
	v2 =	vsel vm4, v48, v38;
	vm5 =	vlt.s32 v40, $0x0;
	v50 =	vxor.u32 $0x7FFFFFFF, v40  }
0x4b: {  	v51 =	vld [tilespmem:s1+$0xA0];
	[tilespmem:s1+$0x3030] =	vst v2;
	v2 =	vsel vm5, v50, v40;
	vm6 =	vlt.s32 v42, $0x0;
	v52 =	vxor.u32 $0x7FFFFFFF, v42  }
0x4c: {  	v53 =	vld [tilespmem:s1+$0xB0];
	[tilespmem:s1+$0x3040] =	vst v2;
	v2 =	vsel vm6, v52, v42;
	vm7 =	vlt.s32 v44, $0x0;
	v54 =	vxor.u32 $0x7FFFFFFF, v44  }
0x4d: {  	v55 =	vld [tilespmem:s1+$0xC0];
	[tilespmem:s1+$0x3050] =	vst v2;
	v2 =	vsel vm7, v54, v44;
	vm8 =	vlt.s32 v3, $0x0;
	v56 =	vxor.u32 $0x7FFFFFFF, v3  }
0x4e: {  	vm9 =	vlt.s32 v47, $0x0;
	v57 =	vxor.u32 $0x7FFFFFFF, v47;
	[tilespmem:s1+$0x3060] =	vst v2;
	v2 =	vsel vm8, v56, v3;
	v3 =	vld [tilespmem:s1+$0xD0]  }
0x4f: {  	v59 =	vld [tilespmem:s1+$0xE0];
	vm10 =	vlt.s32 v49, $0x0;
	v58 =	vxor.u32 $0x7FFFFFFF, v49;
	[tilespmem:s1+$0x3070] =	vst v2;
	v2 =	vsel vm9, v57, v47  }
0x50: {  	vm11 =	vlt.s32 v51, $0x0;
	v60 =	vxor.u32 $0x7FFFFFFF, v51;
	[tilespmem:s1+$0x3080] =	vst v2;
	v2 =	vsel vm10, v58, v49  }
0x51: {  	vm12 =	vlt.s32 v53, $0x0;
	v61 =	vxor.u32 $0x7FFFFFFF, v53;
	[tilespmem:s1+$0x3090] =	vst v2;
	v2 =	vsel vm11, v60, v51  }
0x52: {  	vm13 =	vlt.s32 v55, $0x0;
	v62 =	vxor.u32 $0x7FFFFFFF, v55;
	[tilespmem:s1+$0x30A0] =	vst v2;
	v2 =	vsel vm12, v61, v53  }
0x53: {  	[tilespmem:s1+$0x30B0] =	vst v2;
	v2 =	vsel vm13, v62, v55;
	vm14 =	vlt.s32 v3, $0x0;
	v63 =	vxor.u32 $0x7FFFFFFF, v3  }
0x54: {  	vm15 =	vlt.s32 v59, $0x0;
	[tilespmem:s1+$0x30C0] =	vst v2;
	v2 =	vsel vm14, v63, v3;
	v3 =	vxor.u32 $0x7FFFFFFF, v59  }
0x55: {  	[tilespmem:s1+$0x30D0] =	vst v2;
	v2 =	vsel vm15, v3, v59  }
0x56: {  	s15 =	simm.s32 $0x0;
	s0 =	simm.s32 $0x1000;
	[tilespmem:s1+$0x30E0] =	vst v2;
	s1 =	simm.s32 $0x0  }
.LBB2_4:
0x57: {  	s26 =	simm.s32 $0x0  }
0x58: {  	v3 =	vld [tilespmem:s26+$0x3000]  }
0x59: {  	s16 =	sshrl.u32 s20, s15;
	v4 =	vld [tilespmem:s26+$0x3010]  }
0x5a: {  	s16 =	sor.u32 s16, s1;
	v5 =	vld [tilespmem:s26+$0x3020]  }
0x5b: {  	v6 =	vld [tilespmem:s26+$0x3030];
	s17 =	sxor.u32 $0x80000000, s16  }
0x5c: {  	v7 =	vld [tilespmem:s26+$0x3040];
	v2 =	vmov s17  }
0x5d: {  	vm0 =	vge.s32 v3, v2;
	v3 =	vld [tilespmem:s26+$0x3050]  }
0x5e: {  	v8 =	vimm.s32 $0x0;
	v9 =	vsel vm0, $0x1, v0;
	vm0 =	vge.s32 v4, v2;
	v4 =	vld [tilespmem:s26+$0x3060]  }
0x5f: {  	v8 =	vadd.s32 v9, v8;
	v9 =	vsel vm0, $0x1, v0;
	vm0 =	vge.s32 v5, v2;
	v5 =	vld [tilespmem:s26+$0x3070]  }
0x60: {  	v8 =	vadd.s32 v9, v8;
	v9 =	vsel vm0, $0x1, v0;
	vm0 =	vge.s32 v6, v2;
	v6 =	vld [tilespmem:s26+$0x3080]  }
0x61: {  	v8 =	vadd.s32 v9, v8;
	v9 =	vsel vm0, $0x1, v0;
	vm0 =	vge.s32 v7, v2;
	v7 =	vld [tilespmem:s26+$0x3090]  }
0x62: {  	v10 =	vld [tilespmem:s26+$0x30A0];
	v8 =	vadd.s32 v9, v8;
	v9 =	vsel vm0, $0x1, v0;
	vm0 =	vge.s32 v3, v2  }
0x63: {  	v3 =	vld [tilespmem:s26+$0x30B0];
	v8 =	vadd.s32 v9, v8;
	v9 =	vsel vm0, $0x1, v0;
	vm0 =	vge.s32 v4, v2  }
0x64: {  	v4 =	vld [tilespmem:s26+$0x30C0];
	v8 =	vadd.s32 v9, v8;
	v9 =	vsel vm0, $0x1, v0;
	vm0 =	vge.s32 v5, v2  }
0x65: {  	v5 =	vld [tilespmem:s26+$0x30D0];
	v8 =	vadd.s32 v9, v8;
	v9 =	vsel vm0, $0x1, v0;
	vm0 =	vge.s32 v6, v2  }
0x66: {  	v6 =	vld [tilespmem:s26+$0x30E0];
	v8 =	vadd.s32 v9, v8;
	v9 =	vsel vm0, $0x1, v0;
	vm0 =	vge.s32 v7, v2  }
0x67: {  	s25 =	simm.s32 $0x800;
	s17 =	simm.s32 $0x100;
	v7 =	vld [tilespmem:s26+$0x30F0];
	v8 =	vadd.s32 v9, v8;
	v9 =	vsel vm0, $0x1, v0;
	vm0 =	vge.s32 v10, v2  }
.LBB2_5:
0x68: {  	p0 =	sne.s32 s25, $0x3C00;
	v10 =	vld [tilespmem:s17+$0x3000];
	v8 =	vadd.s32 v9, v8;
	v9 =	vsel vm0, $0x1, v0;
	vm0 =	vge.s32 v3, v2  }
0x69: {  	v3 =	vld [tilespmem:s17+$0x3010];
	v8 =	vadd.s32 v9, v8;
	v9 =	vsel vm0, $0x1, v0;
	vm0 =	vge.s32 v4, v2  }
0x6a: {  	v4 =	vld [tilespmem:s17+$0x3020];
	v8 =	vadd.s32 v9, v8;
	v9 =	vsel vm0, $0x1, v0;
	vm0 =	vge.s32 v5, v2  }
0x6b: {  	v5 =	vld [tilespmem:s17+$0x3030];
	v8 =	vadd.s32 v9, v8;
	v9 =	vsel vm0, $0x1, v0;
	vm0 =	vge.s32 v6, v2  }
0x6c: {  	v6 =	vld [tilespmem:s17+$0x3040];
	v8 =	vadd.s32 v9, v8;
	v9 =	vsel vm0, $0x1, v0;
	vm0 =	vge.s32 v7, v2  }
0x6d: {  	vm1 =	vge.s32 v10, v2;
	v7 =	vld [tilespmem:s17+$0x3050];
	v8 =	vadd.s32 v9, v8;
	v9 =	vsel vm0, $0x1, v0  }
0x6e: {  	v10 =	vsel vm1, $0x1, v0;
	vm0 =	vge.s32 v3, v2;
	v3 =	vld [tilespmem:s17+$0x3060];
	v8 =	vadd.s32 v9, v8  }
0x6f: {  	v8 =	vadd.s32 v10, v8;
	v9 =	vsel vm0, $0x1, v0;
	vm0 =	vge.s32 v4, v2;
	v4 =	vld [tilespmem:s17+$0x3070]  }
0x70: {  	v8 =	vadd.s32 v9, v8;
	v9 =	vsel vm0, $0x1, v0;
	vm0 =	vge.s32 v5, v2;
	v5 =	vld [tilespmem:s17+$0x3080]  }
0x71: {  	v8 =	vadd.s32 v9, v8;
	v9 =	vsel vm0, $0x1, v0;
	vm0 =	vge.s32 v6, v2;
	v6 =	vld [tilespmem:s17+$0x3090]  }
0x72: {  	v8 =	vadd.s32 v9, v8;
	v9 =	vsel vm0, $0x1, v0;
	vm0 =	vge.s32 v7, v2;
	v7 =	vld [tilespmem:s17+$0x30A0]  }
.Ltmp1:
0x73: {  	v8 =	vadd.s32 v9, v8;
	v9 =	vsel vm0, $0x1, v0;
	vm0 =	vge.s32 v3, v2;
	v3 =	vld [tilespmem:s17+$0x30B0];
	(pc) =	sbr.rel @p0 .LBB2_5-.Ltmp1, $4  }
0x74: {  	v8 =	vadd.s32 v9, v8;
	v9 =	vsel vm0, $0x1, v0;
	vm0 =	vge.s32 v4, v2;
	v4 =	vld [tilespmem:s17+$0x30C0]  }
0x75: {  	v8 =	vadd.s32 v9, v8;
	v9 =	vsel vm0, $0x1, v0;
	vm0 =	vge.s32 v5, v2;
	v5 =	vld [tilespmem:s17+$0x30D0]  }
0x76: {  	v8 =	vadd.s32 v9, v8;
	v9 =	vsel vm0, $0x1, v0;
	vm0 =	vge.s32 v6, v2;
	v6 =	vld [tilespmem:s17+$0x30E0]  }
0x77: {  	v8 =	vadd.s32 v9, v8;
	v9 =	vsel vm0, $0x1, v0;
	vm0 =	vge.s32 v7, v2;
	v7 =	vld [tilespmem:s17+$0x30F0];
	s17 =	sshra.s32 s25, $0x2;
	s25 =	sadd.s32 $0x400, s25  }
0x78: {  	v10 =	vld [tilespmem:s17+$0x3000];
	v8 =	vadd.s32 v9, v8;
	v33 =	vsel vm0, $0x1, v0;
	vm8 =	vge.s32 v3, v2  }
0x79: {  	v3 =	vld [tilespmem:s17+$0x3010];
	v8 =	vadd.s32 v33, v8;
	v34 =	vsel vm8, $0x1, v0;
	vm9 =	vge.s32 v4, v2  }
0x7a: {  	v35 =	vld [tilespmem:s17+$0x3020];
	v8 =	vadd.s32 v34, v8;
	v36 =	vsel vm9, $0x1, v0;
	vm10 =	vge.s32 v5, v2  }
0x7b: {  	v37 =	vld [tilespmem:s17+$0x3030];
	v8 =	vadd.s32 v36, v8;
	v38 =	vsel vm10, $0x1, v0;
	vm11 =	vge.s32 v6, v2  }
0x7c: {  	v39 =	vld [tilespmem:s17+$0x3040];
	v8 =	vadd.s32 v38, v8;
	v40 =	vsel vm11, $0x1, v0;
	vm12 =	vge.s32 v7, v2  }
0x7d: {  	v41 =	vld [tilespmem:s17+$0x3050];
	vm1 =	vge.s32 v10, v2;
	v8 =	vadd.s32 v40, v8;
	v42 =	vsel vm12, $0x1, v0  }
0x7e: {  	vm13 =	vge.s32 v3, v2;
	v3 =	vld [tilespmem:s17+$0x3060];
	v10 =	vsel vm1, $0x1, v0;
	v8 =	vadd.s32 v42, v8  }
0x7f: {  	v44 =	vld [tilespmem:s17+$0x3070];
	vm14 =	vge.s32 v35, v2;
	v43 =	vsel vm13, $0x1, v0;
	v8 =	vadd.s32 v10, v8  }
0x80: {  	v46 =	vld [tilespmem:s17+$0x3080];
	vm15 =	vge.s32 v37, v2;
	v45 =	vsel vm14, $0x1, v0;
	v8 =	vadd.s32 v43, v8  }
0x81: {  	v48 =	vld [tilespmem:s17+$0x3090];
	vm4 =	vge.s32 v39, v2;
	v47 =	vsel vm15, $0x1, v0;
	v8 =	vadd.s32 v45, v8  }
0x82: {  	v50 =	vld [tilespmem:s17+$0x30A0];
	vm5 =	vge.s32 v41, v2;
	v49 =	vsel vm4, $0x1, v0;
	v8 =	vadd.s32 v47, v8  }
0x83: {  	v51 =	vsel vm5, $0x1, v0;
	vm6 =	vge.s32 v3, v2;
	v3 =	vld [tilespmem:s17+$0x30B0];
	v8 =	vadd.s32 v49, v8  }
0x84: {  	v53 =	vld [tilespmem:s17+$0x30C0];
	vm7 =	vge.s32 v44, v2;
	v52 =	vsel vm6, $0x1, v0;
	v8 =	vadd.s32 v51, v8  }
0x85: {  	v55 =	vld [tilespmem:s17+$0x30D0];
	vm8 =	vge.s32 v46, v2;
	v54 =	vsel vm7, $0x1, v0;
	v8 =	vadd.s32 v52, v8  }
0x86: {  	v57 =	vld [tilespmem:s17+$0x30E0];
	vm9 =	vge.s32 v48, v2;
	v56 =	vsel vm8, $0x1, v0;
	v8 =	vadd.s32 v54, v8  }
0x87: {  	v59 =	vld [tilespmem:s17+$0x30F0];
	vm10 =	vge.s32 v50, v2;
	v58 =	vsel vm9, $0x1, v0;
	v8 =	vadd.s32 v56, v8  }
0x88: {  	v60 =	vsel vm10, $0x1, v0;
	vm11 =	vge.s32 v3, v2;
	v8 =	vadd.s32 v58, v8  }
0x89: {  	vm12 =	vge.s32 v53, v2;
	v61 =	vsel vm11, $0x1, v0;
	v3 =	vadd.s32 v60, v8  }
0x8a: {  	v4 =	vsel vm12, $0x1, v0;
	vm13 =	vge.s32 v55, v2;
	v3 =	vadd.s32 v61, v3  }
0x8b: {  	vm14 =	vge.s32 v57, v2;
	v62 =	vsel vm13, $0x1, v0;
	v3 =	vadd.s32 v4, v3  }
0x8c: {  	vm15 =	vge.s32 v59, v2;
	v63 =	vsel vm14, $0x1, v0;
	v3 =	vadd.s32 v62, v3  }
0x8d: {  	v2 =	vadd.s32 v63, v3;
	v3 =	vsel vm15, $0x1, v0  }
0x8e: {  	v2 =	vadd.s32 v3, v2  }
0x8f: {  	(xrf0) =	vadd.scan.msk.s32 $0xffff, v2;
	_ =	sdelay $0x5  }
0x90: {  	v2, _, _ =	vpop (xrf0)  }
0x91: {  	(v2sf) =	vpush v2, $0xF;
	_ =	sdelay $0xa  }
0x92: {  	s15 =	sadd.s32 $0x1, s15  }
0x93: {  	p1 =	sne.s32 s15, $0x20  }
.Ltmp2:
0x94: {  	_ = 	snop;
	(pc) =	sbr.rel @p1 .LBB2_4-.Ltmp2, $4  }
0x95: {  	_ = 	snop  }
0x96: {  	s17 =	spop (v2sf)  }
0x97: {  	p0 =	sgt.s32 s17, $0x3FF  }
0x98: {  	s1 =	smov.u32 @p0 s16;
	s0 =	smov.u32 @p0 s17  }
0x99: {  	s16 =	simm.s32 $0x0  }
0x9a: {  	v3 =	vld [tilespmem:s16+$0x3000]  }
0x9b: {  	v4 =	vld [tilespmem:s16+$0x3010]  }
0x9c: {  	v5 =	vld [tilespmem:s16+$0x3020]  }
0x9d: {  	s1 =	sxor.u32 $0x80000000, s1;
	v6 =	vld [tilespmem:s16+$0x3030]  }
0x9e: {  	v2 =	vmov s1;
	v7 =	vld [tilespmem:s16+$0x3040]  }
0x9f: {  	vm0 =	vgt.s32 v3, v2;
	v3 =	vld [tilespmem:s16+$0x3050]  }
0xa0: {  	v8 =	vimm.s32 $0x0;
	v9 =	vsel vm0, $0x1, v0;
	vm0 =	vgt.s32 v4, v2;
	v4 =	vld [tilespmem:s16+$0x3060]  }
0xa1: {  	v8 =	vadd.s32 v9, v8;
	v9 =	vsel vm0, $0x1, v0;
	vm0 =	vgt.s32 v5, v2;
	v5 =	vld [tilespmem:s16+$0x3070]  }
0xa2: {  	v8 =	vadd.s32 v9, v8;
	v9 =	vsel vm0, $0x1, v0;
	vm0 =	vgt.s32 v6, v2;
	v6 =	vld [tilespmem:s16+$0x3080]  }
0xa3: {  	v8 =	vadd.s32 v9, v8;
	v9 =	vsel vm0, $0x1, v0;
	vm0 =	vgt.s32 v7, v2;
	v7 =	vld [tilespmem:s16+$0x3090]  }
0xa4: {  	v10 =	vld [tilespmem:s16+$0x30A0];
	v8 =	vadd.s32 v9, v8;
	v9 =	vsel vm0, $0x1, v0;
	vm0 =	vgt.s32 v3, v2  }
0xa5: {  	v3 =	vld [tilespmem:s16+$0x30B0];
	v8 =	vadd.s32 v9, v8;
	v9 =	vsel vm0, $0x1, v0;
	vm0 =	vgt.s32 v4, v2  }
0xa6: {  	v4 =	vld [tilespmem:s16+$0x30C0];
	v8 =	vadd.s32 v9, v8;
	v9 =	vsel vm0, $0x1, v0;
	vm0 =	vgt.s32 v5, v2  }
0xa7: {  	v5 =	vld [tilespmem:s16+$0x30D0];
	v8 =	vadd.s32 v9, v8;
	v9 =	vsel vm0, $0x1, v0;
	vm0 =	vgt.s32 v6, v2  }
0xa8: {  	v6 =	vld [tilespmem:s16+$0x30E0];
	v8 =	vadd.s32 v9, v8;
	v9 =	vsel vm0, $0x1, v0;
	vm0 =	vgt.s32 v7, v2  }
0xa9: {  	s15 =	simm.s32 $0x800;
	s1 =	simm.s32 $0x100;
	v7 =	vld [tilespmem:s16+$0x30F0];
	v8 =	vadd.s32 v9, v8;
	v9 =	vsel vm0, $0x1, v0;
	vm0 =	vgt.s32 v10, v2  }
.LBB2_8:
0xaa: {  	p0 =	sne.s32 s15, $0x3C00;
	v10 =	vld [tilespmem:s1+$0x3000];
	v8 =	vadd.s32 v9, v8;
	v9 =	vsel vm0, $0x1, v0;
	vm0 =	vgt.s32 v3, v2  }
0xab: {  	v3 =	vld [tilespmem:s1+$0x3010];
	v8 =	vadd.s32 v9, v8;
	v9 =	vsel vm0, $0x1, v0;
	vm0 =	vgt.s32 v4, v2  }
0xac: {  	v4 =	vld [tilespmem:s1+$0x3020];
	v8 =	vadd.s32 v9, v8;
	v9 =	vsel vm0, $0x1, v0;
	vm0 =	vgt.s32 v5, v2  }
0xad: {  	v5 =	vld [tilespmem:s1+$0x3030];
	v8 =	vadd.s32 v9, v8;
	v9 =	vsel vm0, $0x1, v0;
	vm0 =	vgt.s32 v6, v2  }
0xae: {  	v6 =	vld [tilespmem:s1+$0x3040];
	v8 =	vadd.s32 v9, v8;
	v9 =	vsel vm0, $0x1, v0;
	vm0 =	vgt.s32 v7, v2  }
0xaf: {  	vm1 =	vgt.s32 v10, v2;
	v7 =	vld [tilespmem:s1+$0x3050];
	v8 =	vadd.s32 v9, v8;
	v9 =	vsel vm0, $0x1, v0  }
0xb0: {  	v10 =	vsel vm1, $0x1, v0;
	vm0 =	vgt.s32 v3, v2;
	v3 =	vld [tilespmem:s1+$0x3060];
	v8 =	vadd.s32 v9, v8  }
0xb1: {  	v8 =	vadd.s32 v10, v8;
	v9 =	vsel vm0, $0x1, v0;
	vm0 =	vgt.s32 v4, v2;
	v4 =	vld [tilespmem:s1+$0x3070]  }
0xb2: {  	v8 =	vadd.s32 v9, v8;
	v9 =	vsel vm0, $0x1, v0;
	vm0 =	vgt.s32 v5, v2;
	v5 =	vld [tilespmem:s1+$0x3080]  }
0xb3: {  	v8 =	vadd.s32 v9, v8;
	v9 =	vsel vm0, $0x1, v0;
	vm0 =	vgt.s32 v6, v2;
	v6 =	vld [tilespmem:s1+$0x3090]  }
0xb4: {  	v8 =	vadd.s32 v9, v8;
	v9 =	vsel vm0, $0x1, v0;
	vm0 =	vgt.s32 v7, v2;
	v7 =	vld [tilespmem:s1+$0x30A0]  }
.Ltmp3:
0xb5: {  	v8 =	vadd.s32 v9, v8;
	v9 =	vsel vm0, $0x1, v0;
	vm0 =	vgt.s32 v3, v2;
	v3 =	vld [tilespmem:s1+$0x30B0];
	(pc) =	sbr.rel @p0 .LBB2_8-.Ltmp3, $4  }
0xb6: {  	v8 =	vadd.s32 v9, v8;
	v9 =	vsel vm0, $0x1, v0;
	vm0 =	vgt.s32 v4, v2;
	v4 =	vld [tilespmem:s1+$0x30C0]  }
0xb7: {  	v8 =	vadd.s32 v9, v8;
	v9 =	vsel vm0, $0x1, v0;
	vm0 =	vgt.s32 v5, v2;
	v5 =	vld [tilespmem:s1+$0x30D0]  }
0xb8: {  	v8 =	vadd.s32 v9, v8;
	v9 =	vsel vm0, $0x1, v0;
	vm0 =	vgt.s32 v6, v2;
	v6 =	vld [tilespmem:s1+$0x30E0]  }
0xb9: {  	v8 =	vadd.s32 v9, v8;
	v9 =	vsel vm0, $0x1, v0;
	vm0 =	vgt.s32 v7, v2;
	v7 =	vld [tilespmem:s1+$0x30F0];
	s1 =	sshra.s32 s15, $0x2;
	s15 =	sadd.s32 $0x400, s15  }
0xba: {  	v10 =	vld [tilespmem:s1+$0x3000];
	v8 =	vadd.s32 v9, v8;
	v32 =	vsel vm0, $0x1, v0;
	vm8 =	vgt.s32 v3, v2  }
0xbb: {  	v3 =	vld [tilespmem:s1+$0x3010];
	v8 =	vadd.s32 v32, v8;
	v33 =	vsel vm8, $0x1, v0;
	vm9 =	vgt.s32 v4, v2  }
0xbc: {  	v34 =	vld [tilespmem:s1+$0x3020];
	v8 =	vadd.s32 v33, v8;
	v35 =	vsel vm9, $0x1, v0;
	vm10 =	vgt.s32 v5, v2  }
0xbd: {  	v36 =	vld [tilespmem:s1+$0x3030];
	v8 =	vadd.s32 v35, v8;
	v37 =	vsel vm10, $0x1, v0;
	vm11 =	vgt.s32 v6, v2  }
0xbe: {  	v38 =	vld [tilespmem:s1+$0x3040];
	v8 =	vadd.s32 v37, v8;
	v39 =	vsel vm11, $0x1, v0;
	vm12 =	vgt.s32 v7, v2  }
0xbf: {  	v40 =	vld [tilespmem:s1+$0x3050];
	vm1 =	vgt.s32 v10, v2;
	v8 =	vadd.s32 v39, v8;
	v41 =	vsel vm12, $0x1, v0  }
0xc0: {  	vm13 =	vgt.s32 v3, v2;
	v3 =	vld [tilespmem:s1+$0x3060];
	v10 =	vsel vm1, $0x1, v0;
	v8 =	vadd.s32 v41, v8  }
0xc1: {  	v43 =	vld [tilespmem:s1+$0x3070];
	vm14 =	vgt.s32 v34, v2;
	v42 =	vsel vm13, $0x1, v0;
	v8 =	vadd.s32 v10, v8  }
0xc2: {  	v45 =	vld [tilespmem:s1+$0x3080];
	vm15 =	vgt.s32 v36, v2;
	v44 =	vsel vm14, $0x1, v0;
	v8 =	vadd.s32 v42, v8  }
0xc3: {  	v47 =	vld [tilespmem:s1+$0x3090];
	vm4 =	vgt.s32 v38, v2;
	v46 =	vsel vm15, $0x1, v0;
	v8 =	vadd.s32 v44, v8  }
0xc4: {  	v49 =	vld [tilespmem:s1+$0x30A0];
	vm5 =	vgt.s32 v40, v2;
	v48 =	vsel vm4, $0x1, v0;
	v8 =	vadd.s32 v46, v8  }
0xc5: {  	v50 =	vsel vm5, $0x1, v0;
	vm6 =	vgt.s32 v3, v2;
	v3 =	vld [tilespmem:s1+$0x30B0];
	v8 =	vadd.s32 v48, v8  }
0xc6: {  	v52 =	vld [tilespmem:s1+$0x30C0];
	vm7 =	vgt.s32 v43, v2;
	v51 =	vsel vm6, $0x1, v0;
	v8 =	vadd.s32 v50, v8  }
0xc7: {  	v54 =	vld [tilespmem:s1+$0x30D0];
	vm8 =	vgt.s32 v45, v2;
	v53 =	vsel vm7, $0x1, v0;
	v8 =	vadd.s32 v51, v8  }
0xc8: {  	v56 =	vld [tilespmem:s1+$0x30E0];
	vm9 =	vgt.s32 v47, v2;
	v55 =	vsel vm8, $0x1, v0;
	v8 =	vadd.s32 v53, v8  }
0xc9: {  	v58 =	vld [tilespmem:s1+$0x30F0];
	vm10 =	vgt.s32 v49, v2;
	v57 =	vsel vm9, $0x1, v0;
	v8 =	vadd.s32 v55, v8  }
0xca: {  	v59 =	vsel vm10, $0x1, v0;
	vm11 =	vgt.s32 v3, v2;
	v8 =	vadd.s32 v57, v8  }
0xcb: {  	vm12 =	vgt.s32 v52, v2;
	v60 =	vsel vm11, $0x1, v0;
	v3 =	vadd.s32 v59, v8  }
0xcc: {  	v4 =	vsel vm12, $0x1, v0;
	vm13 =	vgt.s32 v54, v2;
	v3 =	vadd.s32 v60, v3  }
0xcd: {  	vm14 =	vgt.s32 v56, v2;
	v61 =	vsel vm13, $0x1, v0;
	v3 =	vadd.s32 v4, v3  }
0xce: {  	vm15 =	vgt.s32 v58, v2;
	v62 =	vsel vm14, $0x1, v0;
	v3 =	vadd.s32 v61, v3  }
0xcf: {  	v63 =	vsel vm15, $0x1, v0;
	v3 =	vadd.s32 v62, v3  }
0xd0: {  	v3 =	vadd.s32 v63, v3  }
0xd1: {  	(xrf0) =	vadd.scan.msk.s32 $0xffff, v3;
	_ =	sdelay $0x5  }
0xd2: {  	v3, _, _ =	vpop (xrf0)  }
0xd3: {  	(v2sf) =	vpush v3, $0xF;
	_ =	sdelay $0x9  }
0xd4: {  	p0 =	seq.s32 s0, $0x400  }
.Ltmp4:
0xd5: {  	_ = 	snop;
	(pc) =	sbr.rel @p0 .LBB2_14-.Ltmp4, $2  }
0xd6: {  	_ =	sdelay $0x2  }
0xd7: {  	s0 =	simm.s32 $0x1000;
	s1 =	spop (v2sf)  }
0xd8: {  	s1 =	ssub.s32 $0x400, s1;
	s16 =	simm.s32 $0x0;
	s15 =	simm.s32 $0x0  }
.LBB2_11:
0xd9: {  	s17 =	simm.s32 $0x3080  }
0xda: {  	v4 =	vld [tilespmem:s17+$0x70]  }
0xdb: {  	s0 =	sshrl.u32 s14, s15;
	s25 =	simm.s32 $0xF0;
	s26 =	simm.s32 $0xE0;
	v5 =	vld [tilespmem:s17+$0x60]  }
0xdc: {  	v9 =	vimm.s32 $0x0;
	s18 =	simm.s32 $0xB0;
	s28 =	simm.s32 $0xC0;
	s29 =	simm.s32 $0xD0;
	v6 =	vld [tilespmem:s17+$0x50];
	v10 =	vor.u32 s25, v1;
	v15 =	vor.u32 s26, v1  }
0xdd: {  	s30 =	simm.s32 $0x90;
	s31 =	simm.s32 $0xA0;
	s0 =	sor.u32 s0, s16;
	v7 =	vld [tilespmem:s17+$0x40];
	v16 =	vor.u32 s18, v1;
	v17 =	vor.u32 s28, v1;
	v20 =	vor.u32 s29, v1  }
0xde: {  	v8 =	vld [tilespmem:s17+$0x30];
	s26 =	simm.s32 $0x80;
	s25 =	simm.s32 $0x50;
	s28 =	simm.s32 $0x60;
	v22 =	vor.u32 s30, v1;
	v23 =	vor.u32 s31, v1;
	v3 =	vmov s0  }
0xdf: {  	s18 =	simm.s32 $0x70;
	v11 =	vld [tilespmem:s17+$0x10];
	s30 =	simm.s32 $0x30;
	s31 =	simm.s32 $0x40;
	v21 =	vor.u32 s26, v1;
	v24 =	vor.u32 s25, v1;
	v25 =	vor.u32 s28, v1  }
0xe0: {  	v12 =	vld [tilespmem:s17+$0x0];
	s29 =	simm.s32 $0x10;
	s26 =	simm.s32 $0x20;
	v26 =	vor.u32 s18, v1;
	v28 =	vor.u32 s30, v1;
	v29 =	vor.u32 s31, v1  }
0xe1: {  	v13 =	vld [tilespmem:s17+$0xFFFFFFF0];
	s18 =	simm.s32 $0x0;
	v18 =	vor.u32 s29, v1;
	vm5 =	vle.s32 v10, v3;
	v27 =	vor.u32 s26, v1  }
0xe2: {  	v14 =	vld [tilespmem:s17+$0xFFFFFFE0];
	v19 =	vor.u32 s18, v1;
	vm6 =	vle.s32 v15, v3;
	vm15 =	vle.s32 v16, v3  }
0xe3: {  	v10 =	vld [tilespmem:s17+$0x20];
	vm13 =	vle.s32 v17, v3;
	vm0 =	vle.s32 v22, v3;
	v17 =	vimm.s32 $0x0  }
0xe4: {  	v15 =	vld [tilespmem:s17+$0xFFFFFFD0];
	vm7 =	vle.s32 v20, v3;
	vm12 =	vle.s32 v21, v3;
	v17 =	vsel vm0, $0xFFFFFFFF, v17  }
0xe5: {  	v16 =	vld [tilespmem:s17+$0xFFFFFFC0];
	vm10 =	vle.s32 v24, v3;
	vm0 =	vle.s32 v23, v3;
	[tilespmem:$0x1FFE0] =	vst v17;
	v17 =	vimm.s32 $0x0  }
0xe6: {  	vm9 =	vle.s32 v25, v3;
	vm8 =	vle.s32 v26, v3;
	v20 =	vld [tilespmem:s17+$0xFFFFFF80];
	v17 =	vsel vm0, $0xFFFFFFFF, v17  }
0xe7: {  	s25 =	simm.s32 $0x1F0;
	vm14 =	vle.s32 v29, v3;
	vm11 =	vle.s32 v27, v3;
	vm0 =	vle.s32 v28, v3;
	[tilespmem:$0x1FFF0] =	vst v17;
	v17 =	vld [tilespmem:s17+$0xFFFFFFB0]  }
.LBB2_12:
0xe8: {  	v21 =	vimm.s32 $0x0  }
0xe9: {  	v21 =	vsel vm7, $0xFFFFFFFF, v21  }
0xea: {  	[tilespmem:$0x1FF90] =	vst v21;
	v21 =	vimm.s32 $0x0  }
0xeb: {  	v21 =	vsel vm13, $0xFFFFFFFF, v21  }
0xec: {  	vm1 =	vle.s32 v18, v3;
	[tilespmem:$0x1FF70] =	vst v21;
	v21 =	vimm.s32 $0x0  }
0xed: {  	vm2 =	veq.s32 v4, v2;
	v4 =	vimm.s32 $0x0;
	vm4 =	veq.s32 v14, v2  }
0xee: {  	vm13 =	veq.s32 v13, v2;
	v21 =	vsel vm6, $0xFFFFFFFF, v21;
	v4 =	vsel vm2, $0xFFFFFFFF, v4  }
0xef: {  	vm2 =	veq.s32 v7, v2;
	v7 =	vimm.s32 $0x0;
	[tilespmem:$0x1FFB0] =	vst v21;
	v21 =	vimm.s32 $0x0  }
0xf0: {  	v7 =	vsel vm2, $0xFFFFFFFF, v7;
	vm2 =	veq.s32 v6, v2;
	v6 =	vimm.s32 $0x0  }
0xf1: {  	v6 =	vsel vm2, $0xFFFFFFFF, v6;
	vm2 =	veq.s32 v5, v2;
	v5 =	vimm.s32 $0x0  }
0xf2: {  	vm3 =	veq.s32 v12, v2;
	[tilespmem:$0x1FFC0] =	vst v4;
	v21 =	vsel vm15, $0xFFFFFFFF, v21;
	v5 =	vsel vm2, $0xFFFFFFFF, v5  }
0xf3: {  	vm15 =	vle.s32 v19, v3;
	v19 =	vld [tilespmem:s17+$0xFFFFFF90];
	vm2 =	veq.s32 v11, v2;
	[tilespmem:$0x1FFA0] =	vst v5;
	v5 =	vimm.s32 $0x0  }
0xf4: {  	vm7 =	veq.s32 v17, v2;
	vm6 =	veq.s32 v16, v2;
	v4 =	vld [tilespmem:s17+$0xFFFFFFA0];
	[tilespmem:$0x1FF40] =	vst v21;
	v5 =	vsel vm2, $0xFFFFFFFF, v5  }
0xf5: {  	v21 =	vimm.s32 $0x0;
	vm2 =	veq.s32 v10, v2;
	[tilespmem:$0x1FF20] =	vst v5;
	v5 =	vimm.s32 $0x0  }
0xf6: {  	vm0 =	vmand vm0, vm7;
	v21 =	vsel vm5, $0xFFFFFFFF, v21;
	v5 =	vsel vm2, $0xFFFFFFFF, v5  }
0xf7: {  	vm5 =	veq.s32 v20, v2;
	vm2 =	veq.s32 v8, v2;
	[tilespmem:$0x1FF30] =	vst v5;
	v5 =	vimm.s32 $0x0  }
0xf8: {  	vm5 =	vmand vm15, vm5;
	vm15 =	veq.s32 v19, v2;
	v5 =	vsel vm2, $0xFFFFFFFF, v5  }
0xf9: {  	vm1 =	vmand vm1, vm15;
	[tilespmem:$0x1FF50] =	vst v5;
	v5 =	vsel vm5, $0x1, v0;
	vm5 =	veq.s32 v4, v2  }
0xfa: {  	v4 =	vadd.s32 v5, v9;
	v5 =	vsel vm1, $0x1, v0;
	vm1 =	vmand vm11, vm5  }
0xfb: {  	vm2 =	veq.s32 v15, v2;
	v4 =	vadd.s32 v5, v4;
	v5 =	vsel vm1, $0x1, v0  }
0xfc: {  	[tilespmem:$0x1FF80] =	vst v6;
	v6 =	vld [tilespmem:$0x1FFE0];
	v4 =	vadd.s32 v5, v4;
	v5 =	vsel vm0, $0x1, v0;
	vm0 =	vmand vm14, vm6  }
0xfd: {  	v4 =	vadd.s32 v5, v4;
	v5 =	vsel vm0, $0x1, v0;
	vm0 =	vmand vm10, vm2  }
0xfe: {  	v4 =	vadd.s32 v5, v4;
	v5 =	vsel vm0, $0x1, v0;
	vm0 =	vmand vm9, vm4  }
0xff: {  	v4 =	vadd.s32 v5, v4;
	v5 =	vsel vm0, $0x1, v0;
	vm0 =	vmand vm8, vm13  }
0x100: {  	v4 =	vadd.s32 v5, v4;
	v5 =	vsel vm0, $0x1, v0;
	vm0 =	vmand vm12, vm3  }
0x101: {  	v4 =	vadd.s32 v5, v4;
	v5 =	vsel vm0, $0x1, v0;
	vm0 =	vnez.u8 v6;
	v6 =	vld [tilespmem:$0x1FF20];
	_ =	sdelay $0x4  }
0x102: {  	vm1 =	vnez.u8 v6;
	v6 =	vld [tilespmem:$0x1FFF0];
	_ =	sdelay $0x3  }
0x103: {  	vm0 =	vmand vm0, vm1  }
0x104: {  	v4 =	vadd.s32 v5, v4;
	v5 =	vsel vm0, $0x1, v0;
	vm0 =	vnez.u8 v6;
	v6 =	vld [tilespmem:$0x1FF30];
	_ =	sdelay $0x4  }
0x105: {  	vm1 =	vnez.u8 v6;
	v6 =	vld [tilespmem:$0x1FF40];
	_ =	sdelay $0x3  }
0x106: {  	vm0 =	vmand vm0, vm1  }
0x107: {  	v4 =	vadd.s32 v5, v4;
	v5 =	vsel vm0, $0x1, v0;
	vm0 =	vnez.u8 v6;
	v6 =	vld [tilespmem:$0x1FF50]  }
0x108: {  	[tilespmem:$0x1FF60] =	vst v7  }
0x109: {  	v5 =	vadd.s32 v5, v4;
	v4 =	vld [tilespmem:$0x1FF60];
	_ =	sdelay $0x2  }
0x10a: {  	vm1 =	vnez.u8 v6  }
0x10b: {  	vm0 =	vmand vm0, vm1  }
0x10c: {  	v6 =	vsel vm0, $0x1, v0;
	vm0 =	vnez.u8 v4;
	v4 =	vld [tilespmem:$0x1FF70];
	_ =	sdelay $0x1  }
0x10d: {  	v6 =	vadd.s32 v6, v5;
	v5 =	vld [tilespmem:$0x1FF80];
	_ =	sdelay $0x2  }
0x10e: {  	vm1 =	vnez.u8 v4  }
0x10f: {  	vm0 =	vmand vm1, vm0  }
0x110: {  	v7 =	vsel vm0, $0x1, v0;
	vm0 =	vnez.u8 v5;
	v5 =	vld [tilespmem:$0x1FF90];
	_ =	sdelay $0x1  }
0x111: {  	v7 =	vadd.s32 v7, v6;
	v6 =	vld [tilespmem:$0x1FFA0];
	_ =	sdelay $0x2  }
0x112: {  	vm1 =	vnez.u8 v5  }
0x113: {  	vm0 =	vmand vm1, vm0  }
0x114: {  	v8 =	vsel vm0, $0x1, v0;
	vm0 =	vnez.u8 v6;
	v6 =	vld [tilespmem:$0x1FFB0];
	_ =	sdelay $0x1  }
0x115: {  	v8 =	vadd.s32 v8, v7;
	v7 =	vld [tilespmem:$0x1FFC0]  }
0x116: {  	s18 =	sadd.s32 $0xFFFFFFB0, s25;
	s17 =	sadd.s32 $0x100, s17  }
0x117: {  	s31 =	sadd.s32 $0xFFFFFFA0, s25;
	v23 =	vor.u32 s18, v1;
	s18 =	sadd.s32 $0xFFFFFF30, s25;
	v12 =	vld [tilespmem:s17+$0x0]  }
0x118: {  	s29 =	sadd.s32 $0xFFFFFFD0, s25;
	v22 =	vor.u32 s31, v1;
	s31 =	sadd.s32 $0xFFFFFF50, s25;
	v27 =	vor.u32 s18, v1;
	v13 =	vld [tilespmem:s17+$0xFFFFFFF0];
	vm1 =	vnez.u8 v6  }
0x119: {  	s30 =	sadd.s32 $0xFFFFFFE0, s25;
	v29 =	vor.u32 s31, v1;
	v17 =	vor.u32 s29, v1;
	v14 =	vld [tilespmem:s17+$0xFFFFFFE0];
	[tilespmem:$0x1FFD0] =	vst v21;
	vm0 =	vmand vm1, vm0  }
0x11a: {  	s28 =	sadd.s32 $0xFFFFFFC0, s25;
	s29 =	sadd.s32 $0xFFFFFF70, s25;
	v20 =	vor.u32 s30, v1;
	v9 =	vsel vm0, $0x1, v0;
	vm0 =	vnez.u8 v7;
	v7 =	vld [tilespmem:$0x1FFD0]  }
0x11b: {  	v16 =	vor.u32 s28, v1;
	s28 =	sadd.s32 $0xFFFFFF60, s25;
	v25 =	vor.u32 s29, v1;
	vm7 =	vle.s32 v20, v3;
	v20 =	vld [tilespmem:s17+$0xFFFFFF80]  }
0x11c: {  	s26 =	sadd.s32 $0xFFFFFFF0, s25;
	v24 =	vor.u32 s28, v1;
	s30 =	sadd.s32 $0xFFFFFF80, s25;
	v10 =	vor.u32 s25, v1;
	vm15 =	vle.s32 v16, v3;
	v16 =	vld [tilespmem:s17+$0xFFFFFFC0]  }
0x11d: {  	v26 =	vor.u32 s30, v1;
	s30 =	sadd.s32 $0xFFFFFF20, s25;
	v15 =	vor.u32 s26, v1;
	s26 =	sadd.s32 $0xFFFFFF90, s25;
	vm5 =	vle.s32 v10, v3;
	v10 =	vld [tilespmem:s17+$0x20]  }
0x11e: {  	s28 =	sadd.s32 $0xFFFFFF10, s25;
	v18 =	vor.u32 s30, v1;
	v21 =	vor.u32 s26, v1;
	s26 =	sadd.s32 $0xFFFFFF40, s25;
	vm6 =	vle.s32 v15, v3;
	v15 =	vld [tilespmem:s17+$0xFFFFFFD0]  }
0x11f: {  	v19 =	vor.u32 s28, v1;
	v28 =	vor.u32 s26, v1;
	v4 =	vld [tilespmem:s17+$0x70];
	vm1 =	vnez.u8 v7  }
0x120: {  	p0 =	sne.s32 s25, $0xFF0;
	vm11 =	vle.s32 v27, v3;
	vm13 =	vle.s32 v17, v3;
	v5 =	vld [tilespmem:s17+$0x60];
	vm0 =	vmand vm1, vm0  }
.Ltmp5:
0x121: {  	v17 =	vimm.s32 $0x0;
	v6 =	vld [tilespmem:s17+$0x50];
	v11 =	vsel vm0, $0x1, v0;
	vm0 =	vle.s32 v22, v3;
	(pc) =	sbr.rel @p0 .LBB2_12-.Ltmp5, $4  }
0x122: {  	vm14 =	vle.s32 v29, v3;
	v9 =	vadd.s32 v9, v8;
	v8 =	vld [tilespmem:s17+$0x30];
	v17 =	vsel vm0, $0xFFFFFFFF, v17  }
0x123: {  	vm10 =	vle.s32 v24, v3;
	v7 =	vld [tilespmem:s17+$0x40];
	vm0 =	vle.s32 v23, v3;
	[tilespmem:$0x1FFE0] =	vst v17;
	v17 =	vimm.s32 $0x0  }
0x124: {  	vm9 =	vle.s32 v25, v3;
	v9 =	vadd.s32 v11, v9;
	v11 =	vld [tilespmem:s17+$0x10];
	v17 =	vsel vm0, $0xFFFFFFFF, v17  }
0x125: {  	s25 =	sadd.s32 $0x100, s25;
	vm8 =	vle.s32 v26, v3;
	vm12 =	vle.s32 v21, v3;
	vm0 =	vle.s32 v28, v3;
	[tilespmem:$0x1FFF0] =	vst v17;
	v17 =	vld [tilespmem:s17+$0xFFFFFFB0]  }
0x126: {  	v21 =	vld [tilespmem:s17+$0xFFFFFF90]  }
0x127: {  	v22 =	vld [tilespmem:s17+$0xFFFFFFA0];
	_ =	sdelay $0x1  }
0x128: {  	vm1 =	vle.s32 v19, v3;
	vm2 =	veq.s32 v20, v2  }
0x129: {  	vm1 =	vmand vm1, vm2  }
0x12a: {  	vm2 =	vle.s32 v18, v3;
	v3 =	vsel vm1, $0x1, v0  }
0x12b: {  	v3 =	vadd.s32 v3, v9;
	vm3 =	veq.s32 v21, v2;
	vm4 =	veq.s32 v22, v2  }
0x12c: {  	vm1 =	vmand vm2, vm3;
	vm11 =	vmand vm11, vm4;
	vm4 =	veq.s32 v17, v2  }
0x12d: {  	v47 =	vsel vm1, $0x1, v0;
	v48 =	vsel vm11, $0x1, v0;
	vm0 =	vmand vm0, vm4  }
0x12e: {  	v57 =	vld [tilespmem:$0x1FFF0];
	vm11 =	veq.s32 v16, v2;
	vm4 =	veq.s32 v15, v2;
	v49 =	vsel vm0, $0x1, v0  }
0x12f: {  	vm11 =	vmand vm14, vm11;
	vm1 =	vmand vm10, vm4;
	vm14 =	veq.s32 v14, v2  }
0x130: {  	v55 =	vld [tilespmem:$0x1FFE0];
	vm4 =	veq.s32 v13, v2;
	v3 =	vadd.s32 v47, v3;
	vm10 =	veq.s32 v12, v2  }
0x131: {  	v50 =	vsel vm11, $0x1, v0;
	v51 =	vsel vm1, $0x1, v0;
	vm0 =	vmand vm9, vm14  }
0x132: {  	vm9 =	vmand vm8, vm4;
	v3 =	vadd.s32 v48, v3;
	vm11 =	veq.s32 v11, v2  }
0x133: {  	vm14 =	veq.s32 v10, v2;
	vm4 =	vnez.u8 v57;
	vm8 =	veq.s32 v8, v2  }
0x134: {  	v52 =	vsel vm0, $0x1, v0;
	v53 =	vsel vm9, $0x1, v0;
	v3 =	vadd.s32 v49, v3  }
0x135: {  	vm0 =	vmand vm12, vm10;
	vm12 =	vnez.u8 v55;
	v3 =	vadd.s32 v50, v3  }
0x136: {  	vm9 =	vmand vm15, vm8;
	vm10 =	veq.s32 v7, v2;
	v3 =	vadd.s32 v51, v3  }
0x137: {  	v54 =	vsel vm0, $0x1, v0;
	vm0 =	vmand vm12, vm11;
	v3 =	vadd.s32 v52, v3  }
0x138: {  	v59 =	vsel vm9, $0x1, v0;
	vm11 =	veq.s32 v6, v2;
	v3 =	vadd.s32 v53, v3  }
0x139: {  	v56 =	vsel vm0, $0x1, v0;
	vm0 =	vmand vm4, vm14;
	v3 =	vadd.s32 v54, v3  }
0x13a: {  	vm12 =	vmand vm7, vm11;
	v58 =	vsel vm0, $0x1, v0;
	v3 =	vadd.s32 v56, v3  }
0x13b: {  	vm14 =	veq.s32 v4, v2;
	vm0 =	vmand vm13, vm10;
	v3 =	vadd.s32 v58, v3  }
0x13c: {  	vm13 =	veq.s32 v5, v2;
	v60 =	vsel vm0, $0x1, v0;
	v3 =	vadd.s32 v59, v3  }
0x13d: {  	v61 =	vsel vm12, $0x1, v0;
	vm0 =	vmand vm6, vm13;
	v3 =	vadd.s32 v60, v3  }
0x13e: {  	vm15 =	vmand vm5, vm14;
	v62 =	vsel vm0, $0x1, v0;
	v3 =	vadd.s32 v61, v3  }
0x13f: {  	v63 =	vsel vm15, $0x1, v0;
	v3 =	vadd.s32 v62, v3  }
0x140: {  	v3 =	vadd.s32 v63, v3  }
0x141: {  	(xrf0) =	vadd.scan.msk.s32 $0xffff, v3;
	_ =	sdelay $0x5  }
0x142: {  	v3, _, _ =	vpop (xrf0)  }
0x143: {  	(v2sf) =	vpush v3, $0xF;
	_ =	sdelay $0xe  }
0x144: {  	s31 =	spop (v2sf)  }
0x145: {  	s15 =	sadd.s32 $0x1, s15;
	p0 =	sgt.s32 s31, s1  }
0x146: {  	s0 =	smov.u32 @p0 s16;
	p0 =	sne.s32 s15, $0xC  }
.Ltmp6:
0x147: {  	_ = 	snop;
	(pc) =	sbr.rel @p0 .LBB2_11-.Ltmp6, $2  }
0x148: {  	_ =	sdelay $0x2  }
0x149: {  	s16 =	smov.u32 s0  }
.LBB2_14:
0x14a: {  	_ =	swait.ge [sflag:s21], $0x800  }
0x14b: {  	[sflag:s21] =	ssyncset.done $0x0  }
0x14c: {  	[sflag:s21] =	ssyncadd.s32 $0xFFFFF800  }
0x14d: {  	_ =	swait.ge [sflag:s21], $0x800  }
0x14e: {  	[sflag:s21] =	ssyncset.done $0x0  }
0x14f: {  	[sflag:s21] =	ssyncadd.s32 $0xFFFFF800  }
0x150: {  	_ =	swait.ge [sflag:s21], $0x800  }
0x151: {  	[sflag:s21] =	ssyncset.done $0x0  }
0x152: {  	[sflag:s21] =	ssyncadd.s32 $0xFFFFF800  }
0x153: {  	_ =	swait.ge [sflag:s21], $0x800  }
0x154: {  	[sflag:s21] =	ssyncset.done $0x0  }
0x155: {  	s1 =	simm.s32 $0x3080;
	[sflag:s21] =	ssyncadd.s32 $0xFFFFF800  }
0x156: {  	v4 =	vld [tilespmem:s1+$0xFFFFFF80];
	_ =	sdelay $0x2  }
0x157: {  	s15 =	simm.s32 $0x0  }
0x158: {  	v3 =	vmov s0;
	v5 =	vor.u32 s15, v1  }
0x159: {  	vm1 =	vle.s32 v5, v3;
	vm0 =	veq.s32 v4, v2  }
0x15a: {  	vm2 =	vgt.s32 v4, v2;
	vm0 =	vmand vm1, vm0  }
0x15b: {  	vm0 =	vmor vm2, vm0  }
0x15c: {  	s25 =	simm.s32 $0x4080;
	v4 =	vsel vm0, $0x1, v0  }
0x15d: {  	s26 =	simm.s32 $0x2080;
	[tilespmem:s25+$0xFFFFFF80] =	vst v4  }
0x15e: {  	s28 =	simm.s32 $0x1080;
	v4 =	vld [tilespmem:s26+$0xFFFFFF80]  }
0x15f: {  	v5 =	vld [tilespmem:s28+$0xFFFFFF80];
	_ =	sdelay $0x4  }
0x160: {  	s29 =	simm.s32 $0x5080;
	v4 =	vsel vm0, v4, v5  }
0x161: {  	[tilespmem:s29+$0xFFFFFF80] =	vst v4  }
0x162: {  	v4 =	vld [tilespmem:s1+$0xFFFFFF90];
	_ =	sdelay $0x2  }
0x163: {  	s16 =	simm.s32 $0x10  }
0x164: {  	v5 =	vor.u32 s16, v1  }
0x165: {  	vm0 =	vle.s32 v5, v3;
	vm1 =	veq.s32 v4, v2  }
0x166: {  	vm2 =	vgt.s32 v4, v2;
	vm0 =	vmand vm0, vm1  }
0x167: {  	vm0 =	vmor vm2, vm0  }
0x168: {  	v4 =	vsel vm0, $0x1, v0  }
0x169: {  	[tilespmem:s25+$0xFFFFFF90] =	vst v4  }
0x16a: {  	v4 =	vld [tilespmem:s26+$0xFFFFFF90]  }
0x16b: {  	v5 =	vld [tilespmem:s28+$0xFFFFFF90];
	_ =	sdelay $0x4  }
0x16c: {  	v4 =	vsel vm0, v4, v5  }
0x16d: {  	[tilespmem:s29+$0xFFFFFF90] =	vst v4  }
0x16e: {  	v4 =	vld [tilespmem:s1+$0xFFFFFFA0];
	_ =	sdelay $0x2  }
0x16f: {  	s17 =	simm.s32 $0x20  }
0x170: {  	v5 =	vor.u32 s17, v1  }
0x171: {  	vm0 =	vle.s32 v5, v3;
	vm1 =	veq.s32 v4, v2  }
0x172: {  	vm2 =	vgt.s32 v4, v2;
	vm0 =	vmand vm0, vm1  }
0x173: {  	vm0 =	vmor vm2, vm0  }
0x174: {  	v4 =	vsel vm0, $0x1, v0  }
0x175: {  	[tilespmem:s25+$0xFFFFFFA0] =	vst v4  }
0x176: {  	v4 =	vld [tilespmem:s26+$0xFFFFFFA0]  }
0x177: {  	v5 =	vld [tilespmem:s28+$0xFFFFFFA0];
	_ =	sdelay $0x4  }
0x178: {  	v4 =	vsel vm0, v4, v5  }
0x179: {  	[tilespmem:s29+$0xFFFFFFA0] =	vst v4  }
0x17a: {  	v4 =	vld [tilespmem:s1+$0xFFFFFFB0];
	_ =	sdelay $0x2  }
0x17b: {  	s18 =	simm.s32 $0x30  }
0x17c: {  	v5 =	vor.u32 s18, v1  }
0x17d: {  	vm0 =	vle.s32 v5, v3;
	vm1 =	veq.s32 v4, v2  }
0x17e: {  	vm2 =	vgt.s32 v4, v2;
	vm0 =	vmand vm0, vm1  }
0x17f: {  	vm0 =	vmor vm2, vm0  }
0x180: {  	v4 =	vsel vm0, $0x1, v0  }
0x181: {  	[tilespmem:s25+$0xFFFFFFB0] =	vst v4  }
0x182: {  	v4 =	vld [tilespmem:s26+$0xFFFFFFB0]  }
0x183: {  	v5 =	vld [tilespmem:s28+$0xFFFFFFB0];
	_ =	sdelay $0x4  }
0x184: {  	v4 =	vsel vm0, v4, v5  }
0x185: {  	[tilespmem:s29+$0xFFFFFFB0] =	vst v4  }
0x186: {  	v4 =	vld [tilespmem:s1+$0xFFFFFFC0];
	_ =	sdelay $0x2  }
0x187: {  	s15 =	simm.s32 $0x40  }
0x188: {  	v5 =	vor.u32 s15, v1  }
0x189: {  	vm0 =	vle.s32 v5, v3;
	vm1 =	veq.s32 v4, v2  }
0x18a: {  	vm2 =	vgt.s32 v4, v2;
	vm0 =	vmand vm0, vm1  }
0x18b: {  	vm0 =	vmor vm2, vm0  }
0x18c: {  	v4 =	vsel vm0, $0x1, v0  }
0x18d: {  	[tilespmem:s25+$0xFFFFFFC0] =	vst v4  }
0x18e: {  	v4 =	vld [tilespmem:s26+$0xFFFFFFC0]  }
0x18f: {  	v5 =	vld [tilespmem:s28+$0xFFFFFFC0];
	_ =	sdelay $0x4  }
0x190: {  	v4 =	vsel vm0, v4, v5  }
0x191: {  	[tilespmem:s29+$0xFFFFFFC0] =	vst v4  }
0x192: {  	v4 =	vld [tilespmem:s1+$0xFFFFFFD0];
	_ =	sdelay $0x2  }
0x193: {  	s16 =	simm.s32 $0x50  }
0x194: {  	v5 =	vor.u32 s16, v1  }
0x195: {  	vm0 =	vle.s32 v5, v3;
	vm1 =	veq.s32 v4, v2  }
0x196: {  	vm2 =	vgt.s32 v4, v2;
	vm0 =	vmand vm0, vm1  }
0x197: {  	vm0 =	vmor vm2, vm0  }
0x198: {  	v4 =	vsel vm0, $0x1, v0  }
0x199: {  	[tilespmem:s25+$0xFFFFFFD0] =	vst v4  }
0x19a: {  	v4 =	vld [tilespmem:s26+$0xFFFFFFD0]  }
0x19b: {  	v5 =	vld [tilespmem:s28+$0xFFFFFFD0];
	_ =	sdelay $0x4  }
0x19c: {  	v4 =	vsel vm0, v4, v5  }
0x19d: {  	[tilespmem:s29+$0xFFFFFFD0] =	vst v4  }
0x19e: {  	v4 =	vld [tilespmem:s1+$0xFFFFFFE0];
	_ =	sdelay $0x2  }
0x19f: {  	s17 =	simm.s32 $0x60  }
0x1a0: {  	v5 =	vor.u32 s17, v1  }
0x1a1: {  	vm0 =	vle.s32 v5, v3;
	vm1 =	veq.s32 v4, v2  }
0x1a2: {  	vm2 =	vgt.s32 v4, v2;
	vm0 =	vmand vm0, vm1  }
0x1a3: {  	vm0 =	vmor vm2, vm0  }
0x1a4: {  	v4 =	vsel vm0, $0x1, v0  }
0x1a5: {  	[tilespmem:s25+$0xFFFFFFE0] =	vst v4  }
0x1a6: {  	v4 =	vld [tilespmem:s26+$0xFFFFFFE0]  }
0x1a7: {  	v5 =	vld [tilespmem:s28+$0xFFFFFFE0];
	_ =	sdelay $0x4  }
0x1a8: {  	v4 =	vsel vm0, v4, v5  }
0x1a9: {  	[tilespmem:s29+$0xFFFFFFE0] =	vst v4  }
0x1aa: {  	v4 =	vld [tilespmem:s1+$0xFFFFFFF0];
	_ =	sdelay $0x2  }
0x1ab: {  	s18 =	simm.s32 $0x70  }
0x1ac: {  	v5 =	vor.u32 s18, v1  }
0x1ad: {  	vm0 =	vle.s32 v5, v3;
	vm1 =	veq.s32 v4, v2  }
0x1ae: {  	vm2 =	vgt.s32 v4, v2;
	vm0 =	vmand vm0, vm1  }
0x1af: {  	vm0 =	vmor vm2, vm0  }
0x1b0: {  	v4 =	vsel vm0, $0x1, v0  }
0x1b1: {  	[tilespmem:s25+$0xFFFFFFF0] =	vst v4  }
0x1b2: {  	v4 =	vld [tilespmem:s26+$0xFFFFFFF0]  }
0x1b3: {  	v5 =	vld [tilespmem:s28+$0xFFFFFFF0];
	_ =	sdelay $0x4  }
0x1b4: {  	v4 =	vsel vm0, v4, v5  }
0x1b5: {  	[tilespmem:s29+$0xFFFFFFF0] =	vst v4  }
0x1b6: {  	v4 =	vld [tilespmem:s1+$0x0];
	_ =	sdelay $0x2  }
0x1b7: {  	s15 =	simm.s32 $0x80  }
0x1b8: {  	v5 =	vor.u32 s15, v1  }
0x1b9: {  	vm0 =	vle.s32 v5, v3;
	vm1 =	veq.s32 v4, v2  }
0x1ba: {  	vm2 =	vgt.s32 v4, v2;
	vm0 =	vmand vm0, vm1  }
0x1bb: {  	vm0 =	vmor vm2, vm0  }
0x1bc: {  	v4 =	vsel vm0, $0x1, v0  }
0x1bd: {  	[tilespmem:s25+$0x0] =	vst v4  }
0x1be: {  	v4 =	vld [tilespmem:s26+$0x0]  }
0x1bf: {  	v5 =	vld [tilespmem:s28+$0x0];
	_ =	sdelay $0x4  }
0x1c0: {  	v4 =	vsel vm0, v4, v5  }
0x1c1: {  	[tilespmem:s29+$0x0] =	vst v4  }
0x1c2: {  	v4 =	vld [tilespmem:s1+$0x10];
	_ =	sdelay $0x2  }
0x1c3: {  	s16 =	simm.s32 $0x90  }
0x1c4: {  	v5 =	vor.u32 s16, v1  }
0x1c5: {  	vm0 =	vle.s32 v5, v3;
	vm1 =	veq.s32 v4, v2  }
0x1c6: {  	vm2 =	vgt.s32 v4, v2;
	vm0 =	vmand vm0, vm1  }
0x1c7: {  	vm0 =	vmor vm2, vm0  }
0x1c8: {  	v4 =	vsel vm0, $0x1, v0  }
0x1c9: {  	[tilespmem:s25+$0x10] =	vst v4  }
0x1ca: {  	v4 =	vld [tilespmem:s26+$0x10]  }
0x1cb: {  	v5 =	vld [tilespmem:s28+$0x10];
	_ =	sdelay $0x4  }
0x1cc: {  	v4 =	vsel vm0, v4, v5  }
0x1cd: {  	[tilespmem:s29+$0x10] =	vst v4  }
0x1ce: {  	v4 =	vld [tilespmem:s1+$0x20];
	_ =	sdelay $0x2  }
0x1cf: {  	s17 =	simm.s32 $0xA0  }
0x1d0: {  	v5 =	vor.u32 s17, v1  }
0x1d1: {  	vm0 =	vle.s32 v5, v3;
	vm1 =	veq.s32 v4, v2  }
0x1d2: {  	vm2 =	vgt.s32 v4, v2;
	vm0 =	vmand vm0, vm1  }
0x1d3: {  	vm0 =	vmor vm2, vm0  }
0x1d4: {  	v4 =	vsel vm0, $0x1, v0  }
0x1d5: {  	[tilespmem:s25+$0x20] =	vst v4  }
0x1d6: {  	v4 =	vld [tilespmem:s26+$0x20]  }
0x1d7: {  	v5 =	vld [tilespmem:s28+$0x20];
	_ =	sdelay $0x4  }
0x1d8: {  	v4 =	vsel vm0, v4, v5  }
0x1d9: {  	[tilespmem:s29+$0x20] =	vst v4  }
0x1da: {  	v4 =	vld [tilespmem:s1+$0x30];
	_ =	sdelay $0x2  }
0x1db: {  	s18 =	simm.s32 $0xB0  }
0x1dc: {  	v5 =	vor.u32 s18, v1  }
0x1dd: {  	vm0 =	vle.s32 v5, v3;
	vm1 =	veq.s32 v4, v2  }
0x1de: {  	vm2 =	vgt.s32 v4, v2;
	vm0 =	vmand vm0, vm1  }
0x1df: {  	vm0 =	vmor vm2, vm0  }
0x1e0: {  	v4 =	vsel vm0, $0x1, v0  }
0x1e1: {  	[tilespmem:s25+$0x30] =	vst v4  }
0x1e2: {  	v4 =	vld [tilespmem:s26+$0x30]  }
0x1e3: {  	v5 =	vld [tilespmem:s28+$0x30];
	_ =	sdelay $0x4  }
0x1e4: {  	v4 =	vsel vm0, v4, v5  }
0x1e5: {  	[tilespmem:s29+$0x30] =	vst v4  }
0x1e6: {  	v4 =	vld [tilespmem:s1+$0x40];
	_ =	sdelay $0x2  }
0x1e7: {  	s15 =	simm.s32 $0xC0  }
0x1e8: {  	v5 =	vor.u32 s15, v1  }
0x1e9: {  	vm0 =	vle.s32 v5, v3;
	vm1 =	veq.s32 v4, v2  }
0x1ea: {  	vm2 =	vgt.s32 v4, v2;
	vm0 =	vmand vm0, vm1  }
0x1eb: {  	vm0 =	vmor vm2, vm0  }
0x1ec: {  	v4 =	vsel vm0, $0x1, v0  }
0x1ed: {  	[tilespmem:s25+$0x40] =	vst v4  }
0x1ee: {  	v4 =	vld [tilespmem:s26+$0x40]  }
0x1ef: {  	v5 =	vld [tilespmem:s28+$0x40];
	_ =	sdelay $0x4  }
0x1f0: {  	v4 =	vsel vm0, v4, v5  }
0x1f1: {  	[tilespmem:s29+$0x40] =	vst v4  }
0x1f2: {  	v4 =	vld [tilespmem:s1+$0x50];
	_ =	sdelay $0x2  }
0x1f3: {  	s16 =	simm.s32 $0xD0  }
0x1f4: {  	v5 =	vor.u32 s16, v1  }
0x1f5: {  	vm0 =	vle.s32 v5, v3;
	vm1 =	veq.s32 v4, v2  }
0x1f6: {  	vm2 =	vgt.s32 v4, v2;
	vm0 =	vmand vm0, vm1  }
0x1f7: {  	vm0 =	vmor vm2, vm0  }
0x1f8: {  	v4 =	vsel vm0, $0x1, v0  }
0x1f9: {  	[tilespmem:s25+$0x50] =	vst v4  }
0x1fa: {  	v4 =	vld [tilespmem:s26+$0x50]  }
0x1fb: {  	v5 =	vld [tilespmem:s28+$0x50];
	_ =	sdelay $0x4  }
0x1fc: {  	v4 =	vsel vm0, v4, v5  }
0x1fd: {  	[tilespmem:s29+$0x50] =	vst v4  }
0x1fe: {  	v4 =	vld [tilespmem:s1+$0x60];
	_ =	sdelay $0x2  }
0x1ff: {  	s17 =	simm.s32 $0xE0  }
0x200: {  	v5 =	vor.u32 s17, v1  }
0x201: {  	vm0 =	vle.s32 v5, v3;
	vm1 =	veq.s32 v4, v2  }
0x202: {  	vm2 =	vgt.s32 v4, v2;
	vm0 =	vmand vm0, vm1  }
0x203: {  	vm0 =	vmor vm2, vm0  }
0x204: {  	v4 =	vsel vm0, $0x1, v0  }
0x205: {  	[tilespmem:s25+$0x60] =	vst v4  }
0x206: {  	v4 =	vld [tilespmem:s26+$0x60]  }
0x207: {  	v5 =	vld [tilespmem:s28+$0x60];
	_ =	sdelay $0x4  }
0x208: {  	s18 =	simm.s32 $0xF0;
	v4 =	vsel vm0, v4, v5  }
0x209: {  	s31 =	simm.s32 $0x1F0;
	s0 =	simm.s32 $0x2080;
	s30 =	simm.s32 $0x5080;
	v5 =	vor.u32 s18, v1;
	[tilespmem:s29+$0x60] =	vst v4  }
0x20a: {  	s15 =	simm.s32 $0x4180;
	s16 =	simm.s32 $0x3180;
	vm0 =	vle.s32 v5, v3;
	v4 =	vld [tilespmem:s1+$0x70];
	s1 =	simm.s32 $0x1080  }
.LBB2_15:
0x20b: {  	s29 =	sadd.s32 $0x100, s29;
	s28 =	sadd.s32 $0x100, s28;
	s26 =	sadd.s32 $0x100, s26  }
0x20c: {  	p0 =	sne.s32 s31, $0xFF0;
	s17 =	smov.u32 s31;
	s31 =	sadd.s32 $0x100, s31  }
0x20d: {  	_ =	sdelay $0x1  }
0x20e: {  	vm1 =	vgt.s32 v4, v2;
	vm2 =	veq.s32 v4, v2  }
0x20f: {  	vm0 =	vmand vm0, vm2  }
0x210: {  	vm0 =	vmor vm1, vm0  }
0x211: {  	v4 =	vsel vm0, $0x1, v0  }
0x212: {  	[tilespmem:s25+$0x70] =	vst v4;
	s25 =	smov.u32 s15  }
0x213: {  	v4 =	vld [tilespmem:s0+$0x70];
	s0 =	smov.u32 s26  }
0x214: {  	v5 =	vld [tilespmem:s1+$0x70];
	s1 =	smov.u32 s28;
	_ =	sdelay $0x4  }
0x215: {  	v4 =	vsel vm0, v4, v5  }
0x216: {  	[tilespmem:s30+$0x70] =	vst v4;
	s30 =	smov.u32 s29  }
0x217: {  	v4 =	vld [tilespmem:s16+$0xFFFFFF80];
	_ =	sdelay $0x2  }
0x218: {  	s18 =	sadd.s32 $0xFFFFFF10, s17  }
0x219: {  	v5 =	vor.u32 s18, v1  }
0x21a: {  	vm1 =	vle.s32 v5, v3;
	vm0 =	veq.s32 v4, v2  }
0x21b: {  	vm2 =	vgt.s32 v4, v2;
	vm0 =	vmand vm1, vm0  }
0x21c: {  	vm0 =	vmor vm2, vm0  }
0x21d: {  	v4 =	vsel vm0, $0x1, v0  }
0x21e: {  	[tilespmem:s15+$0xFFFFFF80] =	vst v4  }
0x21f: {  	v4 =	vld [tilespmem:s26+$0xFFFFFF80]  }
0x220: {  	v5 =	vld [tilespmem:s28+$0xFFFFFF80];
	_ =	sdelay $0x4  }
0x221: {  	v4 =	vsel vm0, v4, v5  }
0x222: {  	[tilespmem:s29+$0xFFFFFF80] =	vst v4  }
0x223: {  	v4 =	vld [tilespmem:s16+$0xFFFFFF90];
	_ =	sdelay $0x1  }
0x224: {  	s18 =	sadd.s32 $0xFFFFFF20, s17  }
0x225: {  	v5 =	vor.u32 s18, v1  }
0x226: {  	vm0 =	vle.s32 v5, v3  }
0x227: {  	vm1 =	vgt.s32 v4, v2;
	vm2 =	veq.s32 v4, v2  }
0x228: {  	vm0 =	vmand vm0, vm2  }
0x229: {  	vm0 =	vmor vm1, vm0  }
0x22a: {  	v4 =	vsel vm0, $0x1, v0  }
0x22b: {  	[tilespmem:s15+$0xFFFFFF90] =	vst v4  }
0x22c: {  	v4 =	vld [tilespmem:s26+$0xFFFFFF90]  }
0x22d: {  	v5 =	vld [tilespmem:s28+$0xFFFFFF90];
	_ =	sdelay $0x4  }
0x22e: {  	v4 =	vsel vm0, v4, v5  }
0x22f: {  	[tilespmem:s29+$0xFFFFFF90] =	vst v4  }
0x230: {  	v4 =	vld [tilespmem:s16+$0xFFFFFFA0]  }
0x231: {  	s18 =	sadd.s32 $0xFFFFFF30, s17  }
0x232: {  	v5 =	vor.u32 s18, v1  }
0x233: {  	vm0 =	vle.s32 v5, v3;
	_ =	sdelay $0x1  }
0x234: {  	vm1 =	vgt.s32 v4, v2;
	vm2 =	veq.s32 v4, v2  }
0x235: {  	vm0 =	vmand vm0, vm2  }
0x236: {  	vm0 =	vmor vm1, vm0  }
0x237: {  	v4 =	vsel vm0, $0x1, v0  }
0x238: {  	[tilespmem:s15+$0xFFFFFFA0] =	vst v4  }
0x239: {  	v4 =	vld [tilespmem:s26+$0xFFFFFFA0]  }
0x23a: {  	v5 =	vld [tilespmem:s28+$0xFFFFFFA0];
	_ =	sdelay $0x4  }
0x23b: {  	v4 =	vsel vm0, v4, v5  }
0x23c: {  	[tilespmem:s29+$0xFFFFFFA0] =	vst v4  }
0x23d: {  	s18 =	sadd.s32 $0xFFFFFF40, s17;
	v4 =	vld [tilespmem:s16+$0xFFFFFFB0]  }
0x23e: {  	v5 =	vor.u32 s18, v1  }
0x23f: {  	vm0 =	vle.s32 v5, v3;
	_ =	sdelay $0x2  }
0x240: {  	vm1 =	vgt.s32 v4, v2;
	vm2 =	veq.s32 v4, v2  }
0x241: {  	vm0 =	vmand vm0, vm2  }
0x242: {  	vm0 =	vmor vm1, vm0  }
0x243: {  	v4 =	vsel vm0, $0x1, v0  }
0x244: {  	[tilespmem:s15+$0xFFFFFFB0] =	vst v4  }
0x245: {  	v4 =	vld [tilespmem:s26+$0xFFFFFFB0]  }
0x246: {  	v5 =	vld [tilespmem:s28+$0xFFFFFFB0];
	_ =	sdelay $0x4  }
0x247: {  	v4 =	vsel vm0, v4, v5  }
0x248: {  	s18 =	sadd.s32 $0xFFFFFF50, s17;
	[tilespmem:s29+$0xFFFFFFB0] =	vst v4  }
0x249: {  	v5 =	vor.u32 s18, v1;
	v4 =	vld [tilespmem:s16+$0xFFFFFFC0]  }
0x24a: {  	vm0 =	vle.s32 v5, v3;
	_ =	sdelay $0x3  }
0x24b: {  	vm1 =	vgt.s32 v4, v2;
	vm2 =	veq.s32 v4, v2  }
0x24c: {  	vm0 =	vmand vm0, vm2  }
0x24d: {  	vm0 =	vmor vm1, vm0  }
0x24e: {  	v4 =	vsel vm0, $0x1, v0  }
0x24f: {  	[tilespmem:s15+$0xFFFFFFC0] =	vst v4  }
0x250: {  	v4 =	vld [tilespmem:s26+$0xFFFFFFC0]  }
0x251: {  	v5 =	vld [tilespmem:s28+$0xFFFFFFC0];
	_ =	sdelay $0x4  }
0x252: {  	s18 =	sadd.s32 $0xFFFFFF60, s17;
	v4 =	vsel vm0, v4, v5  }
0x253: {  	[tilespmem:s29+$0xFFFFFFC0] =	vst v4;
	v4 =	vor.u32 s18, v1  }
0x254: {  	v5 =	vld [tilespmem:s16+$0xFFFFFFD0];
	vm0 =	vle.s32 v4, v3;
	_ =	sdelay $0x4  }
0x255: {  	vm1 =	vgt.s32 v5, v2;
	vm2 =	veq.s32 v5, v2  }
0x256: {  	vm0 =	vmand vm0, vm2  }
0x257: {  	vm0 =	vmor vm1, vm0  }
0x258: {  	v4 =	vsel vm0, $0x1, v0  }
0x259: {  	[tilespmem:s15+$0xFFFFFFD0] =	vst v4  }
0x25a: {  	v4 =	vld [tilespmem:s26+$0xFFFFFFD0]  }
0x25b: {  	v5 =	vld [tilespmem:s28+$0xFFFFFFD0];
	_ =	sdelay $0x3  }
0x25c: {  	s18 =	sadd.s32 $0xFFFFFF70, s17  }
0x25d: {  	v4 =	vsel vm0, v4, v5;
	v5 =	vor.u32 s18, v1  }
0x25e: {  	[tilespmem:s29+$0xFFFFFFD0] =	vst v4;
	vm0 =	vle.s32 v5, v3  }
0x25f: {  	v4 =	vld [tilespmem:s16+$0xFFFFFFE0];
	_ =	sdelay $0x4  }
0x260: {  	vm1 =	vgt.s32 v4, v2;
	vm2 =	veq.s32 v4, v2  }
0x261: {  	vm0 =	vmand vm0, vm2  }
0x262: {  	vm0 =	vmor vm1, vm0  }
0x263: {  	v4 =	vsel vm0, $0x1, v0  }
0x264: {  	[tilespmem:s15+$0xFFFFFFE0] =	vst v4  }
0x265: {  	v4 =	vld [tilespmem:s26+$0xFFFFFFE0]  }
0x266: {  	v5 =	vld [tilespmem:s28+$0xFFFFFFE0];
	_ =	sdelay $0x2  }
0x267: {  	s18 =	sadd.s32 $0xFFFFFF80, s17  }
0x268: {  	v6 =	vor.u32 s18, v1  }
0x269: {  	v4 =	vsel vm0, v4, v5;
	vm0 =	vle.s32 v6, v3  }
0x26a: {  	[tilespmem:s29+$0xFFFFFFE0] =	vst v4  }
0x26b: {  	v4 =	vld [tilespmem:s16+$0xFFFFFFF0];
	_ =	sdelay $0x4  }
0x26c: {  	vm1 =	vgt.s32 v4, v2;
	vm2 =	veq.s32 v4, v2  }
0x26d: {  	vm0 =	vmand vm0, vm2  }
0x26e: {  	vm0 =	vmor vm1, vm0  }
0x26f: {  	v4 =	vsel vm0, $0x1, v0  }
0x270: {  	[tilespmem:s15+$0xFFFFFFF0] =	vst v4  }
0x271: {  	v4 =	vld [tilespmem:s26+$0xFFFFFFF0]  }
0x272: {  	v5 =	vld [tilespmem:s28+$0xFFFFFFF0];
	_ =	sdelay $0x1  }
0x273: {  	s18 =	sadd.s32 $0xFFFFFF90, s17  }
0x274: {  	v6 =	vor.u32 s18, v1  }
0x275: {  	vm1 =	vle.s32 v6, v3  }
0x276: {  	v4 =	vsel vm0, v4, v5  }
0x277: {  	[tilespmem:s29+$0xFFFFFFF0] =	vst v4  }
0x278: {  	v4 =	vld [tilespmem:s16+$0x0];
	_ =	sdelay $0x4  }
0x279: {  	vm0 =	vgt.s32 v4, v2;
	vm2 =	veq.s32 v4, v2  }
0x27a: {  	vm1 =	vmand vm1, vm2  }
0x27b: {  	vm0 =	vmor vm0, vm1  }
0x27c: {  	v4 =	vsel vm0, $0x1, v0  }
0x27d: {  	[tilespmem:s15+$0x0] =	vst v4  }
0x27e: {  	v4 =	vld [tilespmem:s26+$0x0]  }
0x27f: {  	v5 =	vld [tilespmem:s28+$0x0]  }
0x280: {  	s18 =	sadd.s32 $0xFFFFFFA0, s17  }
0x281: {  	v6 =	vor.u32 s18, v1  }
0x282: {  	vm1 =	vle.s32 v6, v3;
	_ =	sdelay $0x1  }
0x283: {  	v4 =	vsel vm0, v4, v5  }
0x284: {  	[tilespmem:s29+$0x0] =	vst v4  }
0x285: {  	v4 =	vld [tilespmem:s16+$0x10];
	_ =	sdelay $0x4  }
0x286: {  	vm0 =	vgt.s32 v4, v2;
	vm2 =	veq.s32 v4, v2  }
0x287: {  	vm1 =	vmand vm1, vm2  }
0x288: {  	vm0 =	vmor vm0, vm1  }
0x289: {  	v4 =	vsel vm0, $0x1, v0  }
0x28a: {  	[tilespmem:s15+$0x10] =	vst v4  }
0x28b: {  	v4 =	vld [tilespmem:s26+$0x10]  }
0x28c: {  	s18 =	sadd.s32 $0xFFFFFFB0, s17;
	v5 =	vld [tilespmem:s28+$0x10]  }
0x28d: {  	v6 =	vor.u32 s18, v1  }
0x28e: {  	vm1 =	vle.s32 v6, v3;
	_ =	sdelay $0x2  }
0x28f: {  	v4 =	vsel vm0, v4, v5  }
0x290: {  	[tilespmem:s29+$0x10] =	vst v4  }
0x291: {  	v4 =	vld [tilespmem:s16+$0x20];
	_ =	sdelay $0x4  }
0x292: {  	vm0 =	vgt.s32 v4, v2;
	vm2 =	veq.s32 v4, v2  }
0x293: {  	vm1 =	vmand vm1, vm2  }
0x294: {  	vm0 =	vmor vm0, vm1  }
0x295: {  	v4 =	vsel vm0, $0x1, v0  }
0x296: {  	[tilespmem:s15+$0x20] =	vst v4  }
0x297: {  	s18 =	sadd.s32 $0xFFFFFFC0, s17;
	v4 =	vld [tilespmem:s26+$0x20]  }
0x298: {  	v6 =	vor.u32 s18, v1;
	v5 =	vld [tilespmem:s28+$0x20]  }
0x299: {  	vm1 =	vle.s32 v6, v3;
	_ =	sdelay $0x3  }
0x29a: {  	v4 =	vsel vm0, v4, v5  }
0x29b: {  	[tilespmem:s29+$0x20] =	vst v4  }
0x29c: {  	v4 =	vld [tilespmem:s16+$0x30];
	_ =	sdelay $0x4  }
0x29d: {  	vm0 =	vgt.s32 v4, v2;
	vm2 =	veq.s32 v4, v2  }
0x29e: {  	vm1 =	vmand vm1, vm2  }
0x29f: {  	vm0 =	vmor vm0, vm1  }
0x2a0: {  	v4 =	vsel vm0, $0x1, v0  }
0x2a1: {  	s18 =	sadd.s32 $0xFFFFFFD0, s17;
	[tilespmem:s15+$0x30] =	vst v4  }
0x2a2: {  	v5 =	vor.u32 s18, v1;
	v4 =	vld [tilespmem:s26+$0x30]  }
0x2a3: {  	vm1 =	vle.s32 v5, v3;
	v6 =	vld [tilespmem:s28+$0x30];
	_ =	sdelay $0x4  }
0x2a4: {  	v4 =	vsel vm0, v4, v6  }
0x2a5: {  	[tilespmem:s29+$0x30] =	vst v4  }
0x2a6: {  	v4 =	vld [tilespmem:s16+$0x40];
	_ =	sdelay $0x4  }
0x2a7: {  	vm0 =	vgt.s32 v4, v2;
	vm2 =	veq.s32 v4, v2  }
0x2a8: {  	vm1 =	vmand vm1, vm2  }
0x2a9: {  	vm0 =	vmor vm0, vm1  }
0x2aa: {  	s18 =	sadd.s32 $0xFFFFFFE0, s17;
	v4 =	vsel vm0, $0x1, v0  }
0x2ab: {  	[tilespmem:s15+$0x40] =	vst v4;
	v4 =	vor.u32 s18, v1  }
0x2ac: {  	v5 =	vld [tilespmem:s26+$0x40];
	vm1 =	vle.s32 v4, v3  }
0x2ad: {  	v4 =	vld [tilespmem:s28+$0x40];
	_ =	sdelay $0x4  }
0x2ae: {  	v4 =	vsel vm0, v5, v4  }
0x2af: {  	[tilespmem:s29+$0x40] =	vst v4  }
0x2b0: {  	v4 =	vld [tilespmem:s16+$0x50];
	_ =	sdelay $0x4  }
0x2b1: {  	vm0 =	vgt.s32 v4, v2;
	vm2 =	veq.s32 v4, v2  }
0x2b2: {  	vm1 =	vmand vm1, vm2  }
0x2b3: {  	s18 =	sadd.s32 $0xFFFFFFF0, s17;
	vm0 =	vmor vm0, vm1  }
0x2b4: {  	v5 =	vor.u32 s18, v1;
	v4 =	vsel vm0, $0x1, v0  }
0x2b5: {  	vm1 =	vle.s32 v5, v3;
	[tilespmem:s15+$0x50] =	vst v4  }
0x2b6: {  	v4 =	vld [tilespmem:s26+$0x50]  }
0x2b7: {  	v5 =	vld [tilespmem:s28+$0x50];
	_ =	sdelay $0x4  }
0x2b8: {  	v4 =	vsel vm0, v4, v5  }
0x2b9: {  	[tilespmem:s29+$0x50] =	vst v4  }
0x2ba: {  	v4 =	vld [tilespmem:s16+$0x60];
	_ =	sdelay $0x4  }
0x2bb: {  	vm0 =	vgt.s32 v4, v2;
	vm2 =	veq.s32 v4, v2  }
0x2bc: {  	vm1 =	vmand vm1, vm2  }
0x2bd: {  	v4 =	vor.u32 s17, v1;
	vm1 =	vmor vm0, vm1  }
0x2be: {  	vm0 =	vle.s32 v4, v3;
	v5 =	vsel vm1, $0x1, v0  }
0x2bf: {  	[tilespmem:s15+$0x60] =	vst v5  }
0x2c0: {  	v4 =	vld [tilespmem:s26+$0x60]  }
0x2c1: {  	v5 =	vld [tilespmem:s28+$0x60];
	_ =	sdelay $0x2  }
.Ltmp7:
0x2c2: {  	(pc) =	sbr.rel @p0 .LBB2_15-.Ltmp7, $4  }
0x2c3: {  	_ = 	snop  }
0x2c4: {  	v4 =	vsel vm1, v4, v5  }
0x2c5: {  	[tilespmem:s29+$0x60] =	vst v4  }
0x2c6: {  	s15 =	sadd.s32 $0x100, s15;
	v4 =	vld [tilespmem:s16+$0x70];
	s16 =	sadd.s32 $0x100, s16  }
0x2c7: {  	_ =	sdelay $0x3  }
0x2c8: {  	vm1 =	veq.s32 v4, v2  }
0x2c9: {  	vm2 =	vgt.s32 v4, v2;
	vm0 =	vmand vm0, vm1  }
0x2ca: {  	vm0 =	vmor vm2, vm0  }
0x2cb: {  	v2 =	vsel vm0, $0x1, v0  }
0x2cc: {  	[tilespmem:s25+$0x70] =	vst v2  }
0x2cd: {  	v2 =	vld [tilespmem:s0+$0x70]  }
0x2ce: {  	v3 =	vld [tilespmem:s1+$0x70];
	_ =	sdelay $0x4  }
0x2cf: {  	v2 =	vsel vm0, v2, v3  }
0x2d0: {  	[tilespmem:s30+$0x70] =	vst v2  }
0x2d1: {  	[hbm4b:s9+s12] =	stream.strided.scatter [tilespmem:s22], [sflag:$0x1], $0x1000, s13, s12, $0x38;
	[tilespmem:$0x6000] =	vst v63  }
0x2d2: {  	s24 =	sadd.s32 $0x1, s24  }
0x2d3: {  	[hbm4b:s10+s12] =	stream.strided.scatter [tilespmem:s23], [sflag:$0x1], $0x1000, s13, s12, $0x38;
	[tilespmem:$0x6000] =	vst v63  }
0x2d4: {  	p0 =	sne.s32 s24, s11;
	_ =	swait.ge [sflag:s19], $0x1000  }
.Ltmp8:
0x2d5: {  	[sflag:s19] =	ssyncset.done $0x0;
	(pc) =	sbr.rel @p0 .LBB2_1-.Ltmp8, $4  }
0x2d6: {  	[sflag:s19] =	ssyncadd.s32 $0xFFFFF000  }
0x2d7: {  	_ =	swait.ge [sflag:s19], $0x1000  }
0x2d8: {  	[sflag:s19] =	ssyncset.done $0x0  }
0x2d9: {  	[sflag:s19] =	ssyncadd.s32 $0xFFFFF000  }
0x2da: {  	_ =	sfence.sel $0x180000  }
0x2db: {  	[bflag:$0x0] =	sbarrier.arrive $0xFFFF  }
0x2dc: {  	_ =	strace $0x90000047  }
0x2dd: {  	s0 =	stileid.u32;
	[bflag:$0x2] =	sbarrier.arrive $0xFFFF  }
0x2de: {  	p0 =	sne.s32 s0, $0x0;
	s0 =	rddreg [dreg:$0x3]  }
0x2df: {  	s0 =	sadd.s32 @!p0 $0x100000, s0  }
0x2e0: {  	[sflag:s0] =	ssyncadd.tile.s32 @!p0 $0x1;
	_ =	shalt  }
.Lfunc_end2:
_tile_overlayer_lowered:
.L_overlay_start_2:
0x2e1: {  	(tag) =	ssettag $0x2  }
0x2e2: {  	s0 =	rddreg [dreg:$0x0];
	s2 =	stileid.u32  }
0x2e3: {  	s1 =	rddreg [dreg:$0x1];
	p0 =	sne.s32 s2, $0x0  }
0x2e4: {  	s3 =	rddreg [dreg:$0x2];
	[bflag:$0x3] =	sbarrier.arrive $0xFFFF;
	s2 =	simm.s32 @!p0 $0x1C03  }
0x2e5: {  	[timem:s3], [sflag:s2] =	dma.local @!p0 [hbm:s0], s1  }
0x2e6: {  	s0 =	simm.s32 @!p0 $0x3  }
0x2e7: {  	_ =	swait.ge @!p0 [sflag:s0], s1  }
0x2e8: {  	s1 =	ssub.s32 @!p0 $0x0, s1;
	[sflag:s0] =	ssyncset.done @!p0 $0x0  }
0x2e9: {  	[sflag:s0] =	ssyncadd.s32 @!p0 s1  }
0x2ea: {  	[bflag:$0x3] =	sbarrier.arrive $0xFFFF  }
0x2eb: {  	_ =	shalt  }

</sc_bundles>
